<compile_context>
chip_gen: v7x
topology: tpu7x:2x2x1
jax: 0.10.2.dev20260603
libtpu: 0.0.44.dev20260713+nightly
codegen_flags: <defaults>
</compile_context>

<pallas_src>
import jax
import jax.numpy as jnp
from jax import lax
from jax.experimental import pallas as pl
from jax.experimental.pallas import tpu as pltpu
from jax.experimental.pallas import tpu_sc as plsc

_ATOM_WEIGHTS = [1.008, 12.011, 14.007, 15.999, 18.998, 30.974, 32.06,
                 35.453, 79.904, 126.904, 10.811, 28.086, 78.971, 22.99,
                 39.098, 6.941]
_MAX_WEIGHT = 126.904
_WNORM = [w / _MAX_WEIGHT for w in _ATOM_WEIGHTS]

_B = 16384
_A = 200
_C = 16
_NW = 32
_B_SC = 8192
_B_TC = _B - _B_SC
_MOLS_PER_W = _B_SC // _NW
_KA = 4
_NCH = _A // _KA
_NG = _MOLS_PER_W // _C
_TC_BM = 1024


def _argmax_weight(vals, weights):
  items = list(zip(vals, weights))
  while len(items) > 1:
    nxt = []
    for i in range(0, len(items), 2):
      v1, w1 = items[i]
      v2, w2 = items[i + 1]
      gt = v2 > v1
      nxt.append((jnp.where(gt, v2, v1), jnp.where(gt, w2, w1)))
    items = nxt
  return items[0][1]


def _tec_body(y_hbm, out_hbm, buf0, buf1, acc_v, sem0, sem1):
  wid = lax.axis_index("s") * 2 + lax.axis_index("c")
  mol0 = wid * _MOLS_PER_W

  zero = jnp.zeros((16,), jnp.float32)
  wsplats = [jnp.full((16,), w, jnp.float32) for w in _WNORM]
  bufs = (buf0, buf1)
  sems = (sem0, sem1)

  def src(ci):
    return y_hbm.at[pl.ds(ci * _KA, _KA), :, pl.ds(mol0, _MOLS_PER_W)]

  def init_body(g, carry):
    acc_v[pl.ds(g * _C, _C)] = zero
    return carry

  lax.fori_loop(0, _NG, init_body, 0)

  def compute(buf):
    def group_body(g, c2):
      m0 = g * _C
      acc = acc_v[pl.ds(m0, _C)]
      for ai in range(_KA):
        vals = [buf[ai, c, pl.ds(m0, _C)] for c in range(_C)]
        acc = acc + _argmax_weight(vals, wsplats)
      acc_v[pl.ds(m0, _C)] = acc
      return c2

    lax.fori_loop(0, _NG, group_body, 0)

  pltpu.async_copy(src(0), buf0, sem0)

  def pair_body(c2, carry):
    ci = 2 * c2
    for b in range(2):
      pltpu.make_async_copy(src(ci + b), bufs[b], sems[b]).wait()
      nxt = ci + b + 1

      @pl.when(nxt < _NCH)
      def _():
        pltpu.async_copy(src(nxt), bufs[1 - b], sems[1 - b])

      compute(bufs[b])
    return carry

  lax.fori_loop(0, _NCH // 2, pair_body, 0)

  pltpu.sync_copy(acc_v, out_hbm.at[pl.ds(mol0, _MOLS_PER_W)])


def _tc_kernel_body(x_ref, o_ref):
  w_lo = jnp.concatenate(
      [jnp.full((1, 128), w, jnp.float32) for w in _WNORM[:8]], axis=0)
  w_hi = jnp.concatenate(
      [jnp.full((1, 128), w, jnp.float32) for w in _WNORM[8:]], axis=0)
  row0 = lax.broadcasted_iota(jnp.int32, (8, 128), 0) == 0
  zero = jnp.zeros((8, 128), jnp.float32)

  def reduce_rows(v, w):
    for s in (1, 2, 4):
      vs = pltpu.roll(v, 8 - s, 0)
      ws = pltpu.roll(w, 8 - s, 0)
      gt = vs > v
      v = jnp.where(gt, vs, v)
      w = jnp.where(gt, ws, w)
    return v, w

  ncb = _TC_BM // 128

  def atom_body(a, accs):
    out = []
    for cb in range(ncb):
      v0 = x_ref[a, pl.ds(0, 8), pl.ds(cb * 128, 128)]
      v1 = x_ref[a, pl.ds(8, 8), pl.ds(cb * 128, 128)]
      gt = v1 > v0
      v = jnp.where(gt, v1, v0)
      w = jnp.where(gt, w_hi, w_lo)
      v, w = reduce_rows(v, w)
      out.append(accs[cb] + jnp.where(row0, w, zero))
    return tuple(out)

  accs = lax.fori_loop(0, _A, atom_body, (zero,) * ncb)
  for cb in range(ncb):
    o_ref[pl.ds(cb, 1), :] = accs[cb][0:1, :]


_mesh = plsc.VectorSubcoreMesh(core_axis_name="c", subcore_axis_name="s")


@jax.jit
def _weight_feature(x):
  y = jnp.transpose(x, (1, 2, 0))
  out_sc = pl.kernel(
      _tec_body,
      out_type=jax.ShapeDtypeStruct((_B_SC,), jnp.float32),
      mesh=_mesh,
      scratch_types=[
          pltpu.VMEM((_KA, _C, _MOLS_PER_W), jnp.float32),
          pltpu.VMEM((_KA, _C, _MOLS_PER_W), jnp.float32),
          pltpu.VMEM((_MOLS_PER_W,), jnp.float32),
          pltpu.SemaphoreType.DMA,
          pltpu.SemaphoreType.DMA,
      ],
      compiler_params=pltpu.CompilerParams(
          needs_layout_passes=False, use_tc_tiling_on_sc=True),
  )(y)
  out_tc = pl.pallas_call(
      _tc_kernel_body,
      grid=(_B_TC // _TC_BM,),
      in_specs=[pl.BlockSpec((_A, _C, _TC_BM),
                             lambda g: (0, 0, _B_SC // _TC_BM + g))],
      out_specs=pl.BlockSpec((_TC_BM // 128, 128), lambda g: (g, 0)),
      out_shape=jax.ShapeDtypeStruct((_B_TC // 128, 128), jnp.float32),
      compiler_params=pltpu.CompilerParams(
          dimension_semantics=("arbitrary",)),
  )(y)
  return jnp.concatenate([out_sc, out_tc.reshape(_B_TC)])


def kernel(X):
  return _weight_feature(X).reshape(_B, 1)

# --- scband reference (transcript-rebuilt; emitter-appended) ---
"""Pipeline reference for scband-weight-feature-65171833749774 (READ-ONLY COPY).

The authoritative reference and input builder live on the scoring server;
editing this copy changes nothing except your own understanding.
"""

import jax, jax.numpy as jnp
import numpy as np

ATOM_WEIGHTS = jnp.asarray([1.008, 12.011, 14.007, 15.999, 18.998, 30.974, 32.06, 35.453, 79.904, 126.904, 10.811, 28.086, 78.971, 22.99, 39.098, 6.941], dtype=jnp.float32)
MAX_WEIGHT = 126.904


def setup_inputs(seed: int = 0) -> dict:
    key = jax.random.key(seed)
    X = jax.random.normal(key, (16384, 200, 16), dtype=jnp.float32)
    return {"X": X}


def reference(X):
    # argmax over one-hot atom-type dim -> integer atom ids
    X_ = jnp.argmax(X, axis=-1)
    # gather atomic weights from the constant table
    X_weights = jnp.take(ATOM_WEIGHTS, X_, axis=0)
    # sum over atoms, normalize by max weight
    out = jnp.sum(X_weights, axis=-1)[..., None].astype(X.dtype) / MAX_WEIGHT
    return out

if __name__ == "__main__":
    import jax
    _d = setup_inputs()
    print(jax.jit(kernel)(*tuple(_d.values())))

</pallas_src>

<mosaic_0001>
#map = affine_map<(d0, d1) -> (0, 0, 0)>
#map1 = affine_map<(d0, d1) -> (0)>
module attributes {stable_mosaic.version = 14 : i64} {
  func.func @_tec_body(%arg0: i32, %arg1: i32, %arg2: memref<200x16x16384xf32, #tpu.memory_space<hbm>>, %arg3: memref<8192xf32, #tpu.memory_space<hbm>>, %arg4: memref<4x16x256xf32, #tpu.memory_space<vmem>>, %arg5: memref<4x16x256xf32, #tpu.memory_space<vmem>>, %arg6: memref<256xf32, #tpu.memory_space<vmem>>, %arg7: memref<!tpu.dma_semaphore, #tpu.memory_space<semaphore_mem>>, %arg8: memref<!tpu.dma_semaphore, #tpu.memory_space<semaphore_mem>>) attributes {dimension_semantics = [#tpu.dimension_semantics<core_parallel>, #tpu.dimension_semantics<subcore_parallel>], iteration_bounds = array<i64: 2, 16>, scalar_prefetch = 0 : i64, scratch_operands = 5 : i64, tpu.core_type = #tpu.core_type<sc_vector_subcore>, window_params = [{transform_indices = #map}, {transform_indices = #map1}]} {
    %mul3A = arith.constant 2 : i32
    %mul3A_0 = arith.muli %arg1, %mul3A : i32
    %add3A = arith.addi %mul3A_0, %arg0 : i32
    %mul3A_1 = arith.constant 256 : i32
    %mul3A_2 = arith.muli %add3A, %mul3A_1 : i32
    %broadcast_in_dim3A = arith.constant 0.000000e+00 : f32
    %broadcast_in_dim3A_3 = vector.broadcast %broadcast_in_dim3A : f32 to vector<16xf32>
    %broadcast_in_dim3A_4 = arith.constant 0.00794301182 : f32
    %broadcast_in_dim3A_5 = vector.broadcast %broadcast_in_dim3A_4 : f32 to vector<16xf32>
    %broadcast_in_dim3A_6 = arith.constant 0.0946463495 : f32
    %broadcast_in_dim3A_7 = vector.broadcast %broadcast_in_dim3A_6 : f32 to vector<16xf32>
    %broadcast_in_dim3A_8 = arith.constant 0.110374771 : f32
    %broadcast_in_dim3A_9 = vector.broadcast %broadcast_in_dim3A_8 : f32 to vector<16xf32>
    %broadcast_in_dim3A_10 = arith.constant 0.126071677 : f32
    %broadcast_in_dim3A_11 = vector.broadcast %broadcast_in_dim3A_10 : f32 to vector<16xf32>
    %broadcast_in_dim3A_12 = arith.constant 0.149703711 : f32
    %broadcast_in_dim3A_13 = vector.broadcast %broadcast_in_dim3A_12 : f32 to vector<16xf32>
    %broadcast_in_dim3A_14 = arith.constant 0.244074255 : f32
    %broadcast_in_dim3A_15 = vector.broadcast %broadcast_in_dim3A_14 : f32 to vector<16xf32>
    %broadcast_in_dim3A_16 = arith.constant 0.252631903 : f32
    %broadcast_in_dim3A_17 = vector.broadcast %broadcast_in_dim3A_16 : f32 to vector<16xf32>
    %broadcast_in_dim3A_18 = arith.constant 0.279368669 : f32
    %broadcast_in_dim3A_19 = vector.broadcast %broadcast_in_dim3A_18 : f32 to vector<16xf32>
    %broadcast_in_dim3A_20 = arith.constant 0.629641294 : f32
    %broadcast_in_dim3A_21 = vector.broadcast %broadcast_in_dim3A_20 : f32 to vector<16xf32>
    %broadcast_in_dim3A_22 = arith.constant 1.000000e+00 : f32
    %broadcast_in_dim3A_23 = vector.broadcast %broadcast_in_dim3A_22 : f32 to vector<16xf32>
    %broadcast_in_dim3A_24 = arith.constant 0.0851903781 : f32
    %broadcast_in_dim3A_25 = vector.broadcast %broadcast_in_dim3A_24 : f32 to vector<16xf32>
    %broadcast_in_dim3A_26 = arith.constant 0.221316904 : f32
    %broadcast_in_dim3A_27 = vector.broadcast %broadcast_in_dim3A_26 : f32 to vector<16xf32>
    %broadcast_in_dim3A_28 = arith.constant 0.6222893 : f32
    %broadcast_in_dim3A_29 = vector.broadcast %broadcast_in_dim3A_28 : f32 to vector<16xf32>
    %broadcast_in_dim3A_30 = arith.constant 0.181160569 : f32
    %broadcast_in_dim3A_31 = vector.broadcast %broadcast_in_dim3A_30 : f32 to vector<16xf32>
    %broadcast_in_dim3A_32 = arith.constant 0.308091164 : f32
    %broadcast_in_dim3A_33 = vector.broadcast %broadcast_in_dim3A_32 : f32 to vector<16xf32>
    %broadcast_in_dim3A_34 = arith.constant 0.0546948873 : f32
    %broadcast_in_dim3A_35 = vector.broadcast %broadcast_in_dim3A_34 : f32 to vector<16xf32>
    %scan3A = arith.constant 0 : i32
    %scan3A_36 = arith.constant 0 : i32
    %scan3A_37 = arith.constant 16 : i32
    %scan3A_38 = arith.addi %scan3A_36, %scan3A_37 : i32
    %scan3A_39 = arith.constant 1 : i32
    scf.for %scan3A_52 = %scan3A_36 to %scan3A_38 step %scan3A_39  : i32 {
      %mul3A_53 = arith.constant 16 : i32
      %mul3A_54 = arith.muli %scan3A_52, %mul3A_53 : i32
      %swap3A = arith.index_cast %mul3A_54 : i32 to index
      %swap3A_55 = tpu.vector_load %arg6[%swap3A] {strides = array<i32>} : memref<256xf32, #tpu.memory_space<vmem>>, vector<16xf32>,
      tpu.vector_store %arg6[%swap3A], %broadcast_in_dim3A_3 {strides = array<i32>} : memref<256xf32, #tpu.memory_space<vmem>>, vector<16xf32>,
    }
    %scan3A_40 = arith.constant 16 : i32
    %dma_start3A = arith.constant 0 : i32
    %dma_start3A_41 = arith.constant 0 : i32
    %dma_start3A_42 = tpu.memref_slice %arg2[%dma_start3A, %dma_start3A_41, %mul3A_2] : memref<200x16x16384xf32, #tpu.memory_space<hbm>> -> memref<4x16x256xf32, #tpu.memory_space<hbm>>
    %dma_start3A_43 = arith.constant 0 : i32
    %dma_start3A_44 = arith.constant 0 : i32
    %dma_start3A_45 = tpu.memref_slice %arg2[%dma_start3A_43, %dma_start3A_44, %mul3A_2] : memref<200x16x16384xf32, #tpu.memory_space<hbm>> -> memref<4x16x256xf32, #tpu.memory_space<hbm>>
    tpu.enqueue_dma source(%dma_start3A_45 : memref<4x16x256xf32, #tpu.memory_space<hbm>>) target(%arg4 : memref<4x16x256xf32, #tpu.memory_space<vmem>>) target_semaphore(%arg7 : memref<!tpu.dma_semaphore, #tpu.memory_space<semaphore_mem>>)
    %scan3A_46 = arith.constant 0 : i32
    %scan3A_47 = arith.constant 0 : i32
    %scan3A_48 = arith.constant 25 : i32
    %scan3A_49 = arith.addi %scan3A_47, %scan3A_48 : i32
    %scan3A_50 = arith.constant 1 : i32
    scf.for %scan3A_52 = %scan3A_47 to %scan3A_49 step %scan3A_50  : i32 {
      %mul3A_53 = arith.constant 2 : i32
      %mul3A_54 = arith.muli %mul3A_53, %scan3A_52 : i32
      %add3A_55 = arith.constant 0 : i32
      %add3A_56 = arith.addi %mul3A_54, %add3A_55 : i32
      %mul3A_57 = arith.constant 4 : i32
      %mul3A_58 = arith.muli %add3A_56, %mul3A_57 : i32
      %dma_wait3A = arith.constant 0 : i32
      %dma_wait3A_59 = tpu.memref_slice %arg2[%mul3A_58, %dma_wait3A, %mul3A_2] : memref<200x16x16384xf32, #tpu.memory_space<hbm>> -> memref<4x16x256xf32, #tpu.memory_space<hbm>>
      %dma_wait3A_60 = arith.constant 0 : i32
      %dma_wait3A_61 = tpu.memref_slice %arg2[%mul3A_58, %dma_wait3A_60, %mul3A_2] : memref<200x16x16384xf32, #tpu.memory_space<hbm>> -> memref<4x16x256xf32, #tpu.memory_space<hbm>>
      tpu.wait_dma2 semaphore(%arg7 : memref<!tpu.dma_semaphore, #tpu.memory_space<semaphore_mem>>) src(%dma_wait3A_61 : memref<4x16x256xf32, #tpu.memory_space<hbm>>) dst(%arg4 : memref<4x16x256xf32, #tpu.memory_space<vmem>>)
      %add3A_62 = arith.constant 0 : i32
      %add3A_63 = arith.addi %mul3A_54, %add3A_62 : i32
      %add3A_64 = arith.constant 1 : i32
      %add3A_65 = arith.addi %add3A_63, %add3A_64 : i32
      %lt3A = arith.constant 50 : i32
      %lt3A_66 = arith.cmpi slt, %add3A_65, %lt3A : i32
      %convert_element_type3A = arith.extui %lt3A_66 : i1 to i32
      %cond3A = arith.constant 0 : i32
      %cond3A_67 = arith.cmpi ne, %convert_element_type3A, %cond3A : i32
      scf.if %cond3A_67 {
        %mul3A_97 = arith.constant 4 : i32
        %mul3A_98 = arith.muli %add3A_65, %mul3A_97 : i32
        %dma_start3A_99 = arith.constant 0 : i32
        %dma_start3A_100 = tpu.memref_slice %arg2[%mul3A_98, %dma_start3A_99, %mul3A_2] : memref<200x16x16384xf32, #tpu.memory_space<hbm>> -> memref<4x16x256xf32, #tpu.memory_space<hbm>>
        %dma_start3A_101 = arith.constant 0 : i32
        %dma_start3A_102 = tpu.memref_slice %arg2[%mul3A_98, %dma_start3A_101, %mul3A_2] : memref<200x16x16384xf32, #tpu.memory_space<hbm>> -> memref<4x16x256xf32, #tpu.memory_space<hbm>>
        tpu.enqueue_dma source(%dma_start3A_102 : memref<4x16x256xf32, #tpu.memory_space<hbm>>) target(%arg5 : memref<4x16x256xf32, #tpu.memory_space<vmem>>) target_semaphore(%arg8 : memref<!tpu.dma_semaphore, #tpu.memory_space<semaphore_mem>>)
      } else {
      }
      %scan3A_68 = arith.constant 0 : i32
      %scan3A_69 = arith.constant 0 : i32
      %scan3A_70 = arith.constant 16 : i32
      %scan3A_71 = arith.addi %scan3A_69, %scan3A_70 : i32
      %scan3A_72 = arith.constant 1 : i32
      scf.for %scan3A_97 = %scan3A_69 to %scan3A_71 step %scan3A_72  : i32 {
        %mul3A_98 = arith.constant 16 : i32
        %mul3A_99 = arith.muli %scan3A_97, %mul3A_98 : i32
        %get3A = arith.index_cast %mul3A_99 : i32 to index
        %get3A_100 = tpu.vector_load %arg6[%get3A] {strides = array<i32>} : memref<256xf32, #tpu.memory_space<vmem>>, vector<16xf32>,
        %get3A_101 = arith.constant 0 : i32
        %get3A_102 = arith.constant 0 : i32
        %get3A_103 = arith.index_cast %get3A_101 : i32 to index
        %get3A_104 = arith.index_cast %get3A_102 : i32 to index
        %get3A_105 = arith.index_cast %mul3A_99 : i32 to index
        %get3A_106 = tpu.vector_load %arg4[%get3A_103, %get3A_104, %get3A_105] {strides = array<i32>} : memref<4x16x256xf32, #tpu.memory_space<vmem>>, vector<16xf32>,
        %get3A_107 = arith.constant 0 : i32
        %get3A_108 = arith.constant 1 : i32
        %get3A_109 = arith.index_cast %get3A_107 : i32 to index
        %get3A_110 = arith.index_cast %get3A_108 : i32 to index
        %get3A_111 = arith.index_cast %mul3A_99 : i32 to index
        %get3A_112 = tpu.vector_load %arg4[%get3A_109, %get3A_110, %get3A_111] {strides = array<i32>} : memref<4x16x256xf32, #tpu.memory_space<vmem>>, vector<16xf32>,
        %get3A_113 = arith.constant 0 : i32
        %get3A_114 = arith.constant 2 : i32
        %get3A_115 = arith.index_cast %get3A_113 : i32 to index
        %get3A_116 = arith.index_cast %get3A_114 : i32 to index
        %get3A_117 = arith.index_cast %mul3A_99 : i32 to index
        %get3A_118 = tpu.vector_load %arg4[%get3A_115, %get3A_116, %get3A_117] {strides = array<i32>} : memref<4x16x256xf32, #tpu.memory_space<vmem>>, vector<16xf32>,
        %get3A_119 = arith.constant 0 : i32
        %get3A_120 = arith.constant 3 : i32
        %get3A_121 = arith.index_cast %get3A_119 : i32 to index
        %get3A_122 = arith.index_cast %get3A_120 : i32 to index
        %get3A_123 = arith.index_cast %mul3A_99 : i32 to index
        %get3A_124 = tpu.vector_load %arg4[%get3A_121, %get3A_122, %get3A_123] {strides = array<i32>} : memref<4x16x256xf32, #tpu.memory_space<vmem>>, vector<16xf32>,
        %get3A_125 = arith.constant 0 : i32
        %get3A_126 = arith.constant 4 : i32
        %get3A_127 = arith.index_cast %get3A_125 : i32 to index
        %get3A_128 = arith.index_cast %get3A_126 : i32 to index
        %get3A_129 = arith.index_cast %mul3A_99 : i32 to index
        %get3A_130 = tpu.vector_load %arg4[%get3A_127, %get3A_128, %get3A_129] {strides = array<i32>} : memref<4x16x256xf32, #tpu.memory_space<vmem>>, vector<16xf32>,
        %get3A_131 = arith.constant 0 : i32
        %get3A_132 = arith.constant 5 : i32
        %get3A_133 = arith.index_cast %get3A_131 : i32 to index
        %get3A_134 = arith.index_cast %get3A_132 : i32 to index
        %get3A_135 = arith.index_cast %mul3A_99 : i32 to index
        %get3A_136 = tpu.vector_load %arg4[%get3A_133, %get3A_134, %get3A_135] {strides = array<i32>} : memref<4x16x256xf32, #tpu.memory_space<vmem>>, vector<16xf32>,
        %get3A_137 = arith.constant 0 : i32
        %get3A_138 = arith.constant 6 : i32
        %get3A_139 = arith.index_cast %get3A_137 : i32 to index
        %get3A_140 = arith.index_cast %get3A_138 : i32 to index
        %get3A_141 = arith.index_cast %mul3A_99 : i32 to index
        %get3A_142 = tpu.vector_load %arg4[%get3A_139, %get3A_140, %get3A_141] {strides = array<i32>} : memref<4x16x256xf32, #tpu.memory_space<vmem>>, vector<16xf32>,
        %get3A_143 = arith.constant 0 : i32
        %get3A_144 = arith.constant 7 : i32
        %get3A_145 = arith.index_cast %get3A_143 : i32 to index
        %get3A_146 = arith.index_cast %get3A_144 : i32 to index
        %get3A_147 = arith.index_cast %mul3A_99 : i32 to index
        %get3A_148 = tpu.vector_load %arg4[%get3A_145, %get3A_146, %get3A_147] {strides = array<i32>} : memref<4x16x256xf32, #tpu.memory_space<vmem>>, vector<16xf32>,
        %get3A_149 = arith.constant 0 : i32
        %get3A_150 = arith.constant 8 : i32
        %get3A_151 = arith.index_cast %get3A_149 : i32 to index
        %get3A_152 = arith.index_cast %get3A_150 : i32 to index
        %get3A_153 = arith.index_cast %mul3A_99 : i32 to index
        %get3A_154 = tpu.vector_load %arg4[%get3A_151, %get3A_152, %get3A_153] {strides = array<i32>} : memref<4x16x256xf32, #tpu.memory_space<vmem>>, vector<16xf32>,
        %get3A_155 = arith.constant 0 : i32
        %get3A_156 = arith.constant 9 : i32
        %get3A_157 = arith.index_cast %get3A_155 : i32 to index
        %get3A_158 = arith.index_cast %get3A_156 : i32 to index
        %get3A_159 = arith.index_cast %mul3A_99 : i32 to index
        %get3A_160 = tpu.vector_load %arg4[%get3A_157, %get3A_158, %get3A_159] {strides = array<i32>} : memref<4x16x256xf32, #tpu.memory_space<vmem>>, vector<16xf32>,
        %get3A_161 = arith.constant 0 : i32
        %get3A_162 = arith.constant 10 : i32
        %get3A_163 = arith.index_cast %get3A_161 : i32 to index
        %get3A_164 = arith.index_cast %get3A_162 : i32 to index
        %get3A_165 = arith.index_cast %mul3A_99 : i32 to index
        %get3A_166 = tpu.vector_load %arg4[%get3A_163, %get3A_164, %get3A_165] {strides = array<i32>} : memref<4x16x256xf32, #tpu.memory_space<vmem>>, vector<16xf32>,
        %get3A_167 = arith.constant 0 : i32
        %get3A_168 = arith.constant 11 : i32
        %get3A_169 = arith.index_cast %get3A_167 : i32 to index
        %get3A_170 = arith.index_cast %get3A_168 : i32 to index
        %get3A_171 = arith.index_cast %mul3A_99 : i32 to index
        %get3A_172 = tpu.vector_load %arg4[%get3A_169, %get3A_170, %get3A_171] {strides = array<i32>} : memref<4x16x256xf32, #tpu.memory_space<vmem>>, vector<16xf32>,
        %get3A_173 = arith.constant 0 : i32
        %get3A_174 = arith.constant 12 : i32
        %get3A_175 = arith.index_cast %get3A_173 : i32 to index
        %get3A_176 = arith.index_cast %get3A_174 : i32 to index
        %get3A_177 = arith.index_cast %mul3A_99 : i32 to index
        %get3A_178 = tpu.vector_load %arg4[%get3A_175, %get3A_176, %get3A_177] {strides = array<i32>} : memref<4x16x256xf32, #tpu.memory_space<vmem>>, vector<16xf32>,
        %get3A_179 = arith.constant 0 : i32
        %get3A_180 = arith.constant 13 : i32
        %get3A_181 = arith.index_cast %get3A_179 : i32 to index
        %get3A_182 = arith.index_cast %get3A_180 : i32 to index
        %get3A_183 = arith.index_cast %mul3A_99 : i32 to index
        %get3A_184 = tpu.vector_load %arg4[%get3A_181, %get3A_182, %get3A_183] {strides = array<i32>} : memref<4x16x256xf32, #tpu.memory_space<vmem>>, vector<16xf32>,
        %get3A_185 = arith.constant 0 : i32
        %get3A_186 = arith.constant 14 : i32
        %get3A_187 = arith.index_cast %get3A_185 : i32 to index
        %get3A_188 = arith.index_cast %get3A_186 : i32 to index
        %get3A_189 = arith.index_cast %mul3A_99 : i32 to index
        %get3A_190 = tpu.vector_load %arg4[%get3A_187, %get3A_188, %get3A_189] {strides = array<i32>} : memref<4x16x256xf32, #tpu.memory_space<vmem>>, vector<16xf32>,
        %get3A_191 = arith.constant 0 : i32
        %get3A_192 = arith.constant 15 : i32
        %get3A_193 = arith.index_cast %get3A_191 : i32 to index
        %get3A_194 = arith.index_cast %get3A_192 : i32 to index
        %get3A_195 = arith.index_cast %mul3A_99 : i32 to index
        %get3A_196 = tpu.vector_load %arg4[%get3A_193, %get3A_194, %get3A_195] {strides = array<i32>} : memref<4x16x256xf32, #tpu.memory_space<vmem>>, vector<16xf32>,
        %gt3A = arith.cmpf ogt, %get3A_112, %get3A_106 : vector<16xf32>
        %select_n3A = arith.select %gt3A, %get3A_112, %get3A_106 : vector<16xi1>, vector<16xf32>
        %select_n3A_197 = arith.select %gt3A, %broadcast_in_dim3A_7, %broadcast_in_dim3A_5 : vector<16xi1>, vector<16xf32>
        %gt3A_198 = arith.cmpf ogt, %get3A_124, %get3A_118 : vector<16xf32>
        %select_n3A_199 = arith.select %gt3A_198, %get3A_124, %get3A_118 : vector<16xi1>, vector<16xf32>
        %select_n3A_200 = arith.select %gt3A_198, %broadcast_in_dim3A_11, %broadcast_in_dim3A_9 : vector<16xi1>, vector<16xf32>
        %gt3A_201 = arith.cmpf ogt, %get3A_136, %get3A_130 : vector<16xf32>
        %select_n3A_202 = arith.select %gt3A_201, %get3A_136, %get3A_130 : vector<16xi1>, vector<16xf32>
        %select_n3A_203 = arith.select %gt3A_201, %broadcast_in_dim3A_15, %broadcast_in_dim3A_13 : vector<16xi1>, vector<16xf32>
        %gt3A_204 = arith.cmpf ogt, %get3A_148, %get3A_142 : vector<16xf32>
        %select_n3A_205 = arith.select %gt3A_204, %get3A_148, %get3A_142 : vector<16xi1>, vector<16xf32>
        %select_n3A_206 = arith.select %gt3A_204, %broadcast_in_dim3A_19, %broadcast_in_dim3A_17 : vector<16xi1>, vector<16xf32>
        %gt3A_207 = arith.cmpf ogt, %get3A_160, %get3A_154 : vector<16xf32>
        %select_n3A_208 = arith.select %gt3A_207, %get3A_160, %get3A_154 : vector<16xi1>, vector<16xf32>
        %select_n3A_209 = arith.select %gt3A_207, %broadcast_in_dim3A_23, %broadcast_in_dim3A_21 : vector<16xi1>, vector<16xf32>
        %gt3A_210 = arith.cmpf ogt, %get3A_172, %get3A_166 : vector<16xf32>
        %select_n3A_211 = arith.select %gt3A_210, %get3A_172, %get3A_166 : vector<16xi1>, vector<16xf32>
        %select_n3A_212 = arith.select %gt3A_210, %broadcast_in_dim3A_27, %broadcast_in_dim3A_25 : vector<16xi1>, vector<16xf32>
        %gt3A_213 = arith.cmpf ogt, %get3A_184, %get3A_178 : vector<16xf32>
        %select_n3A_214 = arith.select %gt3A_213, %get3A_184, %get3A_178 : vector<16xi1>, vector<16xf32>
        %select_n3A_215 = arith.select %gt3A_213, %broadcast_in_dim3A_31, %broadcast_in_dim3A_29 : vector<16xi1>, vector<16xf32>
        %gt3A_216 = arith.cmpf ogt, %get3A_196, %get3A_190 : vector<16xf32>
        %select_n3A_217 = arith.select %gt3A_216, %get3A_196, %get3A_190 : vector<16xi1>, vector<16xf32>
        %select_n3A_218 = arith.select %gt3A_216, %broadcast_in_dim3A_35, %broadcast_in_dim3A_33 : vector<16xi1>, vector<16xf32>
        %gt3A_219 = arith.cmpf ogt, %select_n3A_199, %select_n3A : vector<16xf32>
        %select_n3A_220 = arith.select %gt3A_219, %select_n3A_199, %select_n3A : vector<16xi1>, vector<16xf32>
        %select_n3A_221 = arith.select %gt3A_219, %select_n3A_200, %select_n3A_197 : vector<16xi1>, vector<16xf32>
        %gt3A_222 = arith.cmpf ogt, %select_n3A_205, %select_n3A_202 : vector<16xf32>
        %select_n3A_223 = arith.select %gt3A_222, %select_n3A_205, %select_n3A_202 : vector<16xi1>, vector<16xf32>
        %select_n3A_224 = arith.select %gt3A_222, %select_n3A_206, %select_n3A_203 : vector<16xi1>, vector<16xf32>
        %gt3A_225 = arith.cmpf ogt, %select_n3A_211, %select_n3A_208 : vector<16xf32>
        %select_n3A_226 = arith.select %gt3A_225, %select_n3A_211, %select_n3A_208 : vector<16xi1>, vector<16xf32>
        %select_n3A_227 = arith.select %gt3A_225, %select_n3A_212, %select_n3A_209 : vector<16xi1>, vector<16xf32>
        %gt3A_228 = arith.cmpf ogt, %select_n3A_217, %select_n3A_214 : vector<16xf32>
        %select_n3A_229 = arith.select %gt3A_228, %select_n3A_217, %select_n3A_214 : vector<16xi1>, vector<16xf32>
        %select_n3A_230 = arith.select %gt3A_228, %select_n3A_218, %select_n3A_215 : vector<16xi1>, vector<16xf32>
        %gt3A_231 = arith.cmpf ogt, %select_n3A_223, %select_n3A_220 : vector<16xf32>
        %select_n3A_232 = arith.select %gt3A_231, %select_n3A_223, %select_n3A_220 : vector<16xi1>, vector<16xf32>
        %select_n3A_233 = arith.select %gt3A_231, %select_n3A_224, %select_n3A_221 : vector<16xi1>, vector<16xf32>
        %gt3A_234 = arith.cmpf ogt, %select_n3A_229, %select_n3A_226 : vector<16xf32>
        %select_n3A_235 = arith.select %gt3A_234, %select_n3A_229, %select_n3A_226 : vector<16xi1>, vector<16xf32>
        %select_n3A_236 = arith.select %gt3A_234, %select_n3A_230, %select_n3A_227 : vector<16xi1>, vector<16xf32>
        %gt3A_237 = arith.cmpf ogt, %select_n3A_235, %select_n3A_232 : vector<16xf32>
        %select_n3A_238 = arith.select %gt3A_237, %select_n3A_235, %select_n3A_232 : vector<16xi1>, vector<16xf32>
        %select_n3A_239 = arith.select %gt3A_237, %select_n3A_236, %select_n3A_233 : vector<16xi1>, vector<16xf32>
        %add3A_240 = arith.addf %get3A_100, %select_n3A_239 : vector<16xf32>
        %get3A_241 = arith.constant 1 : i32
        %get3A_242 = arith.constant 0 : i32
        %get3A_243 = arith.index_cast %get3A_241 : i32 to index
        %get3A_244 = arith.index_cast %get3A_242 : i32 to index
        %get3A_245 = arith.index_cast %mul3A_99 : i32 to index
        %get3A_246 = tpu.vector_load %arg4[%get3A_243, %get3A_244, %get3A_245] {strides = array<i32>} : memref<4x16x256xf32, #tpu.memory_space<vmem>>, vector<16xf32>,
        %get3A_247 = arith.constant 1 : i32
        %get3A_248 = arith.constant 1 : i32
        %get3A_249 = arith.index_cast %get3A_247 : i32 to index
        %get3A_250 = arith.index_cast %get3A_248 : i32 to index
        %get3A_251 = arith.index_cast %mul3A_99 : i32 to index
        %get3A_252 = tpu.vector_load %arg4[%get3A_249, %get3A_250, %get3A_251] {strides = array<i32>} : memref<4x16x256xf32, #tpu.memory_space<vmem>>, vector<16xf32>,
        %get3A_253 = arith.constant 1 : i32
        %get3A_254 = arith.constant 2 : i32
        %get3A_255 = arith.index_cast %get3A_253 : i32 to index
        %get3A_256 = arith.index_cast %get3A_254 : i32 to index
        %get3A_257 = arith.index_cast %mul3A_99 : i32 to index
        %get3A_258 = tpu.vector_load %arg4[%get3A_255, %get3A_256, %get3A_257] {strides = array<i32>} : memref<4x16x256xf32, #tpu.memory_space<vmem>>, vector<16xf32>,
        %get3A_259 = arith.constant 1 : i32
        %get3A_260 = arith.constant 3 : i32
        %get3A_261 = arith.index_cast %get3A_259 : i32 to index
        %get3A_262 = arith.index_cast %get3A_260 : i32 to index
        %get3A_263 = arith.index_cast %mul3A_99 : i32 to index
        %get3A_264 = tpu.vector_load %arg4[%get3A_261, %get3A_262, %get3A_263] {strides = array<i32>} : memref<4x16x256xf32, #tpu.memory_space<vmem>>, vector<16xf32>,
        %get3A_265 = arith.constant 1 : i32
        %get3A_266 = arith.constant 4 : i32
        %get3A_267 = arith.index_cast %get3A_265 : i32 to index
        %get3A_268 = arith.index_cast %get3A_266 : i32 to index
        %get3A_269 = arith.index_cast %mul3A_99 : i32 to index
        %get3A_270 = tpu.vector_load %arg4[%get3A_267, %get3A_268, %get3A_269] {strides = array<i32>} : memref<4x16x256xf32, #tpu.memory_space<vmem>>, vector<16xf32>,
        %get3A_271 = arith.constant 1 : i32
        %get3A_272 = arith.constant 5 : i32
        %get3A_273 = arith.index_cast %get3A_271 : i32 to index
        %get3A_274 = arith.index_cast %get3A_272 : i32 to index
        %get3A_275 = arith.index_cast %mul3A_99 : i32 to index
        %get3A_276 = tpu.vector_load %arg4[%get3A_273, %get3A_274, %get3A_275] {strides = array<i32>} : memref<4x16x256xf32, #tpu.memory_space<vmem>>, vector<16xf32>,
        %get3A_277 = arith.constant 1 : i32
        %get3A_278 = arith.constant 6 : i32
        %get3A_279 = arith.index_cast %get3A_277 : i32 to index
        %get3A_280 = arith.index_cast %get3A_278 : i32 to index
        %get3A_281 = arith.index_cast %mul3A_99 : i32 to index
        %get3A_282 = tpu.vector_load %arg4[%get3A_279, %get3A_280, %get3A_281] {strides = array<i32>} : memref<4x16x256xf32, #tpu.memory_space<vmem>>, vector<16xf32>,
        %get3A_283 = arith.constant 1 : i32
        %get3A_284 = arith.constant 7 : i32
        %get3A_285 = arith.index_cast %get3A_283 : i32 to index
        %get3A_286 = arith.index_cast %get3A_284 : i32 to index
        %get3A_287 = arith.index_cast %mul3A_99 : i32 to index
        %get3A_288 = tpu.vector_load %arg4[%get3A_285, %get3A_286, %get3A_287] {strides = array<i32>} : memref<4x16x256xf32, #tpu.memory_space<vmem>>, vector<16xf32>,
        %get3A_289 = arith.constant 1 : i32
        %get3A_290 = arith.constant 8 : i32
        %get3A_291 = arith.index_cast %get3A_289 : i32 to index
        %get3A_292 = arith.index_cast %get3A_290 : i32 to index
        %get3A_293 = arith.index_cast %mul3A_99 : i32 to index
        %get3A_294 = tpu.vector_load %arg4[%get3A_291, %get3A_292, %get3A_293] {strides = array<i32>} : memref<4x16x256xf32, #tpu.memory_space<vmem>>, vector<16xf32>,
        %get3A_295 = arith.constant 1 : i32
        %get3A_296 = arith.constant 9 : i32
        %get3A_297 = arith.index_cast %get3A_295 : i32 to index
        %get3A_298 = arith.index_cast %get3A_296 : i32 to index
        %get3A_299 = arith.index_cast %mul3A_99 : i32 to index
        %get3A_300 = tpu.vector_load %arg4[%get3A_297, %get3A_298, %get3A_299] {strides = array<i32>} : memref<4x16x256xf32, #tpu.memory_space<vmem>>, vector<16xf32>,
        %get3A_301 = arith.constant 1 : i32
        %get3A_302 = arith.constant 10 : i32
        %get3A_303 = arith.index_cast %get3A_301 : i32 to index
        %get3A_304 = arith.index_cast %get3A_302 : i32 to index
        %get3A_305 = arith.index_cast %mul3A_99 : i32 to index
        %get3A_306 = tpu.vector_load %arg4[%get3A_303, %get3A_304, %get3A_305] {strides = array<i32>} : memref<4x16x256xf32, #tpu.memory_space<vmem>>, vector<16xf32>,
        %get3A_307 = arith.constant 1 : i32
        %get3A_308 = arith.constant 11 : i32
        %get3A_309 = arith.index_cast %get3A_307 : i32 to index
        %get3A_310 = arith.index_cast %get3A_308 : i32 to index
        %get3A_311 = arith.index_cast %mul3A_99 : i32 to index
        %get3A_312 = tpu.vector_load %arg4[%get3A_309, %get3A_310, %get3A_311] {strides = array<i32>} : memref<4x16x256xf32, #tpu.memory_space<vmem>>, vector<16xf32>,
        %get3A_313 = arith.constant 1 : i32
        %get3A_314 = arith.constant 12 : i32
        %get3A_315 = arith.index_cast %get3A_313 : i32 to index
        %get3A_316 = arith.index_cast %get3A_314 : i32 to index
        %get3A_317 = arith.index_cast %mul3A_99 : i32 to index
        %get3A_318 = tpu.vector_load %arg4[%get3A_315, %get3A_316, %get3A_317] {strides = array<i32>} : memref<4x16x256xf32, #tpu.memory_space<vmem>>, vector<16xf32>,
        %get3A_319 = arith.constant 1 : i32
        %get3A_320 = arith.constant 13 : i32
        %get3A_321 = arith.index_cast %get3A_319 : i32 to index
        %get3A_322 = arith.index_cast %get3A_320 : i32 to index
        %get3A_323 = arith.index_cast %mul3A_99 : i32 to index
        %get3A_324 = tpu.vector_load %arg4[%get3A_321, %get3A_322, %get3A_323] {strides = array<i32>} : memref<4x16x256xf32, #tpu.memory_space<vmem>>, vector<16xf32>,
        %get3A_325 = arith.constant 1 : i32
        %get3A_326 = arith.constant 14 : i32
        %get3A_327 = arith.index_cast %get3A_325 : i32 to index
        %get3A_328 = arith.index_cast %get3A_326 : i32 to index
        %get3A_329 = arith.index_cast %mul3A_99 : i32 to index
        %get3A_330 = tpu.vector_load %arg4[%get3A_327, %get3A_328, %get3A_329] {strides = array<i32>} : memref<4x16x256xf32, #tpu.memory_space<vmem>>, vector<16xf32>,
        %get3A_331 = arith.constant 1 : i32
        %get3A_332 = arith.constant 15 : i32
        %get3A_333 = arith.index_cast %get3A_331 : i32 to index
        %get3A_334 = arith.index_cast %get3A_332 : i32 to index
        %get3A_335 = arith.index_cast %mul3A_99 : i32 to index
        %get3A_336 = tpu.vector_load %arg4[%get3A_333, %get3A_334, %get3A_335] {strides = array<i32>} : memref<4x16x256xf32, #tpu.memory_space<vmem>>, vector<16xf32>,
        %gt3A_337 = arith.cmpf ogt, %get3A_252, %get3A_246 : vector<16xf32>
        %select_n3A_338 = arith.select %gt3A_337, %get3A_252, %get3A_246 : vector<16xi1>, vector<16xf32>
        %select_n3A_339 = arith.select %gt3A_337, %broadcast_in_dim3A_7, %broadcast_in_dim3A_5 : vector<16xi1>, vector<16xf32>
        %gt3A_340 = arith.cmpf ogt, %get3A_264, %get3A_258 : vector<16xf32>
        %select_n3A_341 = arith.select %gt3A_340, %get3A_264, %get3A_258 : vector<16xi1>, vector<16xf32>
        %select_n3A_342 = arith.select %gt3A_340, %broadcast_in_dim3A_11, %broadcast_in_dim3A_9 : vector<16xi1>, vector<16xf32>
        %gt3A_343 = arith.cmpf ogt, %get3A_276, %get3A_270 : vector<16xf32>
        %select_n3A_344 = arith.select %gt3A_343, %get3A_276, %get3A_270 : vector<16xi1>, vector<16xf32>
        %select_n3A_345 = arith.select %gt3A_343, %broadcast_in_dim3A_15, %broadcast_in_dim3A_13 : vector<16xi1>, vector<16xf32>
        %gt3A_346 = arith.cmpf ogt, %get3A_288, %get3A_282 : vector<16xf32>
        %select_n3A_347 = arith.select %gt3A_346, %get3A_288, %get3A_282 : vector<16xi1>, vector<16xf32>
        %select_n3A_348 = arith.select %gt3A_346, %broadcast_in_dim3A_19, %broadcast_in_dim3A_17 : vector<16xi1>, vector<16xf32>
        %gt3A_349 = arith.cmpf ogt, %get3A_300, %get3A_294 : vector<16xf32>
        %select_n3A_350 = arith.select %gt3A_349, %get3A_300, %get3A_294 : vector<16xi1>, vector<16xf32>
        %select_n3A_351 = arith.select %gt3A_349, %broadcast_in_dim3A_23, %broadcast_in_dim3A_21 : vector<16xi1>, vector<16xf32>
        %gt3A_352 = arith.cmpf ogt, %get3A_312, %get3A_306 : vector<16xf32>
        %select_n3A_353 = arith.select %gt3A_352, %get3A_312, %get3A_306 : vector<16xi1>, vector<16xf32>
        %select_n3A_354 = arith.select %gt3A_352, %broadcast_in_dim3A_27, %broadcast_in_dim3A_25 : vector<16xi1>, vector<16xf32>
        %gt3A_355 = arith.cmpf ogt, %get3A_324, %get3A_318 : vector<16xf32>
        %select_n3A_356 = arith.select %gt3A_355, %get3A_324, %get3A_318 : vector<16xi1>, vector<16xf32>
        %select_n3A_357 = arith.select %gt3A_355, %broadcast_in_dim3A_31, %broadcast_in_dim3A_29 : vector<16xi1>, vector<16xf32>
        %gt3A_358 = arith.cmpf ogt, %get3A_336, %get3A_330 : vector<16xf32>
        %select_n3A_359 = arith.select %gt3A_358, %get3A_336, %get3A_330 : vector<16xi1>, vector<16xf32>
        %select_n3A_360 = arith.select %gt3A_358, %broadcast_in_dim3A_35, %broadcast_in_dim3A_33 : vector<16xi1>, vector<16xf32>
        %gt3A_361 = arith.cmpf ogt, %select_n3A_341, %select_n3A_338 : vector<16xf32>
        %select_n3A_362 = arith.select %gt3A_361, %select_n3A_341, %select_n3A_338 : vector<16xi1>, vector<16xf32>
        %select_n3A_363 = arith.select %gt3A_361, %select_n3A_342, %select_n3A_339 : vector<16xi1>, vector<16xf32>
        %gt3A_364 = arith.cmpf ogt, %select_n3A_347, %select_n3A_344 : vector<16xf32>
        %select_n3A_365 = arith.select %gt3A_364, %select_n3A_347, %select_n3A_344 : vector<16xi1>, vector<16xf32>
        %select_n3A_366 = arith.select %gt3A_364, %select_n3A_348, %select_n3A_345 : vector<16xi1>, vector<16xf32>
        %gt3A_367 = arith.cmpf ogt, %select_n3A_353, %select_n3A_350 : vector<16xf32>
        %select_n3A_368 = arith.select %gt3A_367, %select_n3A_353, %select_n3A_350 : vector<16xi1>, vector<16xf32>
        %select_n3A_369 = arith.select %gt3A_367, %select_n3A_354, %select_n3A_351 : vector<16xi1>, vector<16xf32>
        %gt3A_370 = arith.cmpf ogt, %select_n3A_359, %select_n3A_356 : vector<16xf32>
        %select_n3A_371 = arith.select %gt3A_370, %select_n3A_359, %select_n3A_356 : vector<16xi1>, vector<16xf32>
        %select_n3A_372 = arith.select %gt3A_370, %select_n3A_360, %select_n3A_357 : vector<16xi1>, vector<16xf32>
        %gt3A_373 = arith.cmpf ogt, %select_n3A_365, %select_n3A_362 : vector<16xf32>
        %select_n3A_374 = arith.select %gt3A_373, %select_n3A_365, %select_n3A_362 : vector<16xi1>, vector<16xf32>
        %select_n3A_375 = arith.select %gt3A_373, %select_n3A_366, %select_n3A_363 : vector<16xi1>, vector<16xf32>
        %gt3A_376 = arith.cmpf ogt, %select_n3A_371, %select_n3A_368 : vector<16xf32>
        %select_n3A_377 = arith.select %gt3A_376, %select_n3A_371, %select_n3A_368 : vector<16xi1>, vector<16xf32>
        %select_n3A_378 = arith.select %gt3A_376, %select_n3A_372, %select_n3A_369 : vector<16xi1>, vector<16xf32>
        %gt3A_379 = arith.cmpf ogt, %select_n3A_377, %select_n3A_374 : vector<16xf32>
        %select_n3A_380 = arith.select %gt3A_379, %select_n3A_377, %select_n3A_374 : vector<16xi1>, vector<16xf32>
        %select_n3A_381 = arith.select %gt3A_379, %select_n3A_378, %select_n3A_375 : vector<16xi1>, vector<16xf32>
        %add3A_382 = arith.addf %add3A_240, %select_n3A_381 : vector<16xf32>
        %get3A_383 = arith.constant 2 : i32
        %get3A_384 = arith.constant 0 : i32
        %get3A_385 = arith.index_cast %get3A_383 : i32 to index
        %get3A_386 = arith.index_cast %get3A_384 : i32 to index
        %get3A_387 = arith.index_cast %mul3A_99 : i32 to index
        %get3A_388 = tpu.vector_load %arg4[%get3A_385, %get3A_386, %get3A_387] {strides = array<i32>} : memref<4x16x256xf32, #tpu.memory_space<vmem>>, vector<16xf32>,
        %get3A_389 = arith.constant 2 : i32
        %get3A_390 = arith.constant 1 : i32
        %get3A_391 = arith.index_cast %get3A_389 : i32 to index
        %get3A_392 = arith.index_cast %get3A_390 : i32 to index
        %get3A_393 = arith.index_cast %mul3A_99 : i32 to index
        %get3A_394 = tpu.vector_load %arg4[%get3A_391, %get3A_392, %get3A_393] {strides = array<i32>} : memref<4x16x256xf32, #tpu.memory_space<vmem>>, vector<16xf32>,
        %get3A_395 = arith.constant 2 : i32
        %get3A_396 = arith.constant 2 : i32
        %get3A_397 = arith.index_cast %get3A_395 : i32 to index
        %get3A_398 = arith.index_cast %get3A_396 : i32 to index
        %get3A_399 = arith.index_cast %mul3A_99 : i32 to index
        %get3A_400 = tpu.vector_load %arg4[%get3A_397, %get3A_398, %get3A_399] {strides = array<i32>} : memref<4x16x256xf32, #tpu.memory_space<vmem>>, vector<16xf32>,
        %get3A_401 = arith.constant 2 : i32
        %get3A_402 = arith.constant 3 : i32
        %get3A_403 = arith.index_cast %get3A_401 : i32 to index
        %get3A_404 = arith.index_cast %get3A_402 : i32 to index
        %get3A_405 = arith.index_cast %mul3A_99 : i32 to index
        %get3A_406 = tpu.vector_load %arg4[%get3A_403, %get3A_404, %get3A_405] {strides = array<i32>} : memref<4x16x256xf32, #tpu.memory_space<vmem>>, vector<16xf32>,
        %get3A_407 = arith.constant 2 : i32
        %get3A_408 = arith.constant 4 : i32
        %get3A_409 = arith.index_cast %get3A_407 : i32 to index
        %get3A_410 = arith.index_cast %get3A_408 : i32 to index
        %get3A_411 = arith.index_cast %mul3A_99 : i32 to index
        %get3A_412 = tpu.vector_load %arg4[%get3A_409, %get3A_410, %get3A_411] {strides = array<i32>} : memref<4x16x256xf32, #tpu.memory_space<vmem>>, vector<16xf32>,
        %get3A_413 = arith.constant 2 : i32
        %get3A_414 = arith.constant 5 : i32
        %get3A_415 = arith.index_cast %get3A_413 : i32 to index
        %get3A_416 = arith.index_cast %get3A_414 : i32 to index
        %get3A_417 = arith.index_cast %mul3A_99 : i32 to index
        %get3A_418 = tpu.vector_load %arg4[%get3A_415, %get3A_416, %get3A_417] {strides = array<i32>} : memref<4x16x256xf32, #tpu.memory_space<vmem>>, vector<16xf32>,
        %get3A_419 = arith.constant 2 : i32
        %get3A_420 = arith.constant 6 : i32
        %get3A_421 = arith.index_cast %get3A_419 : i32 to index
        %get3A_422 = arith.index_cast %get3A_420 : i32 to index
        %get3A_423 = arith.index_cast %mul3A_99 : i32 to index
        %get3A_424 = tpu.vector_load %arg4[%get3A_421, %get3A_422, %get3A_423] {strides = array<i32>} : memref<4x16x256xf32, #tpu.memory_space<vmem>>, vector<16xf32>,
        %get3A_425 = arith.constant 2 : i32
        %get3A_426 = arith.constant 7 : i32
        %get3A_427 = arith.index_cast %get3A_425 : i32 to index
        %get3A_428 = arith.index_cast %get3A_426 : i32 to index
        %get3A_429 = arith.index_cast %mul3A_99 : i32 to index
        %get3A_430 = tpu.vector_load %arg4[%get3A_427, %get3A_428, %get3A_429] {strides = array<i32>} : memref<4x16x256xf32, #tpu.memory_space<vmem>>, vector<16xf32>,
        %get3A_431 = arith.constant 2 : i32
        %get3A_432 = arith.constant 8 : i32
        %get3A_433 = arith.index_cast %get3A_431 : i32 to index
        %get3A_434 = arith.index_cast %get3A_432 : i32 to index
        %get3A_435 = arith.index_cast %mul3A_99 : i32 to index
        %get3A_436 = tpu.vector_load %arg4[%get3A_433, %get3A_434, %get3A_435] {strides = array<i32>} : memref<4x16x256xf32, #tpu.memory_space<vmem>>, vector<16xf32>,
        %get3A_437 = arith.constant 2 : i32
        %get3A_438 = arith.constant 9 : i32
        %get3A_439 = arith.index_cast %get3A_437 : i32 to index
        %get3A_440 = arith.index_cast %get3A_438 : i32 to index
        %get3A_441 = arith.index_cast %mul3A_99 : i32 to index
        %get3A_442 = tpu.vector_load %arg4[%get3A_439, %get3A_440, %get3A_441] {strides = array<i32>} : memref<4x16x256xf32, #tpu.memory_space<vmem>>, vector<16xf32>,
        %get3A_443 = arith.constant 2 : i32
        %get3A_444 = arith.constant 10 : i32
        %get3A_445 = arith.index_cast %get3A_443 : i32 to index
        %get3A_446 = arith.index_cast %get3A_444 : i32 to index
        %get3A_447 = arith.index_cast %mul3A_99 : i32 to index
        %get3A_448 = tpu.vector_load %arg4[%get3A_445, %get3A_446, %get3A_447] {strides = array<i32>} : memref<4x16x256xf32, #tpu.memory_space<vmem>>, vector<16xf32>,
        %get3A_449 = arith.constant 2 : i32
        %get3A_450 = arith.constant 11 : i32
        %get3A_451 = arith.index_cast %get3A_449 : i32 to index
        %get3A_452 = arith.index_cast %get3A_450 : i32 to index
        %get3A_453 = arith.index_cast %mul3A_99 : i32 to index
        %get3A_454 = tpu.vector_load %arg4[%get3A_451, %get3A_452, %get3A_453] {strides = array<i32>} : memref<4x16x256xf32, #tpu.memory_space<vmem>>, vector<16xf32>,
        %get3A_455 = arith.constant 2 : i32
        %get3A_456 = arith.constant 12 : i32
        %get3A_457 = arith.index_cast %get3A_455 : i32 to index
        %get3A_458 = arith.index_cast %get3A_456 : i32 to index
        %get3A_459 = arith.index_cast %mul3A_99 : i32 to index
        %get3A_460 = tpu.vector_load %arg4[%get3A_457, %get3A_458, %get3A_459] {strides = array<i32>} : memref<4x16x256xf32, #tpu.memory_space<vmem>>, vector<16xf32>,
        %get3A_461 = arith.constant 2 : i32
        %get3A_462 = arith.constant 13 : i32
        %get3A_463 = arith.index_cast %get3A_461 : i32 to index
        %get3A_464 = arith.index_cast %get3A_462 : i32 to index
        %get3A_465 = arith.index_cast %mul3A_99 : i32 to index
        %get3A_466 = tpu.vector_load %arg4[%get3A_463, %get3A_464, %get3A_465] {strides = array<i32>} : memref<4x16x256xf32, #tpu.memory_space<vmem>>, vector<16xf32>,
        %get3A_467 = arith.constant 2 : i32
        %get3A_468 = arith.constant 14 : i32
        %get3A_469 = arith.index_cast %get3A_467 : i32 to index
        %get3A_470 = arith.index_cast %get3A_468 : i32 to index
        %get3A_471 = arith.index_cast %mul3A_99 : i32 to index
        %get3A_472 = tpu.vector_load %arg4[%get3A_469, %get3A_470, %get3A_471] {strides = array<i32>} : memref<4x16x256xf32, #tpu.memory_space<vmem>>, vector<16xf32>,
        %get3A_473 = arith.constant 2 : i32
        %get3A_474 = arith.constant 15 : i32
        %get3A_475 = arith.index_cast %get3A_473 : i32 to index
        %get3A_476 = arith.index_cast %get3A_474 : i32 to index
        %get3A_477 = arith.index_cast %mul3A_99 : i32 to index
        %get3A_478 = tpu.vector_load %arg4[%get3A_475, %get3A_476, %get3A_477] {strides = array<i32>} : memref<4x16x256xf32, #tpu.memory_space<vmem>>, vector<16xf32>,
        %gt3A_479 = arith.cmpf ogt, %get3A_394, %get3A_388 : vector<16xf32>
        %select_n3A_480 = arith.select %gt3A_479, %get3A_394, %get3A_388 : vector<16xi1>, vector<16xf32>
        %select_n3A_481 = arith.select %gt3A_479, %broadcast_in_dim3A_7, %broadcast_in_dim3A_5 : vector<16xi1>, vector<16xf32>
        %gt3A_482 = arith.cmpf ogt, %get3A_406, %get3A_400 : vector<16xf32>
        %select_n3A_483 = arith.select %gt3A_482, %get3A_406, %get3A_400 : vector<16xi1>, vector<16xf32>
        %select_n3A_484 = arith.select %gt3A_482, %broadcast_in_dim3A_11, %broadcast_in_dim3A_9 : vector<16xi1>, vector<16xf32>
        %gt3A_485 = arith.cmpf ogt, %get3A_418, %get3A_412 : vector<16xf32>
        %select_n3A_486 = arith.select %gt3A_485, %get3A_418, %get3A_412 : vector<16xi1>, vector<16xf32>
        %select_n3A_487 = arith.select %gt3A_485, %broadcast_in_dim3A_15, %broadcast_in_dim3A_13 : vector<16xi1>, vector<16xf32>
        %gt3A_488 = arith.cmpf ogt, %get3A_430, %get3A_424 : vector<16xf32>
        %select_n3A_489 = arith.select %gt3A_488, %get3A_430, %get3A_424 : vector<16xi1>, vector<16xf32>
        %select_n3A_490 = arith.select %gt3A_488, %broadcast_in_dim3A_19, %broadcast_in_dim3A_17 : vector<16xi1>, vector<16xf32>
        %gt3A_491 = arith.cmpf ogt, %get3A_442, %get3A_436 : vector<16xf32>
        %select_n3A_492 = arith.select %gt3A_491, %get3A_442, %get3A_436 : vector<16xi1>, vector<16xf32>
        %select_n3A_493 = arith.select %gt3A_491, %broadcast_in_dim3A_23, %broadcast_in_dim3A_21 : vector<16xi1>, vector<16xf32>
        %gt3A_494 = arith.cmpf ogt, %get3A_454, %get3A_448 : vector<16xf32>
        %select_n3A_495 = arith.select %gt3A_494, %get3A_454, %get3A_448 : vector<16xi1>, vector<16xf32>
        %select_n3A_496 = arith.select %gt3A_494, %broadcast_in_dim3A_27, %broadcast_in_dim3A_25 : vector<16xi1>, vector<16xf32>
        %gt3A_497 = arith.cmpf ogt, %get3A_466, %get3A_460 : vector<16xf32>
        %select_n3A_498 = arith.select %gt3A_497, %get3A_466, %get3A_460 : vector<16xi1>, vector<16xf32>
        %select_n3A_499 = arith.select %gt3A_497, %broadcast_in_dim3A_31, %broadcast_in_dim3A_29 : vector<16xi1>, vector<16xf32>
        %gt3A_500 = arith.cmpf ogt, %get3A_478, %get3A_472 : vector<16xf32>
        %select_n3A_501 = arith.select %gt3A_500, %get3A_478, %get3A_472 : vector<16xi1>, vector<16xf32>
        %select_n3A_502 = arith.select %gt3A_500, %broadcast_in_dim3A_35, %broadcast_in_dim3A_33 : vector<16xi1>, vector<16xf32>
        %gt3A_503 = arith.cmpf ogt, %select_n3A_483, %select_n3A_480 : vector<16xf32>
        %select_n3A_504 = arith.select %gt3A_503, %select_n3A_483, %select_n3A_480 : vector<16xi1>, vector<16xf32>
        %select_n3A_505 = arith.select %gt3A_503, %select_n3A_484, %select_n3A_481 : vector<16xi1>, vector<16xf32>
        %gt3A_506 = arith.cmpf ogt, %select_n3A_489, %select_n3A_486 : vector<16xf32>
        %select_n3A_507 = arith.select %gt3A_506, %select_n3A_489, %select_n3A_486 : vector<16xi1>, vector<16xf32>
        %select_n3A_508 = arith.select %gt3A_506, %select_n3A_490, %select_n3A_487 : vector<16xi1>, vector<16xf32>
        %gt3A_509 = arith.cmpf ogt, %select_n3A_495, %select_n3A_492 : vector<16xf32>
        %select_n3A_510 = arith.select %gt3A_509, %select_n3A_495, %select_n3A_492 : vector<16xi1>, vector<16xf32>
        %select_n3A_511 = arith.select %gt3A_509, %select_n3A_496, %select_n3A_493 : vector<16xi1>, vector<16xf32>
        %gt3A_512 = arith.cmpf ogt, %select_n3A_501, %select_n3A_498 : vector<16xf32>
        %select_n3A_513 = arith.select %gt3A_512, %select_n3A_501, %select_n3A_498 : vector<16xi1>, vector<16xf32>
        %select_n3A_514 = arith.select %gt3A_512, %select_n3A_502, %select_n3A_499 : vector<16xi1>, vector<16xf32>
        %gt3A_515 = arith.cmpf ogt, %select_n3A_507, %select_n3A_504 : vector<16xf32>
        %select_n3A_516 = arith.select %gt3A_515, %select_n3A_507, %select_n3A_504 : vector<16xi1>, vector<16xf32>
        %select_n3A_517 = arith.select %gt3A_515, %select_n3A_508, %select_n3A_505 : vector<16xi1>, vector<16xf32>
        %gt3A_518 = arith.cmpf ogt, %select_n3A_513, %select_n3A_510 : vector<16xf32>
        %select_n3A_519 = arith.select %gt3A_518, %select_n3A_513, %select_n3A_510 : vector<16xi1>, vector<16xf32>
        %select_n3A_520 = arith.select %gt3A_518, %select_n3A_514, %select_n3A_511 : vector<16xi1>, vector<16xf32>
        %gt3A_521 = arith.cmpf ogt, %select_n3A_519, %select_n3A_516 : vector<16xf32>
        %select_n3A_522 = arith.select %gt3A_521, %select_n3A_519, %select_n3A_516 : vector<16xi1>, vector<16xf32>
        %select_n3A_523 = arith.select %gt3A_521, %select_n3A_520, %select_n3A_517 : vector<16xi1>, vector<16xf32>
        %add3A_524 = arith.addf %add3A_382, %select_n3A_523 : vector<16xf32>
        %get3A_525 = arith.constant 3 : i32
        %get3A_526 = arith.constant 0 : i32
        %get3A_527 = arith.index_cast %get3A_525 : i32 to index
        %get3A_528 = arith.index_cast %get3A_526 : i32 to index
        %get3A_529 = arith.index_cast %mul3A_99 : i32 to index
        %get3A_530 = tpu.vector_load %arg4[%get3A_527, %get3A_528, %get3A_529] {strides = array<i32>} : memref<4x16x256xf32, #tpu.memory_space<vmem>>, vector<16xf32>,
        %get3A_531 = arith.constant 3 : i32
        %get3A_532 = arith.constant 1 : i32
        %get3A_533 = arith.index_cast %get3A_531 : i32 to index
        %get3A_534 = arith.index_cast %get3A_532 : i32 to index
        %get3A_535 = arith.index_cast %mul3A_99 : i32 to index
        %get3A_536 = tpu.vector_load %arg4[%get3A_533, %get3A_534, %get3A_535] {strides = array<i32>} : memref<4x16x256xf32, #tpu.memory_space<vmem>>, vector<16xf32>,
        %get3A_537 = arith.constant 3 : i32
        %get3A_538 = arith.constant 2 : i32
        %get3A_539 = arith.index_cast %get3A_537 : i32 to index
        %get3A_540 = arith.index_cast %get3A_538 : i32 to index
        %get3A_541 = arith.index_cast %mul3A_99 : i32 to index
        %get3A_542 = tpu.vector_load %arg4[%get3A_539, %get3A_540, %get3A_541] {strides = array<i32>} : memref<4x16x256xf32, #tpu.memory_space<vmem>>, vector<16xf32>,
        %get3A_543 = arith.constant 3 : i32
        %get3A_544 = arith.constant 3 : i32
        %get3A_545 = arith.index_cast %get3A_543 : i32 to index
        %get3A_546 = arith.index_cast %get3A_544 : i32 to index
        %get3A_547 = arith.index_cast %mul3A_99 : i32 to index
        %get3A_548 = tpu.vector_load %arg4[%get3A_545, %get3A_546, %get3A_547] {strides = array<i32>} : memref<4x16x256xf32, #tpu.memory_space<vmem>>, vector<16xf32>,
        %get3A_549 = arith.constant 3 : i32
        %get3A_550 = arith.constant 4 : i32
        %get3A_551 = arith.index_cast %get3A_549 : i32 to index
        %get3A_552 = arith.index_cast %get3A_550 : i32 to index
        %get3A_553 = arith.index_cast %mul3A_99 : i32 to index
        %get3A_554 = tpu.vector_load %arg4[%get3A_551, %get3A_552, %get3A_553] {strides = array<i32>} : memref<4x16x256xf32, #tpu.memory_space<vmem>>, vector<16xf32>,
        %get3A_555 = arith.constant 3 : i32
        %get3A_556 = arith.constant 5 : i32
        %get3A_557 = arith.index_cast %get3A_555 : i32 to index
        %get3A_558 = arith.index_cast %get3A_556 : i32 to index
        %get3A_559 = arith.index_cast %mul3A_99 : i32 to index
        %get3A_560 = tpu.vector_load %arg4[%get3A_557, %get3A_558, %get3A_559] {strides = array<i32>} : memref<4x16x256xf32, #tpu.memory_space<vmem>>, vector<16xf32>,
        %get3A_561 = arith.constant 3 : i32
        %get3A_562 = arith.constant 6 : i32
        %get3A_563 = arith.index_cast %get3A_561 : i32 to index
        %get3A_564 = arith.index_cast %get3A_562 : i32 to index
        %get3A_565 = arith.index_cast %mul3A_99 : i32 to index
        %get3A_566 = tpu.vector_load %arg4[%get3A_563, %get3A_564, %get3A_565] {strides = array<i32>} : memref<4x16x256xf32, #tpu.memory_space<vmem>>, vector<16xf32>,
        %get3A_567 = arith.constant 3 : i32
        %get3A_568 = arith.constant 7 : i32
        %get3A_569 = arith.index_cast %get3A_567 : i32 to index
        %get3A_570 = arith.index_cast %get3A_568 : i32 to index
        %get3A_571 = arith.index_cast %mul3A_99 : i32 to index
        %get3A_572 = tpu.vector_load %arg4[%get3A_569, %get3A_570, %get3A_571] {strides = array<i32>} : memref<4x16x256xf32, #tpu.memory_space<vmem>>, vector<16xf32>,
        %get3A_573 = arith.constant 3 : i32
        %get3A_574 = arith.constant 8 : i32
        %get3A_575 = arith.index_cast %get3A_573 : i32 to index
        %get3A_576 = arith.index_cast %get3A_574 : i32 to index
        %get3A_577 = arith.index_cast %mul3A_99 : i32 to index
        %get3A_578 = tpu.vector_load %arg4[%get3A_575, %get3A_576, %get3A_577] {strides = array<i32>} : memref<4x16x256xf32, #tpu.memory_space<vmem>>, vector<16xf32>,
        %get3A_579 = arith.constant 3 : i32
        %get3A_580 = arith.constant 9 : i32
        %get3A_581 = arith.index_cast %get3A_579 : i32 to index
        %get3A_582 = arith.index_cast %get3A_580 : i32 to index
        %get3A_583 = arith.index_cast %mul3A_99 : i32 to index
        %get3A_584 = tpu.vector_load %arg4[%get3A_581, %get3A_582, %get3A_583] {strides = array<i32>} : memref<4x16x256xf32, #tpu.memory_space<vmem>>, vector<16xf32>,
        %get3A_585 = arith.constant 3 : i32
        %get3A_586 = arith.constant 10 : i32
        %get3A_587 = arith.index_cast %get3A_585 : i32 to index
        %get3A_588 = arith.index_cast %get3A_586 : i32 to index
        %get3A_589 = arith.index_cast %mul3A_99 : i32 to index
        %get3A_590 = tpu.vector_load %arg4[%get3A_587, %get3A_588, %get3A_589] {strides = array<i32>} : memref<4x16x256xf32, #tpu.memory_space<vmem>>, vector<16xf32>,
        %get3A_591 = arith.constant 3 : i32
        %get3A_592 = arith.constant 11 : i32
        %get3A_593 = arith.index_cast %get3A_591 : i32 to index
        %get3A_594 = arith.index_cast %get3A_592 : i32 to index
        %get3A_595 = arith.index_cast %mul3A_99 : i32 to index
        %get3A_596 = tpu.vector_load %arg4[%get3A_593, %get3A_594, %get3A_595] {strides = array<i32>} : memref<4x16x256xf32, #tpu.memory_space<vmem>>, vector<16xf32>,
        %get3A_597 = arith.constant 3 : i32
        %get3A_598 = arith.constant 12 : i32
        %get3A_599 = arith.index_cast %get3A_597 : i32 to index
        %get3A_600 = arith.index_cast %get3A_598 : i32 to index
        %get3A_601 = arith.index_cast %mul3A_99 : i32 to index
        %get3A_602 = tpu.vector_load %arg4[%get3A_599, %get3A_600, %get3A_601] {strides = array<i32>} : memref<4x16x256xf32, #tpu.memory_space<vmem>>, vector<16xf32>,
        %get3A_603 = arith.constant 3 : i32
        %get3A_604 = arith.constant 13 : i32
        %get3A_605 = arith.index_cast %get3A_603 : i32 to index
        %get3A_606 = arith.index_cast %get3A_604 : i32 to index
        %get3A_607 = arith.index_cast %mul3A_99 : i32 to index
        %get3A_608 = tpu.vector_load %arg4[%get3A_605, %get3A_606, %get3A_607] {strides = array<i32>} : memref<4x16x256xf32, #tpu.memory_space<vmem>>, vector<16xf32>,
        %get3A_609 = arith.constant 3 : i32
        %get3A_610 = arith.constant 14 : i32
        %get3A_611 = arith.index_cast %get3A_609 : i32 to index
        %get3A_612 = arith.index_cast %get3A_610 : i32 to index
        %get3A_613 = arith.index_cast %mul3A_99 : i32 to index
        %get3A_614 = tpu.vector_load %arg4[%get3A_611, %get3A_612, %get3A_613] {strides = array<i32>} : memref<4x16x256xf32, #tpu.memory_space<vmem>>, vector<16xf32>,
        %get3A_615 = arith.constant 3 : i32
        %get3A_616 = arith.constant 15 : i32
        %get3A_617 = arith.index_cast %get3A_615 : i32 to index
        %get3A_618 = arith.index_cast %get3A_616 : i32 to index
        %get3A_619 = arith.index_cast %mul3A_99 : i32 to index
        %get3A_620 = tpu.vector_load %arg4[%get3A_617, %get3A_618, %get3A_619] {strides = array<i32>} : memref<4x16x256xf32, #tpu.memory_space<vmem>>, vector<16xf32>,
        %gt3A_621 = arith.cmpf ogt, %get3A_536, %get3A_530 : vector<16xf32>
        %select_n3A_622 = arith.select %gt3A_621, %get3A_536, %get3A_530 : vector<16xi1>, vector<16xf32>
        %select_n3A_623 = arith.select %gt3A_621, %broadcast_in_dim3A_7, %broadcast_in_dim3A_5 : vector<16xi1>, vector<16xf32>
        %gt3A_624 = arith.cmpf ogt, %get3A_548, %get3A_542 : vector<16xf32>
        %select_n3A_625 = arith.select %gt3A_624, %get3A_548, %get3A_542 : vector<16xi1>, vector<16xf32>
        %select_n3A_626 = arith.select %gt3A_624, %broadcast_in_dim3A_11, %broadcast_in_dim3A_9 : vector<16xi1>, vector<16xf32>
        %gt3A_627 = arith.cmpf ogt, %get3A_560, %get3A_554 : vector<16xf32>
        %select_n3A_628 = arith.select %gt3A_627, %get3A_560, %get3A_554 : vector<16xi1>, vector<16xf32>
        %select_n3A_629 = arith.select %gt3A_627, %broadcast_in_dim3A_15, %broadcast_in_dim3A_13 : vector<16xi1>, vector<16xf32>
        %gt3A_630 = arith.cmpf ogt, %get3A_572, %get3A_566 : vector<16xf32>
        %select_n3A_631 = arith.select %gt3A_630, %get3A_572, %get3A_566 : vector<16xi1>, vector<16xf32>
        %select_n3A_632 = arith.select %gt3A_630, %broadcast_in_dim3A_19, %broadcast_in_dim3A_17 : vector<16xi1>, vector<16xf32>
        %gt3A_633 = arith.cmpf ogt, %get3A_584, %get3A_578 : vector<16xf32>
        %select_n3A_634 = arith.select %gt3A_633, %get3A_584, %get3A_578 : vector<16xi1>, vector<16xf32>
        %select_n3A_635 = arith.select %gt3A_633, %broadcast_in_dim3A_23, %broadcast_in_dim3A_21 : vector<16xi1>, vector<16xf32>
        %gt3A_636 = arith.cmpf ogt, %get3A_596, %get3A_590 : vector<16xf32>
        %select_n3A_637 = arith.select %gt3A_636, %get3A_596, %get3A_590 : vector<16xi1>, vector<16xf32>
        %select_n3A_638 = arith.select %gt3A_636, %broadcast_in_dim3A_27, %broadcast_in_dim3A_25 : vector<16xi1>, vector<16xf32>
        %gt3A_639 = arith.cmpf ogt, %get3A_608, %get3A_602 : vector<16xf32>
        %select_n3A_640 = arith.select %gt3A_639, %get3A_608, %get3A_602 : vector<16xi1>, vector<16xf32>
        %select_n3A_641 = arith.select %gt3A_639, %broadcast_in_dim3A_31, %broadcast_in_dim3A_29 : vector<16xi1>, vector<16xf32>
        %gt3A_642 = arith.cmpf ogt, %get3A_620, %get3A_614 : vector<16xf32>
        %select_n3A_643 = arith.select %gt3A_642, %get3A_620, %get3A_614 : vector<16xi1>, vector<16xf32>
        %select_n3A_644 = arith.select %gt3A_642, %broadcast_in_dim3A_35, %broadcast_in_dim3A_33 : vector<16xi1>, vector<16xf32>
        %gt3A_645 = arith.cmpf ogt, %select_n3A_625, %select_n3A_622 : vector<16xf32>
        %select_n3A_646 = arith.select %gt3A_645, %select_n3A_625, %select_n3A_622 : vector<16xi1>, vector<16xf32>
        %select_n3A_647 = arith.select %gt3A_645, %select_n3A_626, %select_n3A_623 : vector<16xi1>, vector<16xf32>
        %gt3A_648 = arith.cmpf ogt, %select_n3A_631, %select_n3A_628 : vector<16xf32>
        %select_n3A_649 = arith.select %gt3A_648, %select_n3A_631, %select_n3A_628 : vector<16xi1>, vector<16xf32>
        %select_n3A_650 = arith.select %gt3A_648, %select_n3A_632, %select_n3A_629 : vector<16xi1>, vector<16xf32>
        %gt3A_651 = arith.cmpf ogt, %select_n3A_637, %select_n3A_634 : vector<16xf32>
        %select_n3A_652 = arith.select %gt3A_651, %select_n3A_637, %select_n3A_634 : vector<16xi1>, vector<16xf32>
        %select_n3A_653 = arith.select %gt3A_651, %select_n3A_638, %select_n3A_635 : vector<16xi1>, vector<16xf32>
        %gt3A_654 = arith.cmpf ogt, %select_n3A_643, %select_n3A_640 : vector<16xf32>
        %select_n3A_655 = arith.select %gt3A_654, %select_n3A_643, %select_n3A_640 : vector<16xi1>, vector<16xf32>
        %select_n3A_656 = arith.select %gt3A_654, %select_n3A_644, %select_n3A_641 : vector<16xi1>, vector<16xf32>
        %gt3A_657 = arith.cmpf ogt, %select_n3A_649, %select_n3A_646 : vector<16xf32>
        %select_n3A_658 = arith.select %gt3A_657, %select_n3A_649, %select_n3A_646 : vector<16xi1>, vector<16xf32>
        %select_n3A_659 = arith.select %gt3A_657, %select_n3A_650, %select_n3A_647 : vector<16xi1>, vector<16xf32>
        %gt3A_660 = arith.cmpf ogt, %select_n3A_655, %select_n3A_652 : vector<16xf32>
        %select_n3A_661 = arith.select %gt3A_660, %select_n3A_655, %select_n3A_652 : vector<16xi1>, vector<16xf32>
        %select_n3A_662 = arith.select %gt3A_660, %select_n3A_656, %select_n3A_653 : vector<16xi1>, vector<16xf32>
        %gt3A_663 = arith.cmpf ogt, %select_n3A_661, %select_n3A_658 : vector<16xf32>
        %select_n3A_664 = arith.select %gt3A_663, %select_n3A_661, %select_n3A_658 : vector<16xi1>, vector<16xf32>
        %select_n3A_665 = arith.select %gt3A_663, %select_n3A_662, %select_n3A_659 : vector<16xi1>, vector<16xf32>
        %add3A_666 = arith.addf %add3A_524, %select_n3A_665 : vector<16xf32>
        %swap3A = arith.index_cast %mul3A_99 : i32 to index
        %swap3A_667 = tpu.vector_load %arg6[%swap3A] {strides = array<i32>} : memref<256xf32, #tpu.memory_space<vmem>>, vector<16xf32>,
        tpu.vector_store %arg6[%swap3A], %add3A_666 {strides = array<i32>} : memref<256xf32, #tpu.memory_space<vmem>>, vector<16xf32>,
      }
      %scan3A_73 = arith.constant 16 : i32
      %add3A_74 = arith.constant 1 : i32
      %add3A_75 = arith.addi %mul3A_54, %add3A_74 : i32
      %mul3A_76 = arith.constant 4 : i32
      %mul3A_77 = arith.muli %add3A_75, %mul3A_76 : i32
      %dma_wait3A_78 = arith.constant 0 : i32
      %dma_wait3A_79 = tpu.memref_slice %arg2[%mul3A_77, %dma_wait3A_78, %mul3A_2] : memref<200x16x16384xf32, #tpu.memory_space<hbm>> -> memref<4x16x256xf32, #tpu.memory_space<hbm>>
      %dma_wait3A_80 = arith.constant 0 : i32
      %dma_wait3A_81 = tpu.memref_slice %arg2[%mul3A_77, %dma_wait3A_80, %mul3A_2] : memref<200x16x16384xf32, #tpu.memory_space<hbm>> -> memref<4x16x256xf32, #tpu.memory_space<hbm>>
      tpu.wait_dma2 semaphore(%arg8 : memref<!tpu.dma_semaphore, #tpu.memory_space<semaphore_mem>>) src(%dma_wait3A_81 : memref<4x16x256xf32, #tpu.memory_space<hbm>>) dst(%arg5 : memref<4x16x256xf32, #tpu.memory_space<vmem>>)
      %add3A_82 = arith.constant 1 : i32
      %add3A_83 = arith.addi %mul3A_54, %add3A_82 : i32
      %add3A_84 = arith.constant 1 : i32
      %add3A_85 = arith.addi %add3A_83, %add3A_84 : i32
      %lt3A_86 = arith.constant 50 : i32
      %lt3A_87 = arith.cmpi slt, %add3A_85, %lt3A_86 : i32
      %convert_element_type3A_88 = arith.extui %lt3A_87 : i1 to i32
      %cond3A_89 = arith.constant 0 : i32
      %cond3A_90 = arith.cmpi ne, %convert_element_type3A_88, %cond3A_89 : i32
      scf.if %cond3A_90 {
        %mul3A_97 = arith.constant 4 : i32
        %mul3A_98 = arith.muli %add3A_85, %mul3A_97 : i32
        %dma_start3A_99 = arith.constant 0 : i32
        %dma_start3A_100 = tpu.memref_slice %arg2[%mul3A_98, %dma_start3A_99, %mul3A_2] : memref<200x16x16384xf32, #tpu.memory_space<hbm>> -> memref<4x16x256xf32, #tpu.memory_space<hbm>>
        %dma_start3A_101 = arith.constant 0 : i32
        %dma_start3A_102 = tpu.memref_slice %arg2[%mul3A_98, %dma_start3A_101, %mul3A_2] : memref<200x16x16384xf32, #tpu.memory_space<hbm>> -> memref<4x16x256xf32, #tpu.memory_space<hbm>>
        tpu.enqueue_dma source(%dma_start3A_102 : memref<4x16x256xf32, #tpu.memory_space<hbm>>) target(%arg4 : memref<4x16x256xf32, #tpu.memory_space<vmem>>) target_semaphore(%arg7 : memref<!tpu.dma_semaphore, #tpu.memory_space<semaphore_mem>>)
      } else {
      }
      %scan3A_91 = arith.constant 0 : i32
      %scan3A_92 = arith.constant 0 : i32
      %scan3A_93 = arith.constant 16 : i32
      %scan3A_94 = arith.addi %scan3A_92, %scan3A_93 : i32
      %scan3A_95 = arith.constant 1 : i32
      scf.for %scan3A_97 = %scan3A_92 to %scan3A_94 step %scan3A_95  : i32 {
        %mul3A_98 = arith.constant 16 : i32
        %mul3A_99 = arith.muli %scan3A_97, %mul3A_98 : i32
        %get3A = arith.index_cast %mul3A_99 : i32 to index
        %get3A_100 = tpu.vector_load %arg6[%get3A] {strides = array<i32>} : memref<256xf32, #tpu.memory_space<vmem>>, vector<16xf32>,
        %get3A_101 = arith.constant 0 : i32
        %get3A_102 = arith.constant 0 : i32
        %get3A_103 = arith.index_cast %get3A_101 : i32 to index
        %get3A_104 = arith.index_cast %get3A_102 : i32 to index
        %get3A_105 = arith.index_cast %mul3A_99 : i32 to index
        %get3A_106 = tpu.vector_load %arg5[%get3A_103, %get3A_104, %get3A_105] {strides = array<i32>} : memref<4x16x256xf32, #tpu.memory_space<vmem>>, vector<16xf32>,
        %get3A_107 = arith.constant 0 : i32
        %get3A_108 = arith.constant 1 : i32
        %get3A_109 = arith.index_cast %get3A_107 : i32 to index
        %get3A_110 = arith.index_cast %get3A_108 : i32 to index
        %get3A_111 = arith.index_cast %mul3A_99 : i32 to index
        %get3A_112 = tpu.vector_load %arg5[%get3A_109, %get3A_110, %get3A_111] {strides = array<i32>} : memref<4x16x256xf32, #tpu.memory_space<vmem>>, vector<16xf32>,
        %get3A_113 = arith.constant 0 : i32
        %get3A_114 = arith.constant 2 : i32
        %get3A_115 = arith.index_cast %get3A_113 : i32 to index
        %get3A_116 = arith.index_cast %get3A_114 : i32 to index
        %get3A_117 = arith.index_cast %mul3A_99 : i32 to index
        %get3A_118 = tpu.vector_load %arg5[%get3A_115, %get3A_116, %get3A_117] {strides = array<i32>} : memref<4x16x256xf32, #tpu.memory_space<vmem>>, vector<16xf32>,
        %get3A_119 = arith.constant 0 : i32
        %get3A_120 = arith.constant 3 : i32
        %get3A_121 = arith.index_cast %get3A_119 : i32 to index
        %get3A_122 = arith.index_cast %get3A_120 : i32 to index
        %get3A_123 = arith.index_cast %mul3A_99 : i32 to index
        %get3A_124 = tpu.vector_load %arg5[%get3A_121, %get3A_122, %get3A_123] {strides = array<i32>} : memref<4x16x256xf32, #tpu.memory_space<vmem>>, vector<16xf32>,
        %get3A_125 = arith.constant 0 : i32
        %get3A_126 = arith.constant 4 : i32
        %get3A_127 = arith.index_cast %get3A_125 : i32 to index
        %get3A_128 = arith.index_cast %get3A_126 : i32 to index
        %get3A_129 = arith.index_cast %mul3A_99 : i32 to index
        %get3A_130 = tpu.vector_load %arg5[%get3A_127, %get3A_128, %get3A_129] {strides = array<i32>} : memref<4x16x256xf32, #tpu.memory_space<vmem>>, vector<16xf32>,
        %get3A_131 = arith.constant 0 : i32
        %get3A_132 = arith.constant 5 : i32
        %get3A_133 = arith.index_cast %get3A_131 : i32 to index
        %get3A_134 = arith.index_cast %get3A_132 : i32 to index
        %get3A_135 = arith.index_cast %mul3A_99 : i32 to index
        %get3A_136 = tpu.vector_load %arg5[%get3A_133, %get3A_134, %get3A_135] {strides = array<i32>} : memref<4x16x256xf32, #tpu.memory_space<vmem>>, vector<16xf32>,
        %get3A_137 = arith.constant 0 : i32
        %get3A_138 = arith.constant 6 : i32
        %get3A_139 = arith.index_cast %get3A_137 : i32 to index
        %get3A_140 = arith.index_cast %get3A_138 : i32 to index
        %get3A_141 = arith.index_cast %mul3A_99 : i32 to index
        %get3A_142 = tpu.vector_load %arg5[%get3A_139, %get3A_140, %get3A_141] {strides = array<i32>} : memref<4x16x256xf32, #tpu.memory_space<vmem>>, vector<16xf32>,
        %get3A_143 = arith.constant 0 : i32
        %get3A_144 = arith.constant 7 : i32
        %get3A_145 = arith.index_cast %get3A_143 : i32 to index
        %get3A_146 = arith.index_cast %get3A_144 : i32 to index
        %get3A_147 = arith.index_cast %mul3A_99 : i32 to index
        %get3A_148 = tpu.vector_load %arg5[%get3A_145, %get3A_146, %get3A_147] {strides = array<i32>} : memref<4x16x256xf32, #tpu.memory_space<vmem>>, vector<16xf32>,
        %get3A_149 = arith.constant 0 : i32
        %get3A_150 = arith.constant 8 : i32
        %get3A_151 = arith.index_cast %get3A_149 : i32 to index
        %get3A_152 = arith.index_cast %get3A_150 : i32 to index
        %get3A_153 = arith.index_cast %mul3A_99 : i32 to index
        %get3A_154 = tpu.vector_load %arg5[%get3A_151, %get3A_152, %get3A_153] {strides = array<i32>} : memref<4x16x256xf32, #tpu.memory_space<vmem>>, vector<16xf32>,
        %get3A_155 = arith.constant 0 : i32
        %get3A_156 = arith.constant 9 : i32
        %get3A_157 = arith.index_cast %get3A_155 : i32 to index
        %get3A_158 = arith.index_cast %get3A_156 : i32 to index
        %get3A_159 = arith.index_cast %mul3A_99 : i32 to index
        %get3A_160 = tpu.vector_load %arg5[%get3A_157, %get3A_158, %get3A_159] {strides = array<i32>} : memref<4x16x256xf32, #tpu.memory_space<vmem>>, vector<16xf32>,
        %get3A_161 = arith.constant 0 : i32
        %get3A_162 = arith.constant 10 : i32
        %get3A_163 = arith.index_cast %get3A_161 : i32 to index
        %get3A_164 = arith.index_cast %get3A_162 : i32 to index
        %get3A_165 = arith.index_cast %mul3A_99 : i32 to index
        %get3A_166 = tpu.vector_load %arg5[%get3A_163, %get3A_164, %get3A_165] {strides = array<i32>} : memref<4x16x256xf32, #tpu.memory_space<vmem>>, vector<16xf32>,
        %get3A_167 = arith.constant 0 : i32
        %get3A_168 = arith.constant 11 : i32
        %get3A_169 = arith.index_cast %get3A_167 : i32 to index
        %get3A_170 = arith.index_cast %get3A_168 : i32 to index
        %get3A_171 = arith.index_cast %mul3A_99 : i32 to index
        %get3A_172 = tpu.vector_load %arg5[%get3A_169, %get3A_170, %get3A_171] {strides = array<i32>} : memref<4x16x256xf32, #tpu.memory_space<vmem>>, vector<16xf32>,
        %get3A_173 = arith.constant 0 : i32
        %get3A_174 = arith.constant 12 : i32
        %get3A_175 = arith.index_cast %get3A_173 : i32 to index
        %get3A_176 = arith.index_cast %get3A_174 : i32 to index
        %get3A_177 = arith.index_cast %mul3A_99 : i32 to index
        %get3A_178 = tpu.vector_load %arg5[%get3A_175, %get3A_176, %get3A_177] {strides = array<i32>} : memref<4x16x256xf32, #tpu.memory_space<vmem>>, vector<16xf32>,
        %get3A_179 = arith.constant 0 : i32
        %get3A_180 = arith.constant 13 : i32
        %get3A_181 = arith.index_cast %get3A_179 : i32 to index
        %get3A_182 = arith.index_cast %get3A_180 : i32 to index
        %get3A_183 = arith.index_cast %mul3A_99 : i32 to index
        %get3A_184 = tpu.vector_load %arg5[%get3A_181, %get3A_182, %get3A_183] {strides = array<i32>} : memref<4x16x256xf32, #tpu.memory_space<vmem>>, vector<16xf32>,
        %get3A_185 = arith.constant 0 : i32
        %get3A_186 = arith.constant 14 : i32
        %get3A_187 = arith.index_cast %get3A_185 : i32 to index
        %get3A_188 = arith.index_cast %get3A_186 : i32 to index
        %get3A_189 = arith.index_cast %mul3A_99 : i32 to index
        %get3A_190 = tpu.vector_load %arg5[%get3A_187, %get3A_188, %get3A_189] {strides = array<i32>} : memref<4x16x256xf32, #tpu.memory_space<vmem>>, vector<16xf32>,
        %get3A_191 = arith.constant 0 : i32
        %get3A_192 = arith.constant 15 : i32
        %get3A_193 = arith.index_cast %get3A_191 : i32 to index
        %get3A_194 = arith.index_cast %get3A_192 : i32 to index
        %get3A_195 = arith.index_cast %mul3A_99 : i32 to index
        %get3A_196 = tpu.vector_load %arg5[%get3A_193, %get3A_194, %get3A_195] {strides = array<i32>} : memref<4x16x256xf32, #tpu.memory_space<vmem>>, vector<16xf32>,
        %gt3A = arith.cmpf ogt, %get3A_112, %get3A_106 : vector<16xf32>
        %select_n3A = arith.select %gt3A, %get3A_112, %get3A_106 : vector<16xi1>, vector<16xf32>
        %select_n3A_197 = arith.select %gt3A, %broadcast_in_dim3A_7, %broadcast_in_dim3A_5 : vector<16xi1>, vector<16xf32>
        %gt3A_198 = arith.cmpf ogt, %get3A_124, %get3A_118 : vector<16xf32>
        %select_n3A_199 = arith.select %gt3A_198, %get3A_124, %get3A_118 : vector<16xi1>, vector<16xf32>
        %select_n3A_200 = arith.select %gt3A_198, %broadcast_in_dim3A_11, %broadcast_in_dim3A_9 : vector<16xi1>, vector<16xf32>
        %gt3A_201 = arith.cmpf ogt, %get3A_136, %get3A_130 : vector<16xf32>
        %select_n3A_202 = arith.select %gt3A_201, %get3A_136, %get3A_130 : vector<16xi1>, vector<16xf32>
        %select_n3A_203 = arith.select %gt3A_201, %broadcast_in_dim3A_15, %broadcast_in_dim3A_13 : vector<16xi1>, vector<16xf32>
        %gt3A_204 = arith.cmpf ogt, %get3A_148, %get3A_142 : vector<16xf32>
        %select_n3A_205 = arith.select %gt3A_204, %get3A_148, %get3A_142 : vector<16xi1>, vector<16xf32>
        %select_n3A_206 = arith.select %gt3A_204, %broadcast_in_dim3A_19, %broadcast_in_dim3A_17 : vector<16xi1>, vector<16xf32>
        %gt3A_207 = arith.cmpf ogt, %get3A_160, %get3A_154 : vector<16xf32>
        %select_n3A_208 = arith.select %gt3A_207, %get3A_160, %get3A_154 : vector<16xi1>, vector<16xf32>
        %select_n3A_209 = arith.select %gt3A_207, %broadcast_in_dim3A_23, %broadcast_in_dim3A_21 : vector<16xi1>, vector<16xf32>
        %gt3A_210 = arith.cmpf ogt, %get3A_172, %get3A_166 : vector<16xf32>
        %select_n3A_211 = arith.select %gt3A_210, %get3A_172, %get3A_166 : vector<16xi1>, vector<16xf32>
        %select_n3A_212 = arith.select %gt3A_210, %broadcast_in_dim3A_27, %broadcast_in_dim3A_25 : vector<16xi1>, vector<16xf32>
        %gt3A_213 = arith.cmpf ogt, %get3A_184, %get3A_178 : vector<16xf32>
        %select_n3A_214 = arith.select %gt3A_213, %get3A_184, %get3A_178 : vector<16xi1>, vector<16xf32>
        %select_n3A_215 = arith.select %gt3A_213, %broadcast_in_dim3A_31, %broadcast_in_dim3A_29 : vector<16xi1>, vector<16xf32>
        %gt3A_216 = arith.cmpf ogt, %get3A_196, %get3A_190 : vector<16xf32>
        %select_n3A_217 = arith.select %gt3A_216, %get3A_196, %get3A_190 : vector<16xi1>, vector<16xf32>
        %select_n3A_218 = arith.select %gt3A_216, %broadcast_in_dim3A_35, %broadcast_in_dim3A_33 : vector<16xi1>, vector<16xf32>
        %gt3A_219 = arith.cmpf ogt, %select_n3A_199, %select_n3A : vector<16xf32>
        %select_n3A_220 = arith.select %gt3A_219, %select_n3A_199, %select_n3A : vector<16xi1>, vector<16xf32>
        %select_n3A_221 = arith.select %gt3A_219, %select_n3A_200, %select_n3A_197 : vector<16xi1>, vector<16xf32>
        %gt3A_222 = arith.cmpf ogt, %select_n3A_205, %select_n3A_202 : vector<16xf32>
        %select_n3A_223 = arith.select %gt3A_222, %select_n3A_205, %select_n3A_202 : vector<16xi1>, vector<16xf32>
        %select_n3A_224 = arith.select %gt3A_222, %select_n3A_206, %select_n3A_203 : vector<16xi1>, vector<16xf32>
        %gt3A_225 = arith.cmpf ogt, %select_n3A_211, %select_n3A_208 : vector<16xf32>
        %select_n3A_226 = arith.select %gt3A_225, %select_n3A_211, %select_n3A_208 : vector<16xi1>, vector<16xf32>
        %select_n3A_227 = arith.select %gt3A_225, %select_n3A_212, %select_n3A_209 : vector<16xi1>, vector<16xf32>
        %gt3A_228 = arith.cmpf ogt, %select_n3A_217, %select_n3A_214 : vector<16xf32>
        %select_n3A_229 = arith.select %gt3A_228, %select_n3A_217, %select_n3A_214 : vector<16xi1>, vector<16xf32>
        %select_n3A_230 = arith.select %gt3A_228, %select_n3A_218, %select_n3A_215 : vector<16xi1>, vector<16xf32>
        %gt3A_231 = arith.cmpf ogt, %select_n3A_223, %select_n3A_220 : vector<16xf32>
        %select_n3A_232 = arith.select %gt3A_231, %select_n3A_223, %select_n3A_220 : vector<16xi1>, vector<16xf32>
        %select_n3A_233 = arith.select %gt3A_231, %select_n3A_224, %select_n3A_221 : vector<16xi1>, vector<16xf32>
        %gt3A_234 = arith.cmpf ogt, %select_n3A_229, %select_n3A_226 : vector<16xf32>
        %select_n3A_235 = arith.select %gt3A_234, %select_n3A_229, %select_n3A_226 : vector<16xi1>, vector<16xf32>
        %select_n3A_236 = arith.select %gt3A_234, %select_n3A_230, %select_n3A_227 : vector<16xi1>, vector<16xf32>
        %gt3A_237 = arith.cmpf ogt, %select_n3A_235, %select_n3A_232 : vector<16xf32>
        %select_n3A_238 = arith.select %gt3A_237, %select_n3A_235, %select_n3A_232 : vector<16xi1>, vector<16xf32>
        %select_n3A_239 = arith.select %gt3A_237, %select_n3A_236, %select_n3A_233 : vector<16xi1>, vector<16xf32>
        %add3A_240 = arith.addf %get3A_100, %select_n3A_239 : vector<16xf32>
        %get3A_241 = arith.constant 1 : i32
        %get3A_242 = arith.constant 0 : i32
        %get3A_243 = arith.index_cast %get3A_241 : i32 to index
        %get3A_244 = arith.index_cast %get3A_242 : i32 to index
        %get3A_245 = arith.index_cast %mul3A_99 : i32 to index
        %get3A_246 = tpu.vector_load %arg5[%get3A_243, %get3A_244, %get3A_245] {strides = array<i32>} : memref<4x16x256xf32, #tpu.memory_space<vmem>>, vector<16xf32>,
        %get3A_247 = arith.constant 1 : i32
        %get3A_248 = arith.constant 1 : i32
        %get3A_249 = arith.index_cast %get3A_247 : i32 to index
        %get3A_250 = arith.index_cast %get3A_248 : i32 to index
        %get3A_251 = arith.index_cast %mul3A_99 : i32 to index
        %get3A_252 = tpu.vector_load %arg5[%get3A_249, %get3A_250, %get3A_251] {strides = array<i32>} : memref<4x16x256xf32, #tpu.memory_space<vmem>>, vector<16xf32>,
        %get3A_253 = arith.constant 1 : i32
        %get3A_254 = arith.constant 2 : i32
        %get3A_255 = arith.index_cast %get3A_253 : i32 to index
        %get3A_256 = arith.index_cast %get3A_254 : i32 to index
        %get3A_257 = arith.index_cast %mul3A_99 : i32 to index
        %get3A_258 = tpu.vector_load %arg5[%get3A_255, %get3A_256, %get3A_257] {strides = array<i32>} : memref<4x16x256xf32, #tpu.memory_space<vmem>>, vector<16xf32>,
        %get3A_259 = arith.constant 1 : i32
        %get3A_260 = arith.constant 3 : i32
        %get3A_261 = arith.index_cast %get3A_259 : i32 to index
        %get3A_262 = arith.index_cast %get3A_260 : i32 to index
        %get3A_263 = arith.index_cast %mul3A_99 : i32 to index
        %get3A_264 = tpu.vector_load %arg5[%get3A_261, %get3A_262, %get3A_263] {strides = array<i32>} : memref<4x16x256xf32, #tpu.memory_space<vmem>>, vector<16xf32>,
        %get3A_265 = arith.constant 1 : i32
        %get3A_266 = arith.constant 4 : i32
        %get3A_267 = arith.index_cast %get3A_265 : i32 to index
        %get3A_268 = arith.index_cast %get3A_266 : i32 to index
        %get3A_269 = arith.index_cast %mul3A_99 : i32 to index
        %get3A_270 = tpu.vector_load %arg5[%get3A_267, %get3A_268, %get3A_269] {strides = array<i32>} : memref<4x16x256xf32, #tpu.memory_space<vmem>>, vector<16xf32>,
        %get3A_271 = arith.constant 1 : i32
        %get3A_272 = arith.constant 5 : i32
        %get3A_273 = arith.index_cast %get3A_271 : i32 to index
        %get3A_274 = arith.index_cast %get3A_272 : i32 to index
        %get3A_275 = arith.index_cast %mul3A_99 : i32 to index
        %get3A_276 = tpu.vector_load %arg5[%get3A_273, %get3A_274, %get3A_275] {strides = array<i32>} : memref<4x16x256xf32, #tpu.memory_space<vmem>>, vector<16xf32>,
        %get3A_277 = arith.constant 1 : i32
        %get3A_278 = arith.constant 6 : i32
        %get3A_279 = arith.index_cast %get3A_277 : i32 to index
        %get3A_280 = arith.index_cast %get3A_278 : i32 to index
        %get3A_281 = arith.index_cast %mul3A_99 : i32 to index
        %get3A_282 = tpu.vector_load %arg5[%get3A_279, %get3A_280, %get3A_281] {strides = array<i32>} : memref<4x16x256xf32, #tpu.memory_space<vmem>>, vector<16xf32>,
        %get3A_283 = arith.constant 1 : i32
        %get3A_284 = arith.constant 7 : i32
        %get3A_285 = arith.index_cast %get3A_283 : i32 to index
        %get3A_286 = arith.index_cast %get3A_284 : i32 to index
        %get3A_287 = arith.index_cast %mul3A_99 : i32 to index
        %get3A_288 = tpu.vector_load %arg5[%get3A_285, %get3A_286, %get3A_287] {strides = array<i32>} : memref<4x16x256xf32, #tpu.memory_space<vmem>>, vector<16xf32>,
        %get3A_289 = arith.constant 1 : i32
        %get3A_290 = arith.constant 8 : i32
        %get3A_291 = arith.index_cast %get3A_289 : i32 to index
        %get3A_292 = arith.index_cast %get3A_290 : i32 to index
        %get3A_293 = arith.index_cast %mul3A_99 : i32 to index
        %get3A_294 = tpu.vector_load %arg5[%get3A_291, %get3A_292, %get3A_293] {strides = array<i32>} : memref<4x16x256xf32, #tpu.memory_space<vmem>>, vector<16xf32>,
        %get3A_295 = arith.constant 1 : i32
        %get3A_296 = arith.constant 9 : i32
        %get3A_297 = arith.index_cast %get3A_295 : i32 to index
        %get3A_298 = arith.index_cast %get3A_296 : i32 to index
        %get3A_299 = arith.index_cast %mul3A_99 : i32 to index
        %get3A_300 = tpu.vector_load %arg5[%get3A_297, %get3A_298, %get3A_299] {strides = array<i32>} : memref<4x16x256xf32, #tpu.memory_space<vmem>>, vector<16xf32>,
        %get3A_301 = arith.constant 1 : i32
        %get3A_302 = arith.constant 10 : i32
        %get3A_303 = arith.index_cast %get3A_301 : i32 to index
        %get3A_304 = arith.index_cast %get3A_302 : i32 to index
        %get3A_305 = arith.index_cast %mul3A_99 : i32 to index
        %get3A_306 = tpu.vector_load %arg5[%get3A_303, %get3A_304, %get3A_305] {strides = array<i32>} : memref<4x16x256xf32, #tpu.memory_space<vmem>>, vector<16xf32>,
        %get3A_307 = arith.constant 1 : i32
        %get3A_308 = arith.constant 11 : i32
        %get3A_309 = arith.index_cast %get3A_307 : i32 to index
        %get3A_310 = arith.index_cast %get3A_308 : i32 to index
        %get3A_311 = arith.index_cast %mul3A_99 : i32 to index
        %get3A_312 = tpu.vector_load %arg5[%get3A_309, %get3A_310, %get3A_311] {strides = array<i32>} : memref<4x16x256xf32, #tpu.memory_space<vmem>>, vector<16xf32>,
        %get3A_313 = arith.constant 1 : i32
        %get3A_314 = arith.constant 12 : i32
        %get3A_315 = arith.index_cast %get3A_313 : i32 to index
        %get3A_316 = arith.index_cast %get3A_314 : i32 to index
        %get3A_317 = arith.index_cast %mul3A_99 : i32 to index
        %get3A_318 = tpu.vector_load %arg5[%get3A_315, %get3A_316, %get3A_317] {strides = array<i32>} : memref<4x16x256xf32, #tpu.memory_space<vmem>>, vector<16xf32>,
        %get3A_319 = arith.constant 1 : i32
        %get3A_320 = arith.constant 13 : i32
        %get3A_321 = arith.index_cast %get3A_319 : i32 to index
        %get3A_322 = arith.index_cast %get3A_320 : i32 to index
        %get3A_323 = arith.index_cast %mul3A_99 : i32 to index
        %get3A_324 = tpu.vector_load %arg5[%get3A_321, %get3A_322, %get3A_323] {strides = array<i32>} : memref<4x16x256xf32, #tpu.memory_space<vmem>>, vector<16xf32>,
        %get3A_325 = arith.constant 1 : i32
        %get3A_326 = arith.constant 14 : i32
        %get3A_327 = arith.index_cast %get3A_325 : i32 to index
        %get3A_328 = arith.index_cast %get3A_326 : i32 to index
        %get3A_329 = arith.index_cast %mul3A_99 : i32 to index
        %get3A_330 = tpu.vector_load %arg5[%get3A_327, %get3A_328, %get3A_329] {strides = array<i32>} : memref<4x16x256xf32, #tpu.memory_space<vmem>>, vector<16xf32>,
        %get3A_331 = arith.constant 1 : i32
        %get3A_332 = arith.constant 15 : i32
        %get3A_333 = arith.index_cast %get3A_331 : i32 to index
        %get3A_334 = arith.index_cast %get3A_332 : i32 to index
        %get3A_335 = arith.index_cast %mul3A_99 : i32 to index
        %get3A_336 = tpu.vector_load %arg5[%get3A_333, %get3A_334, %get3A_335] {strides = array<i32>} : memref<4x16x256xf32, #tpu.memory_space<vmem>>, vector<16xf32>,
        %gt3A_337 = arith.cmpf ogt, %get3A_252, %get3A_246 : vector<16xf32>
        %select_n3A_338 = arith.select %gt3A_337, %get3A_252, %get3A_246 : vector<16xi1>, vector<16xf32>
        %select_n3A_339 = arith.select %gt3A_337, %broadcast_in_dim3A_7, %broadcast_in_dim3A_5 : vector<16xi1>, vector<16xf32>
        %gt3A_340 = arith.cmpf ogt, %get3A_264, %get3A_258 : vector<16xf32>
        %select_n3A_341 = arith.select %gt3A_340, %get3A_264, %get3A_258 : vector<16xi1>, vector<16xf32>
        %select_n3A_342 = arith.select %gt3A_340, %broadcast_in_dim3A_11, %broadcast_in_dim3A_9 : vector<16xi1>, vector<16xf32>
        %gt3A_343 = arith.cmpf ogt, %get3A_276, %get3A_270 : vector<16xf32>
        %select_n3A_344 = arith.select %gt3A_343, %get3A_276, %get3A_270 : vector<16xi1>, vector<16xf32>
        %select_n3A_345 = arith.select %gt3A_343, %broadcast_in_dim3A_15, %broadcast_in_dim3A_13 : vector<16xi1>, vector<16xf32>
        %gt3A_346 = arith.cmpf ogt, %get3A_288, %get3A_282 : vector<16xf32>
        %select_n3A_347 = arith.select %gt3A_346, %get3A_288, %get3A_282 : vector<16xi1>, vector<16xf32>
        %select_n3A_348 = arith.select %gt3A_346, %broadcast_in_dim3A_19, %broadcast_in_dim3A_17 : vector<16xi1>, vector<16xf32>
        %gt3A_349 = arith.cmpf ogt, %get3A_300, %get3A_294 : vector<16xf32>
        %select_n3A_350 = arith.select %gt3A_349, %get3A_300, %get3A_294 : vector<16xi1>, vector<16xf32>
        %select_n3A_351 = arith.select %gt3A_349, %broadcast_in_dim3A_23, %broadcast_in_dim3A_21 : vector<16xi1>, vector<16xf32>
        %gt3A_352 = arith.cmpf ogt, %get3A_312, %get3A_306 : vector<16xf32>
        %select_n3A_353 = arith.select %gt3A_352, %get3A_312, %get3A_306 : vector<16xi1>, vector<16xf32>
        %select_n3A_354 = arith.select %gt3A_352, %broadcast_in_dim3A_27, %broadcast_in_dim3A_25 : vector<16xi1>, vector<16xf32>
        %gt3A_355 = arith.cmpf ogt, %get3A_324, %get3A_318 : vector<16xf32>
        %select_n3A_356 = arith.select %gt3A_355, %get3A_324, %get3A_318 : vector<16xi1>, vector<16xf32>
        %select_n3A_357 = arith.select %gt3A_355, %broadcast_in_dim3A_31, %broadcast_in_dim3A_29 : vector<16xi1>, vector<16xf32>
        %gt3A_358 = arith.cmpf ogt, %get3A_336, %get3A_330 : vector<16xf32>
        %select_n3A_359 = arith.select %gt3A_358, %get3A_336, %get3A_330 : vector<16xi1>, vector<16xf32>
        %select_n3A_360 = arith.select %gt3A_358, %broadcast_in_dim3A_35, %broadcast_in_dim3A_33 : vector<16xi1>, vector<16xf32>
        %gt3A_361 = arith.cmpf ogt, %select_n3A_341, %select_n3A_338 : vector<16xf32>
        %select_n3A_362 = arith.select %gt3A_361, %select_n3A_341, %select_n3A_338 : vector<16xi1>, vector<16xf32>
        %select_n3A_363 = arith.select %gt3A_361, %select_n3A_342, %select_n3A_339 : vector<16xi1>, vector<16xf32>
        %gt3A_364 = arith.cmpf ogt, %select_n3A_347, %select_n3A_344 : vector<16xf32>
        %select_n3A_365 = arith.select %gt3A_364, %select_n3A_347, %select_n3A_344 : vector<16xi1>, vector<16xf32>
        %select_n3A_366 = arith.select %gt3A_364, %select_n3A_348, %select_n3A_345 : vector<16xi1>, vector<16xf32>
        %gt3A_367 = arith.cmpf ogt, %select_n3A_353, %select_n3A_350 : vector<16xf32>
        %select_n3A_368 = arith.select %gt3A_367, %select_n3A_353, %select_n3A_350 : vector<16xi1>, vector<16xf32>
        %select_n3A_369 = arith.select %gt3A_367, %select_n3A_354, %select_n3A_351 : vector<16xi1>, vector<16xf32>
        %gt3A_370 = arith.cmpf ogt, %select_n3A_359, %select_n3A_356 : vector<16xf32>
        %select_n3A_371 = arith.select %gt3A_370, %select_n3A_359, %select_n3A_356 : vector<16xi1>, vector<16xf32>
        %select_n3A_372 = arith.select %gt3A_370, %select_n3A_360, %select_n3A_357 : vector<16xi1>, vector<16xf32>
        %gt3A_373 = arith.cmpf ogt, %select_n3A_365, %select_n3A_362 : vector<16xf32>
        %select_n3A_374 = arith.select %gt3A_373, %select_n3A_365, %select_n3A_362 : vector<16xi1>, vector<16xf32>
        %select_n3A_375 = arith.select %gt3A_373, %select_n3A_366, %select_n3A_363 : vector<16xi1>, vector<16xf32>
        %gt3A_376 = arith.cmpf ogt, %select_n3A_371, %select_n3A_368 : vector<16xf32>
        %select_n3A_377 = arith.select %gt3A_376, %select_n3A_371, %select_n3A_368 : vector<16xi1>, vector<16xf32>
        %select_n3A_378 = arith.select %gt3A_376, %select_n3A_372, %select_n3A_369 : vector<16xi1>, vector<16xf32>
        %gt3A_379 = arith.cmpf ogt, %select_n3A_377, %select_n3A_374 : vector<16xf32>
        %select_n3A_380 = arith.select %gt3A_379, %select_n3A_377, %select_n3A_374 : vector<16xi1>, vector<16xf32>
        %select_n3A_381 = arith.select %gt3A_379, %select_n3A_378, %select_n3A_375 : vector<16xi1>, vector<16xf32>
        %add3A_382 = arith.addf %add3A_240, %select_n3A_381 : vector<16xf32>
        %get3A_383 = arith.constant 2 : i32
        %get3A_384 = arith.constant 0 : i32
        %get3A_385 = arith.index_cast %get3A_383 : i32 to index
        %get3A_386 = arith.index_cast %get3A_384 : i32 to index
        %get3A_387 = arith.index_cast %mul3A_99 : i32 to index
        %get3A_388 = tpu.vector_load %arg5[%get3A_385, %get3A_386, %get3A_387] {strides = array<i32>} : memref<4x16x256xf32, #tpu.memory_space<vmem>>, vector<16xf32>,
        %get3A_389 = arith.constant 2 : i32
        %get3A_390 = arith.constant 1 : i32
        %get3A_391 = arith.index_cast %get3A_389 : i32 to index
        %get3A_392 = arith.index_cast %get3A_390 : i32 to index
        %get3A_393 = arith.index_cast %mul3A_99 : i32 to index
        %get3A_394 = tpu.vector_load %arg5[%get3A_391, %get3A_392, %get3A_393] {strides = array<i32>} : memref<4x16x256xf32, #tpu.memory_space<vmem>>, vector<16xf32>,
        %get3A_395 = arith.constant 2 : i32
        %get3A_396 = arith.constant 2 : i32
        %get3A_397 = arith.index_cast %get3A_395 : i32 to index
        %get3A_398 = arith.index_cast %get3A_396 : i32 to index
        %get3A_399 = arith.index_cast %mul3A_99 : i32 to index
        %get3A_400 = tpu.vector_load %arg5[%get3A_397, %get3A_398, %get3A_399] {strides = array<i32>} : memref<4x16x256xf32, #tpu.memory_space<vmem>>, vector<16xf32>,
        %get3A_401 = arith.constant 2 : i32
        %get3A_402 = arith.constant 3 : i32
        %get3A_403 = arith.index_cast %get3A_401 : i32 to index
        %get3A_404 = arith.index_cast %get3A_402 : i32 to index
        %get3A_405 = arith.index_cast %mul3A_99 : i32 to index
        %get3A_406 = tpu.vector_load %arg5[%get3A_403, %get3A_404, %get3A_405] {strides = array<i32>} : memref<4x16x256xf32, #tpu.memory_space<vmem>>, vector<16xf32>,
        %get3A_407 = arith.constant 2 : i32
        %get3A_408 = arith.constant 4 : i32
        %get3A_409 = arith.index_cast %get3A_407 : i32 to index
        %get3A_410 = arith.index_cast %get3A_408 : i32 to index
        %get3A_411 = arith.index_cast %mul3A_99 : i32 to index
        %get3A_412 = tpu.vector_load %arg5[%get3A_409, %get3A_410, %get3A_411] {strides = array<i32>} : memref<4x16x256xf32, #tpu.memory_space<vmem>>, vector<16xf32>,
        %get3A_413 = arith.constant 2 : i32
        %get3A_414 = arith.constant 5 : i32
        %get3A_415 = arith.index_cast %get3A_413 : i32 to index
        %get3A_416 = arith.index_cast %get3A_414 : i32 to index
        %get3A_417 = arith.index_cast %mul3A_99 : i32 to index
        %get3A_418 = tpu.vector_load %arg5[%get3A_415, %get3A_416, %get3A_417] {strides = array<i32>} : memref<4x16x256xf32, #tpu.memory_space<vmem>>, vector<16xf32>,
        %get3A_419 = arith.constant 2 : i32
        %get3A_420 = arith.constant 6 : i32
        %get3A_421 = arith.index_cast %get3A_419 : i32 to index
        %get3A_422 = arith.index_cast %get3A_420 : i32 to index
        %get3A_423 = arith.index_cast %mul3A_99 : i32 to index
        %get3A_424 = tpu.vector_load %arg5[%get3A_421, %get3A_422, %get3A_423] {strides = array<i32>} : memref<4x16x256xf32, #tpu.memory_space<vmem>>, vector<16xf32>,
        %get3A_425 = arith.constant 2 : i32
        %get3A_426 = arith.constant 7 : i32
        %get3A_427 = arith.index_cast %get3A_425 : i32 to index
        %get3A_428 = arith.index_cast %get3A_426 : i32 to index
        %get3A_429 = arith.index_cast %mul3A_99 : i32 to index
        %get3A_430 = tpu.vector_load %arg5[%get3A_427, %get3A_428, %get3A_429] {strides = array<i32>} : memref<4x16x256xf32, #tpu.memory_space<vmem>>, vector<16xf32>,
        %get3A_431 = arith.constant 2 : i32
        %get3A_432 = arith.constant 8 : i32
        %get3A_433 = arith.index_cast %get3A_431 : i32 to index
        %get3A_434 = arith.index_cast %get3A_432 : i32 to index
        %get3A_435 = arith.index_cast %mul3A_99 : i32 to index
        %get3A_436 = tpu.vector_load %arg5[%get3A_433, %get3A_434, %get3A_435] {strides = array<i32>} : memref<4x16x256xf32, #tpu.memory_space<vmem>>, vector<16xf32>,
        %get3A_437 = arith.constant 2 : i32
        %get3A_438 = arith.constant 9 : i32
        %get3A_439 = arith.index_cast %get3A_437 : i32 to index
        %get3A_440 = arith.index_cast %get3A_438 : i32 to index
        %get3A_441 = arith.index_cast %mul3A_99 : i32 to index
        %get3A_442 = tpu.vector_load %arg5[%get3A_439, %get3A_440, %get3A_441] {strides = array<i32>} : memref<4x16x256xf32, #tpu.memory_space<vmem>>, vector<16xf32>,
        %get3A_443 = arith.constant 2 : i32
        %get3A_444 = arith.constant 10 : i32
        %get3A_445 = arith.index_cast %get3A_443 : i32 to index
        %get3A_446 = arith.index_cast %get3A_444 : i32 to index
        %get3A_447 = arith.index_cast %mul3A_99 : i32 to index
        %get3A_448 = tpu.vector_load %arg5[%get3A_445, %get3A_446, %get3A_447] {strides = array<i32>} : memref<4x16x256xf32, #tpu.memory_space<vmem>>, vector<16xf32>,
        %get3A_449 = arith.constant 2 : i32
        %get3A_450 = arith.constant 11 : i32
        %get3A_451 = arith.index_cast %get3A_449 : i32 to index
        %get3A_452 = arith.index_cast %get3A_450 : i32 to index
        %get3A_453 = arith.index_cast %mul3A_99 : i32 to index
        %get3A_454 = tpu.vector_load %arg5[%get3A_451, %get3A_452, %get3A_453] {strides = array<i32>} : memref<4x16x256xf32, #tpu.memory_space<vmem>>, vector<16xf32>,
        %get3A_455 = arith.constant 2 : i32
        %get3A_456 = arith.constant 12 : i32
        %get3A_457 = arith.index_cast %get3A_455 : i32 to index
        %get3A_458 = arith.index_cast %get3A_456 : i32 to index
        %get3A_459 = arith.index_cast %mul3A_99 : i32 to index
        %get3A_460 = tpu.vector_load %arg5[%get3A_457, %get3A_458, %get3A_459] {strides = array<i32>} : memref<4x16x256xf32, #tpu.memory_space<vmem>>, vector<16xf32>,
        %get3A_461 = arith.constant 2 : i32
        %get3A_462 = arith.constant 13 : i32
        %get3A_463 = arith.index_cast %get3A_461 : i32 to index
        %get3A_464 = arith.index_cast %get3A_462 : i32 to index
        %get3A_465 = arith.index_cast %mul3A_99 : i32 to index
        %get3A_466 = tpu.vector_load %arg5[%get3A_463, %get3A_464, %get3A_465] {strides = array<i32>} : memref<4x16x256xf32, #tpu.memory_space<vmem>>, vector<16xf32>,
        %get3A_467 = arith.constant 2 : i32
        %get3A_468 = arith.constant 14 : i32
        %get3A_469 = arith.index_cast %get3A_467 : i32 to index
        %get3A_470 = arith.index_cast %get3A_468 : i32 to index
        %get3A_471 = arith.index_cast %mul3A_99 : i32 to index
        %get3A_472 = tpu.vector_load %arg5[%get3A_469, %get3A_470, %get3A_471] {strides = array<i32>} : memref<4x16x256xf32, #tpu.memory_space<vmem>>, vector<16xf32>,
        %get3A_473 = arith.constant 2 : i32
        %get3A_474 = arith.constant 15 : i32
        %get3A_475 = arith.index_cast %get3A_473 : i32 to index
        %get3A_476 = arith.index_cast %get3A_474 : i32 to index
        %get3A_477 = arith.index_cast %mul3A_99 : i32 to index
        %get3A_478 = tpu.vector_load %arg5[%get3A_475, %get3A_476, %get3A_477] {strides = array<i32>} : memref<4x16x256xf32, #tpu.memory_space<vmem>>, vector<16xf32>,
        %gt3A_479 = arith.cmpf ogt, %get3A_394, %get3A_388 : vector<16xf32>
        %select_n3A_480 = arith.select %gt3A_479, %get3A_394, %get3A_388 : vector<16xi1>, vector<16xf32>
        %select_n3A_481 = arith.select %gt3A_479, %broadcast_in_dim3A_7, %broadcast_in_dim3A_5 : vector<16xi1>, vector<16xf32>
        %gt3A_482 = arith.cmpf ogt, %get3A_406, %get3A_400 : vector<16xf32>
        %select_n3A_483 = arith.select %gt3A_482, %get3A_406, %get3A_400 : vector<16xi1>, vector<16xf32>
        %select_n3A_484 = arith.select %gt3A_482, %broadcast_in_dim3A_11, %broadcast_in_dim3A_9 : vector<16xi1>, vector<16xf32>
        %gt3A_485 = arith.cmpf ogt, %get3A_418, %get3A_412 : vector<16xf32>
        %select_n3A_486 = arith.select %gt3A_485, %get3A_418, %get3A_412 : vector<16xi1>, vector<16xf32>
        %select_n3A_487 = arith.select %gt3A_485, %broadcast_in_dim3A_15, %broadcast_in_dim3A_13 : vector<16xi1>, vector<16xf32>
        %gt3A_488 = arith.cmpf ogt, %get3A_430, %get3A_424 : vector<16xf32>
        %select_n3A_489 = arith.select %gt3A_488, %get3A_430, %get3A_424 : vector<16xi1>, vector<16xf32>
        %select_n3A_490 = arith.select %gt3A_488, %broadcast_in_dim3A_19, %broadcast_in_dim3A_17 : vector<16xi1>, vector<16xf32>
        %gt3A_491 = arith.cmpf ogt, %get3A_442, %get3A_436 : vector<16xf32>
        %select_n3A_492 = arith.select %gt3A_491, %get3A_442, %get3A_436 : vector<16xi1>, vector<16xf32>
        %select_n3A_493 = arith.select %gt3A_491, %broadcast_in_dim3A_23, %broadcast_in_dim3A_21 : vector<16xi1>, vector<16xf32>
        %gt3A_494 = arith.cmpf ogt, %get3A_454, %get3A_448 : vector<16xf32>
        %select_n3A_495 = arith.select %gt3A_494, %get3A_454, %get3A_448 : vector<16xi1>, vector<16xf32>
        %select_n3A_496 = arith.select %gt3A_494, %broadcast_in_dim3A_27, %broadcast_in_dim3A_25 : vector<16xi1>, vector<16xf32>
        %gt3A_497 = arith.cmpf ogt, %get3A_466, %get3A_460 : vector<16xf32>
        %select_n3A_498 = arith.select %gt3A_497, %get3A_466, %get3A_460 : vector<16xi1>, vector<16xf32>
        %select_n3A_499 = arith.select %gt3A_497, %broadcast_in_dim3A_31, %broadcast_in_dim3A_29 : vector<16xi1>, vector<16xf32>
        %gt3A_500 = arith.cmpf ogt, %get3A_478, %get3A_472 : vector<16xf32>
        %select_n3A_501 = arith.select %gt3A_500, %get3A_478, %get3A_472 : vector<16xi1>, vector<16xf32>
        %select_n3A_502 = arith.select %gt3A_500, %broadcast_in_dim3A_35, %broadcast_in_dim3A_33 : vector<16xi1>, vector<16xf32>
        %gt3A_503 = arith.cmpf ogt, %select_n3A_483, %select_n3A_480 : vector<16xf32>
        %select_n3A_504 = arith.select %gt3A_503, %select_n3A_483, %select_n3A_480 : vector<16xi1>, vector<16xf32>
        %select_n3A_505 = arith.select %gt3A_503, %select_n3A_484, %select_n3A_481 : vector<16xi1>, vector<16xf32>
        %gt3A_506 = arith.cmpf ogt, %select_n3A_489, %select_n3A_486 : vector<16xf32>
        %select_n3A_507 = arith.select %gt3A_506, %select_n3A_489, %select_n3A_486 : vector<16xi1>, vector<16xf32>
        %select_n3A_508 = arith.select %gt3A_506, %select_n3A_490, %select_n3A_487 : vector<16xi1>, vector<16xf32>
        %gt3A_509 = arith.cmpf ogt, %select_n3A_495, %select_n3A_492 : vector<16xf32>
        %select_n3A_510 = arith.select %gt3A_509, %select_n3A_495, %select_n3A_492 : vector<16xi1>, vector<16xf32>
        %select_n3A_511 = arith.select %gt3A_509, %select_n3A_496, %select_n3A_493 : vector<16xi1>, vector<16xf32>
        %gt3A_512 = arith.cmpf ogt, %select_n3A_501, %select_n3A_498 : vector<16xf32>
        %select_n3A_513 = arith.select %gt3A_512, %select_n3A_501, %select_n3A_498 : vector<16xi1>, vector<16xf32>
        %select_n3A_514 = arith.select %gt3A_512, %select_n3A_502, %select_n3A_499 : vector<16xi1>, vector<16xf32>
        %gt3A_515 = arith.cmpf ogt, %select_n3A_507, %select_n3A_504 : vector<16xf32>
        %select_n3A_516 = arith.select %gt3A_515, %select_n3A_507, %select_n3A_504 : vector<16xi1>, vector<16xf32>
        %select_n3A_517 = arith.select %gt3A_515, %select_n3A_508, %select_n3A_505 : vector<16xi1>, vector<16xf32>
        %gt3A_518 = arith.cmpf ogt, %select_n3A_513, %select_n3A_510 : vector<16xf32>
        %select_n3A_519 = arith.select %gt3A_518, %select_n3A_513, %select_n3A_510 : vector<16xi1>, vector<16xf32>
        %select_n3A_520 = arith.select %gt3A_518, %select_n3A_514, %select_n3A_511 : vector<16xi1>, vector<16xf32>
        %gt3A_521 = arith.cmpf ogt, %select_n3A_519, %select_n3A_516 : vector<16xf32>
        %select_n3A_522 = arith.select %gt3A_521, %select_n3A_519, %select_n3A_516 : vector<16xi1>, vector<16xf32>
        %select_n3A_523 = arith.select %gt3A_521, %select_n3A_520, %select_n3A_517 : vector<16xi1>, vector<16xf32>
        %add3A_524 = arith.addf %add3A_382, %select_n3A_523 : vector<16xf32>
        %get3A_525 = arith.constant 3 : i32
        %get3A_526 = arith.constant 0 : i32
        %get3A_527 = arith.index_cast %get3A_525 : i32 to index
        %get3A_528 = arith.index_cast %get3A_526 : i32 to index
        %get3A_529 = arith.index_cast %mul3A_99 : i32 to index
        %get3A_530 = tpu.vector_load %arg5[%get3A_527, %get3A_528, %get3A_529] {strides = array<i32>} : memref<4x16x256xf32, #tpu.memory_space<vmem>>, vector<16xf32>,
        %get3A_531 = arith.constant 3 : i32
        %get3A_532 = arith.constant 1 : i32
        %get3A_533 = arith.index_cast %get3A_531 : i32 to index
        %get3A_534 = arith.index_cast %get3A_532 : i32 to index
        %get3A_535 = arith.index_cast %mul3A_99 : i32 to index
        %get3A_536 = tpu.vector_load %arg5[%get3A_533, %get3A_534, %get3A_535] {strides = array<i32>} : memref<4x16x256xf32, #tpu.memory_space<vmem>>, vector<16xf32>,
        %get3A_537 = arith.constant 3 : i32
        %get3A_538 = arith.constant 2 : i32
        %get3A_539 = arith.index_cast %get3A_537 : i32 to index
        %get3A_540 = arith.index_cast %get3A_538 : i32 to index
        %get3A_541 = arith.index_cast %mul3A_99 : i32 to index
        %get3A_542 = tpu.vector_load %arg5[%get3A_539, %get3A_540, %get3A_541] {strides = array<i32>} : memref<4x16x256xf32, #tpu.memory_space<vmem>>, vector<16xf32>,
        %get3A_543 = arith.constant 3 : i32
        %get3A_544 = arith.constant 3 : i32
        %get3A_545 = arith.index_cast %get3A_543 : i32 to index
        %get3A_546 = arith.index_cast %get3A_544 : i32 to index
        %get3A_547 = arith.index_cast %mul3A_99 : i32 to index
        %get3A_548 = tpu.vector_load %arg5[%get3A_545, %get3A_546, %get3A_547] {strides = array<i32>} : memref<4x16x256xf32, #tpu.memory_space<vmem>>, vector<16xf32>,
        %get3A_549 = arith.constant 3 : i32
        %get3A_550 = arith.constant 4 : i32
        %get3A_551 = arith.index_cast %get3A_549 : i32 to index
        %get3A_552 = arith.index_cast %get3A_550 : i32 to index
        %get3A_553 = arith.index_cast %mul3A_99 : i32 to index
        %get3A_554 = tpu.vector_load %arg5[%get3A_551, %get3A_552, %get3A_553] {strides = array<i32>} : memref<4x16x256xf32, #tpu.memory_space<vmem>>, vector<16xf32>,
        %get3A_555 = arith.constant 3 : i32
        %get3A_556 = arith.constant 5 : i32
        %get3A_557 = arith.index_cast %get3A_555 : i32 to index
        %get3A_558 = arith.index_cast %get3A_556 : i32 to index
        %get3A_559 = arith.index_cast %mul3A_99 : i32 to index
        %get3A_560 = tpu.vector_load %arg5[%get3A_557, %get3A_558, %get3A_559] {strides = array<i32>} : memref<4x16x256xf32, #tpu.memory_space<vmem>>, vector<16xf32>,
        %get3A_561 = arith.constant 3 : i32
        %get3A_562 = arith.constant 6 : i32
        %get3A_563 = arith.index_cast %get3A_561 : i32 to index
        %get3A_564 = arith.index_cast %get3A_562 : i32 to index
        %get3A_565 = arith.index_cast %mul3A_99 : i32 to index
        %get3A_566 = tpu.vector_load %arg5[%get3A_563, %get3A_564, %get3A_565] {strides = array<i32>} : memref<4x16x256xf32, #tpu.memory_space<vmem>>, vector<16xf32>,
        %get3A_567 = arith.constant 3 : i32
        %get3A_568 = arith.constant 7 : i32
        %get3A_569 = arith.index_cast %get3A_567 : i32 to index
        %get3A_570 = arith.index_cast %get3A_568 : i32 to index
        %get3A_571 = arith.index_cast %mul3A_99 : i32 to index
        %get3A_572 = tpu.vector_load %arg5[%get3A_569, %get3A_570, %get3A_571] {strides = array<i32>} : memref<4x16x256xf32, #tpu.memory_space<vmem>>, vector<16xf32>,
        %get3A_573 = arith.constant 3 : i32
        %get3A_574 = arith.constant 8 : i32
        %get3A_575 = arith.index_cast %get3A_573 : i32 to index
        %get3A_576 = arith.index_cast %get3A_574 : i32 to index
        %get3A_577 = arith.index_cast %mul3A_99 : i32 to index
        %get3A_578 = tpu.vector_load %arg5[%get3A_575, %get3A_576, %get3A_577] {strides = array<i32>} : memref<4x16x256xf32, #tpu.memory_space<vmem>>, vector<16xf32>,
        %get3A_579 = arith.constant 3 : i32
        %get3A_580 = arith.constant 9 : i32
        %get3A_581 = arith.index_cast %get3A_579 : i32 to index
        %get3A_582 = arith.index_cast %get3A_580 : i32 to index
        %get3A_583 = arith.index_cast %mul3A_99 : i32 to index
        %get3A_584 = tpu.vector_load %arg5[%get3A_581, %get3A_582, %get3A_583] {strides = array<i32>} : memref<4x16x256xf32, #tpu.memory_space<vmem>>, vector<16xf32>,
        %get3A_585 = arith.constant 3 : i32
        %get3A_586 = arith.constant 10 : i32
        %get3A_587 = arith.index_cast %get3A_585 : i32 to index
        %get3A_588 = arith.index_cast %get3A_586 : i32 to index
        %get3A_589 = arith.index_cast %mul3A_99 : i32 to index
        %get3A_590 = tpu.vector_load %arg5[%get3A_587, %get3A_588, %get3A_589] {strides = array<i32>} : memref<4x16x256xf32, #tpu.memory_space<vmem>>, vector<16xf32>,
        %get3A_591 = arith.constant 3 : i32
        %get3A_592 = arith.constant 11 : i32
        %get3A_593 = arith.index_cast %get3A_591 : i32 to index
        %get3A_594 = arith.index_cast %get3A_592 : i32 to index
        %get3A_595 = arith.index_cast %mul3A_99 : i32 to index
        %get3A_596 = tpu.vector_load %arg5[%get3A_593, %get3A_594, %get3A_595] {strides = array<i32>} : memref<4x16x256xf32, #tpu.memory_space<vmem>>, vector<16xf32>,
        %get3A_597 = arith.constant 3 : i32
        %get3A_598 = arith.constant 12 : i32
        %get3A_599 = arith.index_cast %get3A_597 : i32 to index
        %get3A_600 = arith.index_cast %get3A_598 : i32 to index
        %get3A_601 = arith.index_cast %mul3A_99 : i32 to index
        %get3A_602 = tpu.vector_load %arg5[%get3A_599, %get3A_600, %get3A_601] {strides = array<i32>} : memref<4x16x256xf32, #tpu.memory_space<vmem>>, vector<16xf32>,
        %get3A_603 = arith.constant 3 : i32
        %get3A_604 = arith.constant 13 : i32
        %get3A_605 = arith.index_cast %get3A_603 : i32 to index
        %get3A_606 = arith.index_cast %get3A_604 : i32 to index
        %get3A_607 = arith.index_cast %mul3A_99 : i32 to index
        %get3A_608 = tpu.vector_load %arg5[%get3A_605, %get3A_606, %get3A_607] {strides = array<i32>} : memref<4x16x256xf32, #tpu.memory_space<vmem>>, vector<16xf32>,
        %get3A_609 = arith.constant 3 : i32
        %get3A_610 = arith.constant 14 : i32
        %get3A_611 = arith.index_cast %get3A_609 : i32 to index
        %get3A_612 = arith.index_cast %get3A_610 : i32 to index
        %get3A_613 = arith.index_cast %mul3A_99 : i32 to index
        %get3A_614 = tpu.vector_load %arg5[%get3A_611, %get3A_612, %get3A_613] {strides = array<i32>} : memref<4x16x256xf32, #tpu.memory_space<vmem>>, vector<16xf32>,
        %get3A_615 = arith.constant 3 : i32
        %get3A_616 = arith.constant 15 : i32
        %get3A_617 = arith.index_cast %get3A_615 : i32 to index
        %get3A_618 = arith.index_cast %get3A_616 : i32 to index
        %get3A_619 = arith.index_cast %mul3A_99 : i32 to index
        %get3A_620 = tpu.vector_load %arg5[%get3A_617, %get3A_618, %get3A_619] {strides = array<i32>} : memref<4x16x256xf32, #tpu.memory_space<vmem>>, vector<16xf32>,
        %gt3A_621 = arith.cmpf ogt, %get3A_536, %get3A_530 : vector<16xf32>
        %select_n3A_622 = arith.select %gt3A_621, %get3A_536, %get3A_530 : vector<16xi1>, vector<16xf32>
        %select_n3A_623 = arith.select %gt3A_621, %broadcast_in_dim3A_7, %broadcast_in_dim3A_5 : vector<16xi1>, vector<16xf32>
        %gt3A_624 = arith.cmpf ogt, %get3A_548, %get3A_542 : vector<16xf32>
        %select_n3A_625 = arith.select %gt3A_624, %get3A_548, %get3A_542 : vector<16xi1>, vector<16xf32>
        %select_n3A_626 = arith.select %gt3A_624, %broadcast_in_dim3A_11, %broadcast_in_dim3A_9 : vector<16xi1>, vector<16xf32>
        %gt3A_627 = arith.cmpf ogt, %get3A_560, %get3A_554 : vector<16xf32>
        %select_n3A_628 = arith.select %gt3A_627, %get3A_560, %get3A_554 : vector<16xi1>, vector<16xf32>
        %select_n3A_629 = arith.select %gt3A_627, %broadcast_in_dim3A_15, %broadcast_in_dim3A_13 : vector<16xi1>, vector<16xf32>
        %gt3A_630 = arith.cmpf ogt, %get3A_572, %get3A_566 : vector<16xf32>
        %select_n3A_631 = arith.select %gt3A_630, %get3A_572, %get3A_566 : vector<16xi1>, vector<16xf32>
        %select_n3A_632 = arith.select %gt3A_630, %broadcast_in_dim3A_19, %broadcast_in_dim3A_17 : vector<16xi1>, vector<16xf32>
        %gt3A_633 = arith.cmpf ogt, %get3A_584, %get3A_578 : vector<16xf32>
        %select_n3A_634 = arith.select %gt3A_633, %get3A_584, %get3A_578 : vector<16xi1>, vector<16xf32>
        %select_n3A_635 = arith.select %gt3A_633, %broadcast_in_dim3A_23, %broadcast_in_dim3A_21 : vector<16xi1>, vector<16xf32>
        %gt3A_636 = arith.cmpf ogt, %get3A_596, %get3A_590 : vector<16xf32>
        %select_n3A_637 = arith.select %gt3A_636, %get3A_596, %get3A_590 : vector<16xi1>, vector<16xf32>
        %select_n3A_638 = arith.select %gt3A_636, %broadcast_in_dim3A_27, %broadcast_in_dim3A_25 : vector<16xi1>, vector<16xf32>
        %gt3A_639 = arith.cmpf ogt, %get3A_608, %get3A_602 : vector<16xf32>
        %select_n3A_640 = arith.select %gt3A_639, %get3A_608, %get3A_602 : vector<16xi1>, vector<16xf32>
        %select_n3A_641 = arith.select %gt3A_639, %broadcast_in_dim3A_31, %broadcast_in_dim3A_29 : vector<16xi1>, vector<16xf32>
        %gt3A_642 = arith.cmpf ogt, %get3A_620, %get3A_614 : vector<16xf32>
        %select_n3A_643 = arith.select %gt3A_642, %get3A_620, %get3A_614 : vector<16xi1>, vector<16xf32>
        %select_n3A_644 = arith.select %gt3A_642, %broadcast_in_dim3A_35, %broadcast_in_dim3A_33 : vector<16xi1>, vector<16xf32>
        %gt3A_645 = arith.cmpf ogt, %select_n3A_625, %select_n3A_622 : vector<16xf32>
        %select_n3A_646 = arith.select %gt3A_645, %select_n3A_625, %select_n3A_622 : vector<16xi1>, vector<16xf32>
        %select_n3A_647 = arith.select %gt3A_645, %select_n3A_626, %select_n3A_623 : vector<16xi1>, vector<16xf32>
        %gt3A_648 = arith.cmpf ogt, %select_n3A_631, %select_n3A_628 : vector<16xf32>
        %select_n3A_649 = arith.select %gt3A_648, %select_n3A_631, %select_n3A_628 : vector<16xi1>, vector<16xf32>
        %select_n3A_650 = arith.select %gt3A_648, %select_n3A_632, %select_n3A_629 : vector<16xi1>, vector<16xf32>
        %gt3A_651 = arith.cmpf ogt, %select_n3A_637, %select_n3A_634 : vector<16xf32>
        %select_n3A_652 = arith.select %gt3A_651, %select_n3A_637, %select_n3A_634 : vector<16xi1>, vector<16xf32>
        %select_n3A_653 = arith.select %gt3A_651, %select_n3A_638, %select_n3A_635 : vector<16xi1>, vector<16xf32>
        %gt3A_654 = arith.cmpf ogt, %select_n3A_643, %select_n3A_640 : vector<16xf32>
        %select_n3A_655 = arith.select %gt3A_654, %select_n3A_643, %select_n3A_640 : vector<16xi1>, vector<16xf32>
        %select_n3A_656 = arith.select %gt3A_654, %select_n3A_644, %select_n3A_641 : vector<16xi1>, vector<16xf32>
        %gt3A_657 = arith.cmpf ogt, %select_n3A_649, %select_n3A_646 : vector<16xf32>
        %select_n3A_658 = arith.select %gt3A_657, %select_n3A_649, %select_n3A_646 : vector<16xi1>, vector<16xf32>
        %select_n3A_659 = arith.select %gt3A_657, %select_n3A_650, %select_n3A_647 : vector<16xi1>, vector<16xf32>
        %gt3A_660 = arith.cmpf ogt, %select_n3A_655, %select_n3A_652 : vector<16xf32>
        %select_n3A_661 = arith.select %gt3A_660, %select_n3A_655, %select_n3A_652 : vector<16xi1>, vector<16xf32>
        %select_n3A_662 = arith.select %gt3A_660, %select_n3A_656, %select_n3A_653 : vector<16xi1>, vector<16xf32>
        %gt3A_663 = arith.cmpf ogt, %select_n3A_661, %select_n3A_658 : vector<16xf32>
        %select_n3A_664 = arith.select %gt3A_663, %select_n3A_661, %select_n3A_658 : vector<16xi1>, vector<16xf32>
        %select_n3A_665 = arith.select %gt3A_663, %select_n3A_662, %select_n3A_659 : vector<16xi1>, vector<16xf32>
        %add3A_666 = arith.addf %add3A_524, %select_n3A_665 : vector<16xf32>
        %swap3A = arith.index_cast %mul3A_99 : i32 to index
        %swap3A_667 = tpu.vector_load %arg6[%swap3A] {strides = array<i32>} : memref<256xf32, #tpu.memory_space<vmem>>, vector<16xf32>,
        tpu.vector_store %arg6[%swap3A], %add3A_666 {strides = array<i32>} : memref<256xf32, #tpu.memory_space<vmem>>, vector<16xf32>,
      }
      %scan3A_96 = arith.constant 16 : i32
    }
    %scan3A_51 = arith.constant 25 : i32
    "tpu.region"() ({
      %run_scoped3A = tpu.sem_alloc : memref<!tpu.dma_semaphore, #tpu.memory_space<semaphore_mem>>
      %dma_start3A_52 = tpu.memref_slice %arg3[%mul3A_2] : memref<8192xf32, #tpu.memory_space<hbm>> -> memref<256xf32, #tpu.memory_space<hbm>>
      %dma_start3A_53 = tpu.memref_slice %arg3[%mul3A_2] : memref<8192xf32, #tpu.memory_space<hbm>> -> memref<256xf32, #tpu.memory_space<hbm>>
      tpu.enqueue_dma source(%arg6 : memref<256xf32, #tpu.memory_space<vmem>>) target(%dma_start3A_53 : memref<256xf32, #tpu.memory_space<hbm>>) target_semaphore(%run_scoped3A : memref<!tpu.dma_semaphore, #tpu.memory_space<semaphore_mem>>)
      %dma_wait3A = tpu.memref_slice %arg3[%mul3A_2] : memref<8192xf32, #tpu.memory_space<hbm>> -> memref<256xf32, #tpu.memory_space<hbm>>
      %dma_wait3A_54 = tpu.memref_slice %arg3[%mul3A_2] : memref<8192xf32, #tpu.memory_space<hbm>> -> memref<256xf32, #tpu.memory_space<hbm>>
      tpu.wait_dma2 semaphore(%run_scoped3A : memref<!tpu.dma_semaphore, #tpu.memory_space<semaphore_mem>>) src(%arg6 : memref<256xf32, #tpu.memory_space<vmem>>) dst(%dma_wait3A_54 : memref<256xf32, #tpu.memory_space<hbm>>)
      tpu.yield
    }) : () -> ()
    return
  }
}

module attributes {stable_mosaic.version = 14 : i64} {
  func.func @_tc_kernel_body(%arg0: i32, %arg1: memref<200x16x1024xf32, #tpu.memory_space<vmem>>, %arg2: memref<8x128xf32, #tpu.memory_space<vmem>>) attributes {dimension_semantics = [#tpu.dimension_semantics<arbitrary>], iteration_bounds = array<i64: 8>, scalar_prefetch = 0 : i64, scratch_operands = 0 : i64, tpu.core_type = #tpu.core_type<tc>, window_params = [{transform_indices = @transform_0, window_bounds = array<i64: 200, 16, 1024>}, {transform_indices = @transform_1, window_bounds = array<i64: 8, 128>}]} {
    %broadcast_in_dim3A = arith.constant 0.00794301182 : f32
    %broadcast_in_dim3A_0 = vector.broadcast %broadcast_in_dim3A : f32 to vector<1x128xf32>
    %broadcast_in_dim3A_1 = arith.constant 0.0946463495 : f32
    %broadcast_in_dim3A_2 = vector.broadcast %broadcast_in_dim3A_1 : f32 to vector<1x128xf32>
    %broadcast_in_dim3A_3 = arith.constant 0.110374771 : f32
    %broadcast_in_dim3A_4 = vector.broadcast %broadcast_in_dim3A_3 : f32 to vector<1x128xf32>
    %broadcast_in_dim3A_5 = arith.constant 0.126071677 : f32
    %broadcast_in_dim3A_6 = vector.broadcast %broadcast_in_dim3A_5 : f32 to vector<1x128xf32>
    %broadcast_in_dim3A_7 = arith.constant 0.149703711 : f32
    %broadcast_in_dim3A_8 = vector.broadcast %broadcast_in_dim3A_7 : f32 to vector<1x128xf32>
    %broadcast_in_dim3A_9 = arith.constant 0.244074255 : f32
    %broadcast_in_dim3A_10 = vector.broadcast %broadcast_in_dim3A_9 : f32 to vector<1x128xf32>
    %broadcast_in_dim3A_11 = arith.constant 0.252631903 : f32
    %broadcast_in_dim3A_12 = vector.broadcast %broadcast_in_dim3A_11 : f32 to vector<1x128xf32>
    %broadcast_in_dim3A_13 = arith.constant 0.279368669 : f32
    %broadcast_in_dim3A_14 = vector.broadcast %broadcast_in_dim3A_13 : f32 to vector<1x128xf32>
    %concatenate3A = tpu.concatenate %broadcast_in_dim3A_0, %broadcast_in_dim3A_2, %broadcast_in_dim3A_4, %broadcast_in_dim3A_6, %broadcast_in_dim3A_8, %broadcast_in_dim3A_10, %broadcast_in_dim3A_12, %broadcast_in_dim3A_14 in 0 : vector<1x128xf32>, vector<1x128xf32>, vector<1x128xf32>, vector<1x128xf32>, vector<1x128xf32>, vector<1x128xf32>, vector<1x128xf32>, vector<1x128xf32> -> vector<8x128xf32>
    %broadcast_in_dim3A_15 = arith.constant 0.629641294 : f32
    %broadcast_in_dim3A_16 = vector.broadcast %broadcast_in_dim3A_15 : f32 to vector<1x128xf32>
    %broadcast_in_dim3A_17 = arith.constant 1.000000e+00 : f32
    %broadcast_in_dim3A_18 = vector.broadcast %broadcast_in_dim3A_17 : f32 to vector<1x128xf32>
    %broadcast_in_dim3A_19 = arith.constant 0.0851903781 : f32
    %broadcast_in_dim3A_20 = vector.broadcast %broadcast_in_dim3A_19 : f32 to vector<1x128xf32>
    %broadcast_in_dim3A_21 = arith.constant 0.221316904 : f32
    %broadcast_in_dim3A_22 = vector.broadcast %broadcast_in_dim3A_21 : f32 to vector<1x128xf32>
    %broadcast_in_dim3A_23 = arith.constant 0.6222893 : f32
    %broadcast_in_dim3A_24 = vector.broadcast %broadcast_in_dim3A_23 : f32 to vector<1x128xf32>
    %broadcast_in_dim3A_25 = arith.constant 0.181160569 : f32
    %broadcast_in_dim3A_26 = vector.broadcast %broadcast_in_dim3A_25 : f32 to vector<1x128xf32>
    %broadcast_in_dim3A_27 = arith.constant 0.308091164 : f32
    %broadcast_in_dim3A_28 = vector.broadcast %broadcast_in_dim3A_27 : f32 to vector<1x128xf32>
    %broadcast_in_dim3A_29 = arith.constant 0.0546948873 : f32
    %broadcast_in_dim3A_30 = vector.broadcast %broadcast_in_dim3A_29 : f32 to vector<1x128xf32>
    %concatenate3A_31 = tpu.concatenate %broadcast_in_dim3A_16, %broadcast_in_dim3A_18, %broadcast_in_dim3A_20, %broadcast_in_dim3A_22, %broadcast_in_dim3A_24, %broadcast_in_dim3A_26, %broadcast_in_dim3A_28, %broadcast_in_dim3A_30 in 0 : vector<1x128xf32>, vector<1x128xf32>, vector<1x128xf32>, vector<1x128xf32>, vector<1x128xf32>, vector<1x128xf32>, vector<1x128xf32>, vector<1x128xf32> -> vector<8x128xf32>
    %iota3A = tpu.iota {dimensions = array<i32: 0>} : vector<8x128xi32>
    %eq3A = arith.constant 0 : i32
    %eq3A_32 = vector.broadcast %eq3A : i32 to vector<8x128xi32>
    %eq3A_33 = arith.cmpi eq, %iota3A, %eq3A_32 : vector<8x128xi32>
    %broadcast_in_dim3A_34 = arith.constant 0.000000e+00 : f32
    %broadcast_in_dim3A_35 = vector.broadcast %broadcast_in_dim3A_34 : f32 to vector<8x128xf32>
    %scan3A = arith.constant 0 : i32
    %scan3A_36 = arith.constant 200 : i32
    %scan3A_37 = arith.addi %scan3A, %scan3A_36 : i32
    %scan3A_38 = arith.constant 1 : i32
    %scan3A_39:8 = scf.for %scan3A_71 = %scan3A to %scan3A_37 step %scan3A_38 iter_args(%scan3A_72 = %broadcast_in_dim3A_35, %scan3A_73 = %broadcast_in_dim3A_35, %scan3A_74 = %broadcast_in_dim3A_35, %scan3A_75 = %broadcast_in_dim3A_35, %scan3A_76 = %broadcast_in_dim3A_35, %scan3A_77 = %broadcast_in_dim3A_35, %scan3A_78 = %broadcast_in_dim3A_35, %scan3A_79 = %broadcast_in_dim3A_35) -> (vector<8x128xf32>, vector<8x128xf32>, vector<8x128xf32>, vector<8x128xf32>, vector<8x128xf32>, vector<8x128xf32>, vector<8x128xf32>, vector<8x128xf32>)  : i32 {
      %get3A = arith.index_cast %scan3A_71 : i32 to index
      %get3A_80 = arith.constant 0 : index
      %get3A_81 = arith.constant 0 : index
      %get3A_82 = vector.load %arg1[%get3A, %get3A_80, %get3A_81] : memref<200x16x1024xf32, #tpu.memory_space<vmem>>, vector<1x8x128xf32>
      %get3A_83 = vector.shape_cast %get3A_82 : vector<1x8x128xf32> to vector<8x128xf32>
      %get3A_84 = arith.index_cast %scan3A_71 : i32 to index
      %get3A_85 = arith.constant 8 : index
      %get3A_86 = arith.constant 0 : index
      %get3A_87 = vector.load %arg1[%get3A_84, %get3A_85, %get3A_86] : memref<200x16x1024xf32, #tpu.memory_space<vmem>>, vector<1x8x128xf32>
      %get3A_88 = vector.shape_cast %get3A_87 : vector<1x8x128xf32> to vector<8x128xf32>
      %gt3A = arith.cmpf ogt, %get3A_88, %get3A_83 : vector<8x128xf32>
      %select_n3A = arith.select %gt3A, %get3A_88, %get3A_83 : vector<8x128xi1>, vector<8x128xf32>
      %select_n3A_89 = arith.select %gt3A, %concatenate3A_31, %concatenate3A : vector<8x128xi1>, vector<8x128xf32>
      %roll3A = arith.constant 7 : i32
      %roll3A_90 = tpu.dynamic_rotate %select_n3A by %roll3A dim 0 : vector<8x128xf32>, i32 -> vector<8x128xf32>
      %roll3A_91 = arith.constant 7 : i32
      %roll3A_92 = tpu.dynamic_rotate %select_n3A_89 by %roll3A_91 dim 0 : vector<8x128xf32>, i32 -> vector<8x128xf32>
      %gt3A_93 = arith.cmpf ogt, %roll3A_90, %select_n3A : vector<8x128xf32>
      %select_n3A_94 = arith.select %gt3A_93, %roll3A_90, %select_n3A : vector<8x128xi1>, vector<8x128xf32>
      %select_n3A_95 = arith.select %gt3A_93, %roll3A_92, %select_n3A_89 : vector<8x128xi1>, vector<8x128xf32>
      %roll3A_96 = arith.constant 6 : i32
      %roll3A_97 = tpu.dynamic_rotate %select_n3A_94 by %roll3A_96 dim 0 : vector<8x128xf32>, i32 -> vector<8x128xf32>
      %roll3A_98 = arith.constant 6 : i32
      %roll3A_99 = tpu.dynamic_rotate %select_n3A_95 by %roll3A_98 dim 0 : vector<8x128xf32>, i32 -> vector<8x128xf32>
      %gt3A_100 = arith.cmpf ogt, %roll3A_97, %select_n3A_94 : vector<8x128xf32>
      %select_n3A_101 = arith.select %gt3A_100, %roll3A_97, %select_n3A_94 : vector<8x128xi1>, vector<8x128xf32>
      %select_n3A_102 = arith.select %gt3A_100, %roll3A_99, %select_n3A_95 : vector<8x128xi1>, vector<8x128xf32>
      %roll3A_103 = arith.constant 4 : i32
      %roll3A_104 = tpu.dynamic_rotate %select_n3A_101 by %roll3A_103 dim 0 : vector<8x128xf32>, i32 -> vector<8x128xf32>
      %roll3A_105 = arith.constant 4 : i32
      %roll3A_106 = tpu.dynamic_rotate %select_n3A_102 by %roll3A_105 dim 0 : vector<8x128xf32>, i32 -> vector<8x128xf32>
      %gt3A_107 = arith.cmpf ogt, %roll3A_104, %select_n3A_101 : vector<8x128xf32>
      %select_n3A_108 = arith.select %gt3A_107, %roll3A_106, %select_n3A_102 : vector<8x128xi1>, vector<8x128xf32>
      %select_n3A_109 = arith.select %eq3A_33, %select_n3A_108, %broadcast_in_dim3A_35 : vector<8x128xi1>, vector<8x128xf32>
      %add3A = arith.addf %scan3A_72, %select_n3A_109 : vector<8x128xf32>
      %get3A_110 = arith.index_cast %scan3A_71 : i32 to index
      %get3A_111 = arith.constant 0 : index
      %get3A_112 = arith.constant 128 : index
      %get3A_113 = vector.load %arg1[%get3A_110, %get3A_111, %get3A_112] : memref<200x16x1024xf32, #tpu.memory_space<vmem>>, vector<1x8x128xf32>
      %get3A_114 = vector.shape_cast %get3A_113 : vector<1x8x128xf32> to vector<8x128xf32>
      %get3A_115 = arith.index_cast %scan3A_71 : i32 to index
      %get3A_116 = arith.constant 8 : index
      %get3A_117 = arith.constant 128 : index
      %get3A_118 = vector.load %arg1[%get3A_115, %get3A_116, %get3A_117] : memref<200x16x1024xf32, #tpu.memory_space<vmem>>, vector<1x8x128xf32>
      %get3A_119 = vector.shape_cast %get3A_118 : vector<1x8x128xf32> to vector<8x128xf32>
      %gt3A_120 = arith.cmpf ogt, %get3A_119, %get3A_114 : vector<8x128xf32>
      %select_n3A_121 = arith.select %gt3A_120, %get3A_119, %get3A_114 : vector<8x128xi1>, vector<8x128xf32>
      %select_n3A_122 = arith.select %gt3A_120, %concatenate3A_31, %concatenate3A : vector<8x128xi1>, vector<8x128xf32>
      %roll3A_123 = arith.constant 7 : i32
      %roll3A_124 = tpu.dynamic_rotate %select_n3A_121 by %roll3A_123 dim 0 : vector<8x128xf32>, i32 -> vector<8x128xf32>
      %roll3A_125 = arith.constant 7 : i32
      %roll3A_126 = tpu.dynamic_rotate %select_n3A_122 by %roll3A_125 dim 0 : vector<8x128xf32>, i32 -> vector<8x128xf32>
      %gt3A_127 = arith.cmpf ogt, %roll3A_124, %select_n3A_121 : vector<8x128xf32>
      %select_n3A_128 = arith.select %gt3A_127, %roll3A_124, %select_n3A_121 : vector<8x128xi1>, vector<8x128xf32>
      %select_n3A_129 = arith.select %gt3A_127, %roll3A_126, %select_n3A_122 : vector<8x128xi1>, vector<8x128xf32>
      %roll3A_130 = arith.constant 6 : i32
      %roll3A_131 = tpu.dynamic_rotate %select_n3A_128 by %roll3A_130 dim 0 : vector<8x128xf32>, i32 -> vector<8x128xf32>
      %roll3A_132 = arith.constant 6 : i32
      %roll3A_133 = tpu.dynamic_rotate %select_n3A_129 by %roll3A_132 dim 0 : vector<8x128xf32>, i32 -> vector<8x128xf32>
      %gt3A_134 = arith.cmpf ogt, %roll3A_131, %select_n3A_128 : vector<8x128xf32>
      %select_n3A_135 = arith.select %gt3A_134, %roll3A_131, %select_n3A_128 : vector<8x128xi1>, vector<8x128xf32>
      %select_n3A_136 = arith.select %gt3A_134, %roll3A_133, %select_n3A_129 : vector<8x128xi1>, vector<8x128xf32>
      %roll3A_137 = arith.constant 4 : i32
      %roll3A_138 = tpu.dynamic_rotate %select_n3A_135 by %roll3A_137 dim 0 : vector<8x128xf32>, i32 -> vector<8x128xf32>
      %roll3A_139 = arith.constant 4 : i32
      %roll3A_140 = tpu.dynamic_rotate %select_n3A_136 by %roll3A_139 dim 0 : vector<8x128xf32>, i32 -> vector<8x128xf32>
      %gt3A_141 = arith.cmpf ogt, %roll3A_138, %select_n3A_135 : vector<8x128xf32>
      %select_n3A_142 = arith.select %gt3A_141, %roll3A_140, %select_n3A_136 : vector<8x128xi1>, vector<8x128xf32>
      %select_n3A_143 = arith.select %eq3A_33, %select_n3A_142, %broadcast_in_dim3A_35 : vector<8x128xi1>, vector<8x128xf32>
      %add3A_144 = arith.addf %scan3A_73, %select_n3A_143 : vector<8x128xf32>
      %get3A_145 = arith.index_cast %scan3A_71 : i32 to index
      %get3A_146 = arith.constant 0 : index
      %get3A_147 = arith.constant 256 : index
      %get3A_148 = vector.load %arg1[%get3A_145, %get3A_146, %get3A_147] : memref<200x16x1024xf32, #tpu.memory_space<vmem>>, vector<1x8x128xf32>
      %get3A_149 = vector.shape_cast %get3A_148 : vector<1x8x128xf32> to vector<8x128xf32>
      %get3A_150 = arith.index_cast %scan3A_71 : i32 to index
      %get3A_151 = arith.constant 8 : index
      %get3A_152 = arith.constant 256 : index
      %get3A_153 = vector.load %arg1[%get3A_150, %get3A_151, %get3A_152] : memref<200x16x1024xf32, #tpu.memory_space<vmem>>, vector<1x8x128xf32>
      %get3A_154 = vector.shape_cast %get3A_153 : vector<1x8x128xf32> to vector<8x128xf32>
      %gt3A_155 = arith.cmpf ogt, %get3A_154, %get3A_149 : vector<8x128xf32>
      %select_n3A_156 = arith.select %gt3A_155, %get3A_154, %get3A_149 : vector<8x128xi1>, vector<8x128xf32>
      %select_n3A_157 = arith.select %gt3A_155, %concatenate3A_31, %concatenate3A : vector<8x128xi1>, vector<8x128xf32>
      %roll3A_158 = arith.constant 7 : i32
      %roll3A_159 = tpu.dynamic_rotate %select_n3A_156 by %roll3A_158 dim 0 : vector<8x128xf32>, i32 -> vector<8x128xf32>
      %roll3A_160 = arith.constant 7 : i32
      %roll3A_161 = tpu.dynamic_rotate %select_n3A_157 by %roll3A_160 dim 0 : vector<8x128xf32>, i32 -> vector<8x128xf32>
      %gt3A_162 = arith.cmpf ogt, %roll3A_159, %select_n3A_156 : vector<8x128xf32>
      %select_n3A_163 = arith.select %gt3A_162, %roll3A_159, %select_n3A_156 : vector<8x128xi1>, vector<8x128xf32>
      %select_n3A_164 = arith.select %gt3A_162, %roll3A_161, %select_n3A_157 : vector<8x128xi1>, vector<8x128xf32>
      %roll3A_165 = arith.constant 6 : i32
      %roll3A_166 = tpu.dynamic_rotate %select_n3A_163 by %roll3A_165 dim 0 : vector<8x128xf32>, i32 -> vector<8x128xf32>
      %roll3A_167 = arith.constant 6 : i32
      %roll3A_168 = tpu.dynamic_rotate %select_n3A_164 by %roll3A_167 dim 0 : vector<8x128xf32>, i32 -> vector<8x128xf32>
      %gt3A_169 = arith.cmpf ogt, %roll3A_166, %select_n3A_163 : vector<8x128xf32>
      %select_n3A_170 = arith.select %gt3A_169, %roll3A_166, %select_n3A_163 : vector<8x128xi1>, vector<8x128xf32>
      %select_n3A_171 = arith.select %gt3A_169, %roll3A_168, %select_n3A_164 : vector<8x128xi1>, vector<8x128xf32>
      %roll3A_172 = arith.constant 4 : i32
      %roll3A_173 = tpu.dynamic_rotate %select_n3A_170 by %roll3A_172 dim 0 : vector<8x128xf32>, i32 -> vector<8x128xf32>
      %roll3A_174 = arith.constant 4 : i32
      %roll3A_175 = tpu.dynamic_rotate %select_n3A_171 by %roll3A_174 dim 0 : vector<8x128xf32>, i32 -> vector<8x128xf32>
      %gt3A_176 = arith.cmpf ogt, %roll3A_173, %select_n3A_170 : vector<8x128xf32>
      %select_n3A_177 = arith.select %gt3A_176, %roll3A_175, %select_n3A_171 : vector<8x128xi1>, vector<8x128xf32>
      %select_n3A_178 = arith.select %eq3A_33, %select_n3A_177, %broadcast_in_dim3A_35 : vector<8x128xi1>, vector<8x128xf32>
      %add3A_179 = arith.addf %scan3A_74, %select_n3A_178 : vector<8x128xf32>
      %get3A_180 = arith.index_cast %scan3A_71 : i32 to index
      %get3A_181 = arith.constant 0 : index
      %get3A_182 = arith.constant 384 : index
      %get3A_183 = vector.load %arg1[%get3A_180, %get3A_181, %get3A_182] : memref<200x16x1024xf32, #tpu.memory_space<vmem>>, vector<1x8x128xf32>
      %get3A_184 = vector.shape_cast %get3A_183 : vector<1x8x128xf32> to vector<8x128xf32>
      %get3A_185 = arith.index_cast %scan3A_71 : i32 to index
      %get3A_186 = arith.constant 8 : index
      %get3A_187 = arith.constant 384 : index
      %get3A_188 = vector.load %arg1[%get3A_185, %get3A_186, %get3A_187] : memref<200x16x1024xf32, #tpu.memory_space<vmem>>, vector<1x8x128xf32>
      %get3A_189 = vector.shape_cast %get3A_188 : vector<1x8x128xf32> to vector<8x128xf32>
      %gt3A_190 = arith.cmpf ogt, %get3A_189, %get3A_184 : vector<8x128xf32>
      %select_n3A_191 = arith.select %gt3A_190, %get3A_189, %get3A_184 : vector<8x128xi1>, vector<8x128xf32>
      %select_n3A_192 = arith.select %gt3A_190, %concatenate3A_31, %concatenate3A : vector<8x128xi1>, vector<8x128xf32>
      %roll3A_193 = arith.constant 7 : i32
      %roll3A_194 = tpu.dynamic_rotate %select_n3A_191 by %roll3A_193 dim 0 : vector<8x128xf32>, i32 -> vector<8x128xf32>
      %roll3A_195 = arith.constant 7 : i32
      %roll3A_196 = tpu.dynamic_rotate %select_n3A_192 by %roll3A_195 dim 0 : vector<8x128xf32>, i32 -> vector<8x128xf32>
      %gt3A_197 = arith.cmpf ogt, %roll3A_194, %select_n3A_191 : vector<8x128xf32>
      %select_n3A_198 = arith.select %gt3A_197, %roll3A_194, %select_n3A_191 : vector<8x128xi1>, vector<8x128xf32>
      %select_n3A_199 = arith.select %gt3A_197, %roll3A_196, %select_n3A_192 : vector<8x128xi1>, vector<8x128xf32>
      %roll3A_200 = arith.constant 6 : i32
      %roll3A_201 = tpu.dynamic_rotate %select_n3A_198 by %roll3A_200 dim 0 : vector<8x128xf32>, i32 -> vector<8x128xf32>
      %roll3A_202 = arith.constant 6 : i32
      %roll3A_203 = tpu.dynamic_rotate %select_n3A_199 by %roll3A_202 dim 0 : vector<8x128xf32>, i32 -> vector<8x128xf32>
      %gt3A_204 = arith.cmpf ogt, %roll3A_201, %select_n3A_198 : vector<8x128xf32>
      %select_n3A_205 = arith.select %gt3A_204, %roll3A_201, %select_n3A_198 : vector<8x128xi1>, vector<8x128xf32>
      %select_n3A_206 = arith.select %gt3A_204, %roll3A_203, %select_n3A_199 : vector<8x128xi1>, vector<8x128xf32>
      %roll3A_207 = arith.constant 4 : i32
      %roll3A_208 = tpu.dynamic_rotate %select_n3A_205 by %roll3A_207 dim 0 : vector<8x128xf32>, i32 -> vector<8x128xf32>
      %roll3A_209 = arith.constant 4 : i32
      %roll3A_210 = tpu.dynamic_rotate %select_n3A_206 by %roll3A_209 dim 0 : vector<8x128xf32>, i32 -> vector<8x128xf32>
      %gt3A_211 = arith.cmpf ogt, %roll3A_208, %select_n3A_205 : vector<8x128xf32>
      %select_n3A_212 = arith.select %gt3A_211, %roll3A_210, %select_n3A_206 : vector<8x128xi1>, vector<8x128xf32>
      %select_n3A_213 = arith.select %eq3A_33, %select_n3A_212, %broadcast_in_dim3A_35 : vector<8x128xi1>, vector<8x128xf32>
      %add3A_214 = arith.addf %scan3A_75, %select_n3A_213 : vector<8x128xf32>
      %get3A_215 = arith.index_cast %scan3A_71 : i32 to index
      %get3A_216 = arith.constant 0 : index
      %get3A_217 = arith.constant 512 : index
      %get3A_218 = vector.load %arg1[%get3A_215, %get3A_216, %get3A_217] : memref<200x16x1024xf32, #tpu.memory_space<vmem>>, vector<1x8x128xf32>
      %get3A_219 = vector.shape_cast %get3A_218 : vector<1x8x128xf32> to vector<8x128xf32>
      %get3A_220 = arith.index_cast %scan3A_71 : i32 to index
      %get3A_221 = arith.constant 8 : index
      %get3A_222 = arith.constant 512 : index
      %get3A_223 = vector.load %arg1[%get3A_220, %get3A_221, %get3A_222] : memref<200x16x1024xf32, #tpu.memory_space<vmem>>, vector<1x8x128xf32>
      %get3A_224 = vector.shape_cast %get3A_223 : vector<1x8x128xf32> to vector<8x128xf32>
      %gt3A_225 = arith.cmpf ogt, %get3A_224, %get3A_219 : vector<8x128xf32>
      %select_n3A_226 = arith.select %gt3A_225, %get3A_224, %get3A_219 : vector<8x128xi1>, vector<8x128xf32>
      %select_n3A_227 = arith.select %gt3A_225, %concatenate3A_31, %concatenate3A : vector<8x128xi1>, vector<8x128xf32>
      %roll3A_228 = arith.constant 7 : i32
      %roll3A_229 = tpu.dynamic_rotate %select_n3A_226 by %roll3A_228 dim 0 : vector<8x128xf32>, i32 -> vector<8x128xf32>
      %roll3A_230 = arith.constant 7 : i32
      %roll3A_231 = tpu.dynamic_rotate %select_n3A_227 by %roll3A_230 dim 0 : vector<8x128xf32>, i32 -> vector<8x128xf32>
      %gt3A_232 = arith.cmpf ogt, %roll3A_229, %select_n3A_226 : vector<8x128xf32>
      %select_n3A_233 = arith.select %gt3A_232, %roll3A_229, %select_n3A_226 : vector<8x128xi1>, vector<8x128xf32>
      %select_n3A_234 = arith.select %gt3A_232, %roll3A_231, %select_n3A_227 : vector<8x128xi1>, vector<8x128xf32>
      %roll3A_235 = arith.constant 6 : i32
      %roll3A_236 = tpu.dynamic_rotate %select_n3A_233 by %roll3A_235 dim 0 : vector<8x128xf32>, i32 -> vector<8x128xf32>
      %roll3A_237 = arith.constant 6 : i32
      %roll3A_238 = tpu.dynamic_rotate %select_n3A_234 by %roll3A_237 dim 0 : vector<8x128xf32>, i32 -> vector<8x128xf32>
      %gt3A_239 = arith.cmpf ogt, %roll3A_236, %select_n3A_233 : vector<8x128xf32>
      %select_n3A_240 = arith.select %gt3A_239, %roll3A_236, %select_n3A_233 : vector<8x128xi1>, vector<8x128xf32>
      %select_n3A_241 = arith.select %gt3A_239, %roll3A_238, %select_n3A_234 : vector<8x128xi1>, vector<8x128xf32>
      %roll3A_242 = arith.constant 4 : i32
      %roll3A_243 = tpu.dynamic_rotate %select_n3A_240 by %roll3A_242 dim 0 : vector<8x128xf32>, i32 -> vector<8x128xf32>
      %roll3A_244 = arith.constant 4 : i32
      %roll3A_245 = tpu.dynamic_rotate %select_n3A_241 by %roll3A_244 dim 0 : vector<8x128xf32>, i32 -> vector<8x128xf32>
      %gt3A_246 = arith.cmpf ogt, %roll3A_243, %select_n3A_240 : vector<8x128xf32>
      %select_n3A_247 = arith.select %gt3A_246, %roll3A_245, %select_n3A_241 : vector<8x128xi1>, vector<8x128xf32>
      %select_n3A_248 = arith.select %eq3A_33, %select_n3A_247, %broadcast_in_dim3A_35 : vector<8x128xi1>, vector<8x128xf32>
      %add3A_249 = arith.addf %scan3A_76, %select_n3A_248 : vector<8x128xf32>
      %get3A_250 = arith.index_cast %scan3A_71 : i32 to index
      %get3A_251 = arith.constant 0 : index
      %get3A_252 = arith.constant 640 : index
      %get3A_253 = vector.load %arg1[%get3A_250, %get3A_251, %get3A_252] : memref<200x16x1024xf32, #tpu.memory_space<vmem>>, vector<1x8x128xf32>
      %get3A_254 = vector.shape_cast %get3A_253 : vector<1x8x128xf32> to vector<8x128xf32>
      %get3A_255 = arith.index_cast %scan3A_71 : i32 to index
      %get3A_256 = arith.constant 8 : index
      %get3A_257 = arith.constant 640 : index
      %get3A_258 = vector.load %arg1[%get3A_255, %get3A_256, %get3A_257] : memref<200x16x1024xf32, #tpu.memory_space<vmem>>, vector<1x8x128xf32>
      %get3A_259 = vector.shape_cast %get3A_258 : vector<1x8x128xf32> to vector<8x128xf32>
      %gt3A_260 = arith.cmpf ogt, %get3A_259, %get3A_254 : vector<8x128xf32>
      %select_n3A_261 = arith.select %gt3A_260, %get3A_259, %get3A_254 : vector<8x128xi1>, vector<8x128xf32>
      %select_n3A_262 = arith.select %gt3A_260, %concatenate3A_31, %concatenate3A : vector<8x128xi1>, vector<8x128xf32>
      %roll3A_263 = arith.constant 7 : i32
      %roll3A_264 = tpu.dynamic_rotate %select_n3A_261 by %roll3A_263 dim 0 : vector<8x128xf32>, i32 -> vector<8x128xf32>
      %roll3A_265 = arith.constant 7 : i32
      %roll3A_266 = tpu.dynamic_rotate %select_n3A_262 by %roll3A_265 dim 0 : vector<8x128xf32>, i32 -> vector<8x128xf32>
      %gt3A_267 = arith.cmpf ogt, %roll3A_264, %select_n3A_261 : vector<8x128xf32>
      %select_n3A_268 = arith.select %gt3A_267, %roll3A_264, %select_n3A_261 : vector<8x128xi1>, vector<8x128xf32>
      %select_n3A_269 = arith.select %gt3A_267, %roll3A_266, %select_n3A_262 : vector<8x128xi1>, vector<8x128xf32>
      %roll3A_270 = arith.constant 6 : i32
      %roll3A_271 = tpu.dynamic_rotate %select_n3A_268 by %roll3A_270 dim 0 : vector<8x128xf32>, i32 -> vector<8x128xf32>
      %roll3A_272 = arith.constant 6 : i32
      %roll3A_273 = tpu.dynamic_rotate %select_n3A_269 by %roll3A_272 dim 0 : vector<8x128xf32>, i32 -> vector<8x128xf32>
      %gt3A_274 = arith.cmpf ogt, %roll3A_271, %select_n3A_268 : vector<8x128xf32>
      %select_n3A_275 = arith.select %gt3A_274, %roll3A_271, %select_n3A_268 : vector<8x128xi1>, vector<8x128xf32>
      %select_n3A_276 = arith.select %gt3A_274, %roll3A_273, %select_n3A_269 : vector<8x128xi1>, vector<8x128xf32>
      %roll3A_277 = arith.constant 4 : i32
      %roll3A_278 = tpu.dynamic_rotate %select_n3A_275 by %roll3A_277 dim 0 : vector<8x128xf32>, i32 -> vector<8x128xf32>
      %roll3A_279 = arith.constant 4 : i32
      %roll3A_280 = tpu.dynamic_rotate %select_n3A_276 by %roll3A_279 dim 0 : vector<8x128xf32>, i32 -> vector<8x128xf32>
      %gt3A_281 = arith.cmpf ogt, %roll3A_278, %select_n3A_275 : vector<8x128xf32>
      %select_n3A_282 = arith.select %gt3A_281, %roll3A_280, %select_n3A_276 : vector<8x128xi1>, vector<8x128xf32>
      %select_n3A_283 = arith.select %eq3A_33, %select_n3A_282, %broadcast_in_dim3A_35 : vector<8x128xi1>, vector<8x128xf32>
      %add3A_284 = arith.addf %scan3A_77, %select_n3A_283 : vector<8x128xf32>
      %get3A_285 = arith.index_cast %scan3A_71 : i32 to index
      %get3A_286 = arith.constant 0 : index
      %get3A_287 = arith.constant 768 : index
      %get3A_288 = vector.load %arg1[%get3A_285, %get3A_286, %get3A_287] : memref<200x16x1024xf32, #tpu.memory_space<vmem>>, vector<1x8x128xf32>
      %get3A_289 = vector.shape_cast %get3A_288 : vector<1x8x128xf32> to vector<8x128xf32>
      %get3A_290 = arith.index_cast %scan3A_71 : i32 to index
      %get3A_291 = arith.constant 8 : index
      %get3A_292 = arith.constant 768 : index
      %get3A_293 = vector.load %arg1[%get3A_290, %get3A_291, %get3A_292] : memref<200x16x1024xf32, #tpu.memory_space<vmem>>, vector<1x8x128xf32>
      %get3A_294 = vector.shape_cast %get3A_293 : vector<1x8x128xf32> to vector<8x128xf32>
      %gt3A_295 = arith.cmpf ogt, %get3A_294, %get3A_289 : vector<8x128xf32>
      %select_n3A_296 = arith.select %gt3A_295, %get3A_294, %get3A_289 : vector<8x128xi1>, vector<8x128xf32>
      %select_n3A_297 = arith.select %gt3A_295, %concatenate3A_31, %concatenate3A : vector<8x128xi1>, vector<8x128xf32>
      %roll3A_298 = arith.constant 7 : i32
      %roll3A_299 = tpu.dynamic_rotate %select_n3A_296 by %roll3A_298 dim 0 : vector<8x128xf32>, i32 -> vector<8x128xf32>
      %roll3A_300 = arith.constant 7 : i32
      %roll3A_301 = tpu.dynamic_rotate %select_n3A_297 by %roll3A_300 dim 0 : vector<8x128xf32>, i32 -> vector<8x128xf32>
      %gt3A_302 = arith.cmpf ogt, %roll3A_299, %select_n3A_296 : vector<8x128xf32>
      %select_n3A_303 = arith.select %gt3A_302, %roll3A_299, %select_n3A_296 : vector<8x128xi1>, vector<8x128xf32>
      %select_n3A_304 = arith.select %gt3A_302, %roll3A_301, %select_n3A_297 : vector<8x128xi1>, vector<8x128xf32>
      %roll3A_305 = arith.constant 6 : i32
      %roll3A_306 = tpu.dynamic_rotate %select_n3A_303 by %roll3A_305 dim 0 : vector<8x128xf32>, i32 -> vector<8x128xf32>
      %roll3A_307 = arith.constant 6 : i32
      %roll3A_308 = tpu.dynamic_rotate %select_n3A_304 by %roll3A_307 dim 0 : vector<8x128xf32>, i32 -> vector<8x128xf32>
      %gt3A_309 = arith.cmpf ogt, %roll3A_306, %select_n3A_303 : vector<8x128xf32>
      %select_n3A_310 = arith.select %gt3A_309, %roll3A_306, %select_n3A_303 : vector<8x128xi1>, vector<8x128xf32>
      %select_n3A_311 = arith.select %gt3A_309, %roll3A_308, %select_n3A_304 : vector<8x128xi1>, vector<8x128xf32>
      %roll3A_312 = arith.constant 4 : i32
      %roll3A_313 = tpu.dynamic_rotate %select_n3A_310 by %roll3A_312 dim 0 : vector<8x128xf32>, i32 -> vector<8x128xf32>
      %roll3A_314 = arith.constant 4 : i32
      %roll3A_315 = tpu.dynamic_rotate %select_n3A_311 by %roll3A_314 dim 0 : vector<8x128xf32>, i32 -> vector<8x128xf32>
      %gt3A_316 = arith.cmpf ogt, %roll3A_313, %select_n3A_310 : vector<8x128xf32>
      %select_n3A_317 = arith.select %gt3A_316, %roll3A_315, %select_n3A_311 : vector<8x128xi1>, vector<8x128xf32>
      %select_n3A_318 = arith.select %eq3A_33, %select_n3A_317, %broadcast_in_dim3A_35 : vector<8x128xi1>, vector<8x128xf32>
      %add3A_319 = arith.addf %scan3A_78, %select_n3A_318 : vector<8x128xf32>
      %get3A_320 = arith.index_cast %scan3A_71 : i32 to index
      %get3A_321 = arith.constant 0 : index
      %get3A_322 = arith.constant 896 : index
      %get3A_323 = vector.load %arg1[%get3A_320, %get3A_321, %get3A_322] : memref<200x16x1024xf32, #tpu.memory_space<vmem>>, vector<1x8x128xf32>
      %get3A_324 = vector.shape_cast %get3A_323 : vector<1x8x128xf32> to vector<8x128xf32>
      %get3A_325 = arith.index_cast %scan3A_71 : i32 to index
      %get3A_326 = arith.constant 8 : index
      %get3A_327 = arith.constant 896 : index
      %get3A_328 = vector.load %arg1[%get3A_325, %get3A_326, %get3A_327] : memref<200x16x1024xf32, #tpu.memory_space<vmem>>, vector<1x8x128xf32>
      %get3A_329 = vector.shape_cast %get3A_328 : vector<1x8x128xf32> to vector<8x128xf32>
      %gt3A_330 = arith.cmpf ogt, %get3A_329, %get3A_324 : vector<8x128xf32>
      %select_n3A_331 = arith.select %gt3A_330, %get3A_329, %get3A_324 : vector<8x128xi1>, vector<8x128xf32>
      %select_n3A_332 = arith.select %gt3A_330, %concatenate3A_31, %concatenate3A : vector<8x128xi1>, vector<8x128xf32>
      %roll3A_333 = arith.constant 7 : i32
      %roll3A_334 = tpu.dynamic_rotate %select_n3A_331 by %roll3A_333 dim 0 : vector<8x128xf32>, i32 -> vector<8x128xf32>
      %roll3A_335 = arith.constant 7 : i32
      %roll3A_336 = tpu.dynamic_rotate %select_n3A_332 by %roll3A_335 dim 0 : vector<8x128xf32>, i32 -> vector<8x128xf32>
      %gt3A_337 = arith.cmpf ogt, %roll3A_334, %select_n3A_331 : vector<8x128xf32>
      %select_n3A_338 = arith.select %gt3A_337, %roll3A_334, %select_n3A_331 : vector<8x128xi1>, vector<8x128xf32>
      %select_n3A_339 = arith.select %gt3A_337, %roll3A_336, %select_n3A_332 : vector<8x128xi1>, vector<8x128xf32>
      %roll3A_340 = arith.constant 6 : i32
      %roll3A_341 = tpu.dynamic_rotate %select_n3A_338 by %roll3A_340 dim 0 : vector<8x128xf32>, i32 -> vector<8x128xf32>
      %roll3A_342 = arith.constant 6 : i32
      %roll3A_343 = tpu.dynamic_rotate %select_n3A_339 by %roll3A_342 dim 0 : vector<8x128xf32>, i32 -> vector<8x128xf32>
      %gt3A_344 = arith.cmpf ogt, %roll3A_341, %select_n3A_338 : vector<8x128xf32>
      %select_n3A_345 = arith.select %gt3A_344, %roll3A_341, %select_n3A_338 : vector<8x128xi1>, vector<8x128xf32>
      %select_n3A_346 = arith.select %gt3A_344, %roll3A_343, %select_n3A_339 : vector<8x128xi1>, vector<8x128xf32>
      %roll3A_347 = arith.constant 4 : i32
      %roll3A_348 = tpu.dynamic_rotate %select_n3A_345 by %roll3A_347 dim 0 : vector<8x128xf32>, i32 -> vector<8x128xf32>
      %roll3A_349 = arith.constant 4 : i32
      %roll3A_350 = tpu.dynamic_rotate %select_n3A_346 by %roll3A_349 dim 0 : vector<8x128xf32>, i32 -> vector<8x128xf32>
      %gt3A_351 = arith.cmpf ogt, %roll3A_348, %select_n3A_345 : vector<8x128xf32>
      %select_n3A_352 = arith.select %gt3A_351, %roll3A_350, %select_n3A_346 : vector<8x128xi1>, vector<8x128xf32>
      %select_n3A_353 = arith.select %eq3A_33, %select_n3A_352, %broadcast_in_dim3A_35 : vector<8x128xi1>, vector<8x128xf32>
      %add3A_354 = arith.addf %scan3A_79, %select_n3A_353 : vector<8x128xf32>
      scf.yield %add3A, %add3A_144, %add3A_179, %add3A_214, %add3A_249, %add3A_284, %add3A_319, %add3A_354 : vector<8x128xf32>, vector<8x128xf32>, vector<8x128xf32>, vector<8x128xf32>, vector<8x128xf32>, vector<8x128xf32>, vector<8x128xf32>, vector<8x128xf32>
    }
    %scan3A_40 = arith.constant 200 : i32
    %slice3A = vector.extract_strided_slice %scan3A_39#0 {offsets = [0, 0], sizes = [1, 128], strides = [1, 1]} : vector<8x128xf32> to vector<1x128xf32>
    %swap3A = arith.constant 0 : index
    %swap3A_41 = arith.constant 0 : index
    %swap3A_42 = vector.load %arg2[%swap3A, %swap3A_41] : memref<8x128xf32, #tpu.memory_space<vmem>>, vector<1x128xf32>
    tpu.vector_store %arg2[%swap3A, %swap3A_41], %slice3A {strides = array<i32>} : memref<8x128xf32, #tpu.memory_space<vmem>>, vector<1x128xf32>,
    %slice3A_43 = vector.extract_strided_slice %scan3A_39#1 {offsets = [0, 0], sizes = [1, 128], strides = [1, 1]} : vector<8x128xf32> to vector<1x128xf32>
    %swap3A_44 = arith.constant 1 : index
    %swap3A_45 = arith.constant 0 : index
    %swap3A_46 = vector.load %arg2[%swap3A_44, %swap3A_45] : memref<8x128xf32, #tpu.memory_space<vmem>>, vector<1x128xf32>
    tpu.vector_store %arg2[%swap3A_44, %swap3A_45], %slice3A_43 {strides = array<i32>} : memref<8x128xf32, #tpu.memory_space<vmem>>, vector<1x128xf32>,
    %slice3A_47 = vector.extract_strided_slice %scan3A_39#2 {offsets = [0, 0], sizes = [1, 128], strides = [1, 1]} : vector<8x128xf32> to vector<1x128xf32>
    %swap3A_48 = arith.constant 2 : index
    %swap3A_49 = arith.constant 0 : index
    %swap3A_50 = vector.load %arg2[%swap3A_48, %swap3A_49] : memref<8x128xf32, #tpu.memory_space<vmem>>, vector<1x128xf32>
    tpu.vector_store %arg2[%swap3A_48, %swap3A_49], %slice3A_47 {strides = array<i32>} : memref<8x128xf32, #tpu.memory_space<vmem>>, vector<1x128xf32>,
    %slice3A_51 = vector.extract_strided_slice %scan3A_39#3 {offsets = [0, 0], sizes = [1, 128], strides = [1, 1]} : vector<8x128xf32> to vector<1x128xf32>
    %swap3A_52 = arith.constant 3 : index
    %swap3A_53 = arith.constant 0 : index
    %swap3A_54 = vector.load %arg2[%swap3A_52, %swap3A_53] : memref<8x128xf32, #tpu.memory_space<vmem>>, vector<1x128xf32>
    tpu.vector_store %arg2[%swap3A_52, %swap3A_53], %slice3A_51 {strides = array<i32>} : memref<8x128xf32, #tpu.memory_space<vmem>>, vector<1x128xf32>,
    %slice3A_55 = vector.extract_strided_slice %scan3A_39#4 {offsets = [0, 0], sizes = [1, 128], strides = [1, 1]} : vector<8x128xf32> to vector<1x128xf32>
    %swap3A_56 = arith.constant 4 : index
    %swap3A_57 = arith.constant 0 : index
    %swap3A_58 = vector.load %arg2[%swap3A_56, %swap3A_57] : memref<8x128xf32, #tpu.memory_space<vmem>>, vector<1x128xf32>
    tpu.vector_store %arg2[%swap3A_56, %swap3A_57], %slice3A_55 {strides = array<i32>} : memref<8x128xf32, #tpu.memory_space<vmem>>, vector<1x128xf32>,
    %slice3A_59 = vector.extract_strided_slice %scan3A_39#5 {offsets = [0, 0], sizes = [1, 128], strides = [1, 1]} : vector<8x128xf32> to vector<1x128xf32>
    %swap3A_60 = arith.constant 5 : index
    %swap3A_61 = arith.constant 0 : index
    %swap3A_62 = vector.load %arg2[%swap3A_60, %swap3A_61] : memref<8x128xf32, #tpu.memory_space<vmem>>, vector<1x128xf32>
    tpu.vector_store %arg2[%swap3A_60, %swap3A_61], %slice3A_59 {strides = array<i32>} : memref<8x128xf32, #tpu.memory_space<vmem>>, vector<1x128xf32>,
    %slice3A_63 = vector.extract_strided_slice %scan3A_39#6 {offsets = [0, 0], sizes = [1, 128], strides = [1, 1]} : vector<8x128xf32> to vector<1x128xf32>
    %swap3A_64 = arith.constant 6 : index
    %swap3A_65 = arith.constant 0 : index
    %swap3A_66 = vector.load %arg2[%swap3A_64, %swap3A_65] : memref<8x128xf32, #tpu.memory_space<vmem>>, vector<1x128xf32>
    tpu.vector_store %arg2[%swap3A_64, %swap3A_65], %slice3A_63 {strides = array<i32>} : memref<8x128xf32, #tpu.memory_space<vmem>>, vector<1x128xf32>,
    %slice3A_67 = vector.extract_strided_slice %scan3A_39#7 {offsets = [0, 0], sizes = [1, 128], strides = [1, 1]} : vector<8x128xf32> to vector<1x128xf32>
    %swap3A_68 = arith.constant 7 : index
    %swap3A_69 = arith.constant 0 : index
    %swap3A_70 = vector.load %arg2[%swap3A_68, %swap3A_69] : memref<8x128xf32, #tpu.memory_space<vmem>>, vector<1x128xf32>
    tpu.vector_store %arg2[%swap3A_68, %swap3A_69], %slice3A_67 {strides = array<i32>} : memref<8x128xf32, #tpu.memory_space<vmem>>, vector<1x128xf32>,
    return
  }
  func.func @transform_0(%arg0: i32) -> (i32, i32, i32) {
    %add3A = arith.constant 8 : i32
    %add3A_0 = arith.addi %add3A, %arg0 : i32
    %c0_i32 = arith.constant 0 : i32
    %c0_i32_1 = arith.constant 0 : i32
    %c0_i32_2 = arith.constant 0 : i32
    return %c0_i32, %c0_i32_1, %add3A_0 : i32, i32, i32
  }
  func.func @transform_1(%arg0: i32) -> (i32, i32) {
    %c0_i32 = arith.constant 0 : i32
    %c0_i32_0 = arith.constant 0 : i32
    return %arg0, %c0_i32 : i32, i32
  }
}

</mosaic_0001>

<sc_bundles>
// kernel: _weight_feature.4.cloned.1.call-start
scs
__scs_entry_jumppad:
0x0: {  	(pc) =	sbr.rel $0x88, $3  }
0x1: {  	(tag) =	ssettag $0x0;
	lr =	simm.s32 $0x1  }
0x2: {  	[smem:$0x3FA0] =	sst lr;
	_ =	strace $0xD0000000  }
0x3: {  	_ = 	snop  }
0x4: {  	_ = 	snop  }
0x5: {  	_ = 	snop  }
0x6: {  	_ = 	snop  }
0x7: {  	_ = 	snop  }
__scs_overlays_trampoline_lowered:
0x8: {  	[smem:$0x3FAF] =	sst s0  }
0x9: {  	[smem:$0x3FB0] =	sst s1  }
0xa: {  	[smem:$0x3FB1] =	sst s2  }
0xb: {  	[smem:$0x3FB2] =	sst s3  }
0xc: {  	[smem:$0x3FB3] =	sst s4  }
0xd: {  	[smem:$0x3FB4] =	sst s5  }
0xe: {  	[smem:$0x3FB5] =	sst s6  }
0xf: {  	[smem:$0x3FB6] =	sst s7  }
0x10: {  	[smem:$0x3FB7] =	sst s8  }
0x11: {  	[smem:$0x3FB8] =	sst s9;
	s0 =	simm.s32 @!p0 $0x0  }
0x12: {  	s1 =	sld [smem:$0x3F9E];
	s0 =	simm.s32 @p0 $0x1  }
0x13: {  	[smem:$0x3FB9] =	sst s0;
	s0 =	simm.s32 @!p1 $0x0  }
0x14: {  	s2 =	sld [smem:$0x3F9D];
	s0 =	simm.s32 @p1 $0x1  }
0x15: {  	[smem:$0x3FBA] =	sst s0;
	s0 =	simm.s32 @!p2 $0x0  }
0x16: {  	s3 =	sld [smem:$0x3FDB];
	s0 =	simm.s32 @p2 $0x1  }
0x17: {  	s4 =	simm.s32 $0x1BF5;
	[smem:$0x3FBC] =	sst s0  }
0x18: {  	s0 =	sld [smem:$0x3F9F];
	_ =	swait.ge [sflag:s4], $0x0  }
0x19: {  	s7 =	sld [smem:$0x3FA0]  }
0x1a: {  	s8 =	sadd.s32 $0xFFFFE003, lr  }
0x1b: {  	s9 =	sadd.s32 $0xFFFFFEF7, lr;
	s5 =	simm.s32 $0xFFFFFFFF;
	p2 =	slt.u32 s8, $0xFFFFF086  }
0x1c: {  	p1 =	slt.u32 s9, $0xF7A;
	s5 =	simm.s32 @!p2 $0x0  }
0x1d: {  	s5 =	simm.s32 @p1 $0x1;
	p0 =	seq.s32 s7, s2  }
0x1e: {  	s7 =	smul.u32 @!p0 $0xF7A, s2;
	p2 =	seq.s32 @!p0 s5, $0x0  }
0x1f: {  	s9 =	smul.u32 $0xF7A, s1;
	s8 =	simm.s32 @!p0 $0x1BF5;
	p2 =	por !p2, p0  }
0x20: {  	[sflag:s8] =	ssyncset.s32 @!p0 $0xFFFFF086;
	s6 =	sadd.s32 @!p0 s3, s7;
	s7 =	simm.s32 @!p0 $0x108  }
0x21: {  	s3 =	sadd.s32 s3, s9;
	s6 =	sadd.s32 @!p0 $0x88, s6;
	s7 =	simm.s32 @p2 $0x1082  }
0x22: {  	[simem:s7], [sflag:s8] =	dma.local @!p0 [hbm:s6], $0xF7A  }
0x23: {  	s9 =	sor.u32 $0xD0000000, s2;
	s6 =	simm.s32 $0x108;
	_ =	swait.ge @!p0 [sflag:s8], $0x0  }
0x24: {  	s3 =	sadd.s32 $0x88, s3;
	s6 =	simm.s32 @!p1 $0x1082;
	[sflag:s4] =	ssyncset.s32 $0xFFFFF086  }
0x25: {  	[simem:s6], [sflag:s4] =	dma.local [hbm:s3], $0xF7A  }
0x26: {  	[smem:$0x3FA0] =	sst s1;
	(tag) =	ssettag s2;
	_ =	strace s9  }
0x27: {  	s1 =	sld [smem:$0x3FB0]  }
0x28: {  	s2 =	sld [smem:$0x3FB1]  }
0x29: {  	s4 =	sld [smem:$0x3FB3]  }
0x2a: {  	p0 =	seq.s32 s5, $0x0;
	s5 =	sld [smem:$0x3FB4]  }
0x2b: {  	s6 =	sld [smem:$0x3FB5]  }
0x2c: {  	s7 =	sld [smem:$0x3FB6]  }
0x2d: {  	s3 =	simm.s32 $0x108;
	s8 =	sld [smem:$0x3FB7]  }
0x2e: {  	s3 =	simm.s32 @!p0 $0x1082;
	s9 =	sld [smem:$0x3FB8]  }
0x2f: {  	lr =	sadd.s32 s0, s3;
	s0 =	sld [smem:$0x3FAF]  }
0x30: {  	s3 =	sld [smem:$0x3FB2]  }
0x31: {  	[smem:$0x3FBB] =	sst s10  }
0x32: {  	s10 =	sld [smem:$0x3FB9];
	_ =	sdelay $0x3  }
0x33: {  	p0 =	seq.s32 s10, $0x1;
	s10 =	sld [smem:$0x3FBB];
	_ =	sdelay $0x3  }
0x34: {  	[smem:$0x3FBB] =	sst s10  }
0x35: {  	s10 =	sld [smem:$0x3FBA];
	_ =	sdelay $0x3  }
0x36: {  	p1 =	seq.s32 s10, $0x1;
	s10 =	sld [smem:$0x3FBB];
	_ =	sdelay $0x3  }
0x37: {  	[smem:$0x3FBB] =	sst s10  }
0x38: {  	s10 =	sld [smem:$0x3FBC]  }
0x39: {  	_ = 	snop;
	(pc) =	sbr.ind lr, $3  }
0x3a: {  	_ = 	snop  }
0x3b: {  	_ = 	snop  }
0x3c: {  	p2 =	seq.s32 s10, $0x1;
	s10 =	sld [smem:$0x3FBB]  }
0x3d: {  	_ =	shalt  }
0x3e: {  	_ =	shalt  }
0x3f: {  	_ =	shalt  }
0x40: {  	_ =	shalt  }
0x41: {  	_ =	shalt  }
0x42: {  	_ =	shalt  }
0x43: {  	_ =	shalt  }
0x44: {  	_ =	shalt  }
0x45: {  	_ =	shalt  }
0x46: {  	_ =	shalt  }
0x47: {  	_ =	shalt  }
0x48: {  	_ =	shalt  }
0x49: {  	_ =	shalt  }
0x4a: {  	_ =	shalt  }
0x4b: {  	_ =	shalt  }
0x4c: {  	_ =	shalt  }
0x4d: {  	_ =	shalt  }
0x4e: {  	_ =	shalt  }
0x4f: {  	_ =	shalt  }
0x50: {  	_ =	shalt  }
0x51: {  	_ =	shalt  }
0x52: {  	_ =	shalt  }
0x53: {  	_ =	shalt  }
0x54: {  	_ =	shalt  }
0x55: {  	_ =	shalt  }
0x56: {  	_ =	shalt  }
0x57: {  	_ =	shalt  }
0x58: {  	_ =	shalt  }
0x59: {  	_ =	shalt  }
0x5a: {  	_ =	shalt  }
0x5b: {  	_ =	shalt  }
0x5c: {  	_ =	shalt  }
0x5d: {  	_ =	shalt  }
0x5e: {  	_ =	shalt  }
0x5f: {  	_ =	shalt  }
0x60: {  	_ =	shalt  }
0x61: {  	_ =	shalt  }
0x62: {  	_ =	shalt  }
0x63: {  	_ =	shalt  }
0x64: {  	_ =	shalt  }
0x65: {  	_ =	shalt  }
0x66: {  	_ =	shalt  }
0x67: {  	_ =	shalt  }
0x68: {  	_ =	shalt  }
0x69: {  	_ =	shalt  }
0x6a: {  	_ =	shalt  }
0x6b: {  	_ =	shalt  }
0x6c: {  	_ =	shalt  }
0x6d: {  	_ =	shalt  }
0x6e: {  	_ =	shalt  }
0x6f: {  	_ =	shalt  }
0x70: {  	_ =	shalt  }
0x71: {  	_ =	shalt  }
0x72: {  	_ =	shalt  }
0x73: {  	_ =	shalt  }
0x74: {  	_ =	shalt  }
0x75: {  	_ =	shalt  }
0x76: {  	_ =	shalt  }
0x77: {  	_ =	shalt  }
0x78: {  	_ =	shalt  }
0x79: {  	_ =	shalt  }
0x7a: {  	_ =	shalt  }
0x7b: {  	_ =	shalt  }
0x7c: {  	_ =	shalt  }
0x7d: {  	_ =	shalt  }
0x7e: {  	_ =	shalt  }
0x7f: {  	_ =	shalt  }
0x80: {  	_ =	shalt  }
0x81: {  	_ =	shalt  }
0x82: {  	_ =	shalt  }
0x83: {  	_ =	shalt  }
0x84: {  	_ =	shalt  }
0x85: {  	_ =	shalt  }
0x86: {  	_ =	shalt  }
0x87: {  	_ =	shalt  }
.Lfunc_end0:
.L_simem_size_0:
called_computation_lowered:
.L_overlay_start_0:
0x88: {  	s2 =	sld [smem:$0x3FD9]  }
0x89: {  	s3 =	sld [smem:$0x3FFE];
	_ =	sdelay $0x1  }
0x8a: {  	s1 =	srdreg.scid  }
0x8b: {  	s0 =	sand.u32 $0x1, s1  }
0x8c: {  	s17 =	sshll.u32 s0, $0xA;
	s2 =	sadd.s32 s3, s2  }
0x8d: {  	s2 =	sadd.s32 s2, s17  }
0x8e: {  	[smem:$0x3FC7] =	sst s2  }
0x8f: {  	_ = 	snop  }
0x90: {  	s2 =	sld [smem:$0x3FC9];
	(tm) =	ssettm $0x1  }
0x91: {  	s18 =	sld [smem:$0x3FFB];
	_ =	sdelay $0x3  }
0x92: {  	_ =	strace s18  }
0x93: {  	s3 =	sld [smem:$0x3FFC];
	_ =	sdelay $0x3  }
0x94: {  	_ =	strace s3  }
0x95: {  	s3 =	sld [smem:$0x3FFD];
	_ =	sdelay $0x3  }
0x96: {  	_ =	strace s3  }
0x97: {  	_ =	strace $0x8FFFFFFF  }
0x98: {  	s19 =	sld [smem:$0x3FDB];
	_ =	sdelay $0x1  }
0x99: {  	s4 =	simm.s32 $_scs_section_size  }
0x9a: {  	s5 =	simm.s32 $_size__tile_overlayer_lowered;
	s6 =	simm.s32 $_tile_overlayer_lowered  }
0x9b: {  	s22 =	simm.s32 $0x1BFF;
	s21 =	sshll.u32 s6, $0x1;
	s3 =	sadd.s32 s4, s19  }
0x9c: {  	s7 =	simm.s32 $0x0;
	s20 =	sshll.u32 s5, $0x1;
	s5 =	sadd.s32 s21, s3  }
0x9d: {  	[timem:s7], [sflag:s22] =	dma.local [hbm:s5], s20  }
0x9e: {  	_ =	swait.ge [sflag:s22], s20  }
0x9f: {  	s4 =	ssub.s32 $0x0, s20;
	[sflag:s22] =	ssyncset.done $0x0  }
0xa0: {  	[sflag:s22] =	ssyncadd.s32 s4;
	_ =	sdelay $0x1  }
0xa1: {  	s23 =	simm.s32 $0x1B8B  }
0xa2: {  	_ =	swait.ge [sflag:s23], $0x1  }
0xa3: {  	[sflag:s23] =	ssyncset.done $0x0  }
0xa4: {  	s25 =	simm.s32 $0x1B8E;
	s24 =	sld [smem:$0x3FFE];
	[sflag:s23] =	ssyncadd.s32 $0xFFFFFFFF  }
0xa5: {  	s26 =	simm.s32 $execute0_lowered;
	[smem:$0x3FD2] =	sst s25  }
0xa6: {  	s5 =	sshll.u32 s26, $0x1;
	_ =	strace $0x80000046;
	[dreg:$0x1] =	wrdreg $0xFFFFFFFF  }
0xa7: {  	s28 =	simm.s32 $_size_execute0_lowered;
	s3 =	sadd.s32 s3, s5;
	[dreg:$0x0] =	wrdreg $0x0  }
0xa8: {  	s5 =	sshll.u32 s28, $0x1;
	[dreg:$0x2] =	wrdreg s3  }
0xa9: {  	[dreg:$0x3] =	wrdreg s5  }
0xaa: {  	[dreg:$0x4] =	wrdreg $0xC0  }
0xab: {  	_ =	task [dreg:s7], $0x5FFFF  }
0xac: {  	[dreg:$0x1] =	wrdreg $0xFFFFFFFF  }
0xad: {  	[dreg:$0x0] =	wrdreg $0x60  }
0xae: {  	[dreg:$0x2] =	wrdreg s2  }
0xaf: {  	[dreg:$0x3] =	wrdreg s24  }
0xb0: {  	[dreg:$0x4] =	wrdreg $0x9  }
0xb1: {  	_ =	task.clear_ibuf [dreg:s7], $0x5FFFF;
	_ =	strace $0x90000046  }
0xb2: {  	s29 =	simm.s32 $0x9;
	_ =	strace $0x80000048  }
0xb3: {  	_ =	swait.ge [sflag:s29], $0x1  }
0xb4: {  	[sflag:s29] =	ssyncadd.s32 $0xFFFFFFFF  }
0xb5: {  	_ =	strace $0x90000048  }
0xb6: {  	_ =	sfence  }
0xb7: {  	s30 =	sld [smem:$0x0];
	_ =	sdelay $0x2  }
0xb8: {  	s31 =	sshll.u32 s1, $0xD;
	s1 =	sshrl.u32 s1, $0x2  }
0xb9: {  	s3 =	sand.u32 $0x4000, s31;
	s1 =	sadd.s32 s1, s30  }
0xba: {  	s0 =	sor.u32 s3, s0;
	s1 =	sshll.u32 s1, $0x11  }
0xbb: {  	s0 =	sor.u32 s1, s0  }
0xbc: {  	s0 =	sadd.s32 $0x8F2B, s0  }
0xbd: {  	[sflag:s0] =	ssyncadd.remote.s32 $0x1  }
0xbe: {  	_ =	sfence.sel $0xFFFF  }
0xbf: {  	[dreg:$0x0] =	wrdreg $0xFFFFFFFF;
	(pc) =	sbr.abs _section_cstart, $3  }
0xc0: {  	[dreg:$0x1] =	wrdreg $0xFFFFFFFF  }
0xc1: {  	_ =	task.clear_ibuf [dreg:s7], $0x2FFFF;
	_ =	strace $0x9FFFFFFF  }
0xc2: {  	(tm) =	ssettm $0x7FFFFFFF  }
0xc3: {  	_ =	shalt  }
tec
execute0_lowered:
.L_overlay_start_1:
0x0: {  	(tag) =	ssettag $0x1  }
0x1: {  	s5 =	rddreg [dreg:$0x0]  }
0x2: {  	s4 =	rddreg [dreg:$0x1];
	s2 =	srdreg.scid  }
0x3: {  	s0 =	rddreg [dreg:$0x2];
	s1 =	stileid.u32;
	s8 =	simm.s32 $0x800  }
0x4: {  	s9 =	simm.s32 $0x20000;
	s10 =	simm.s32 $0x4000;
	s13 =	simm.s32 $0x2  }
0x5: {  	s14 =	simm.s32 $0x8000;
	s15 =	simm.s32 $0x3;
	s16 =	simm.s32 $0x0  }
0x6: {  	s6 =	sand.u32 $0x1, s2;
	s2 =	simm.s32 $0x0;
	s3 =	sshll.u32 s1, $0x9  }
0x7: {  	s7 =	sshll.u32 s6, $0x8;
	[smem:$0x7FF] =	sst s2;
	s11 =	ssub.s32 $0x2, s6  }
0x8: {  	v0 =	vimm.f32 $7.943011820e-03;
	s3 =	sor.u32 s7, s3;
	_ =	strace $0x80000047;
	s12 =	sshrl.u32 s11, $0x1  }
0x9: {  	v1 =	vimm.f32 $1.103747710e-01;
	v2 =	vimm.f32 $1.497037110e-01;
	v3 =	vimm.f32 $2.526319030e-01;
	s7 =	sshrl.u32 s3, $0x3;
	s11 =	ssub.s32 s11, s12;
	s12 =	simm.s32 $0x1  }
0xa: {  	v4 =	vimm.f32 $6.296412940e-01;
	v5 =	vimm.f32 $8.519037810e-02;
	s7 =	sadd.s32 s7, s4;
	s4 =	sadd.s32 s5, s3;
	s5 =	sadd.s32 $0x20000, s5  }
0xb: {  	v6 =	vimm.f32 $0.0e+00;
	v7 =	vimm.f32 $6.222893000e-01;
	v8 =	vimm.f32 $3.080911640e-01;
	s11 =	smax.u32 s11, $0x1;
	s6 =	sadd.s32 $0x40000, s4;
	s7 =	sadd.s32 $0x400, s7  }
.LBB2_1:
0xc: {  	[tilespmem:$0x8000] =	vst v6  }
0xd: {  	[tilespmem:$0x8010] =	vst v6  }
0xe: {  	[tilespmem:$0x8020] =	vst v6  }
0xf: {  	[tilespmem:$0x8030] =	vst v6  }
0x10: {  	[tilespmem:$0x8040] =	vst v6  }
0x11: {  	[tilespmem:$0x8050] =	vst v6  }
0x12: {  	[tilespmem:$0x8060] =	vst v6  }
0x13: {  	[tilespmem:$0x8070] =	vst v6  }
0x14: {  	[tilespmem:$0x8080] =	vst v6  }
0x15: {  	[tilespmem:$0x8090] =	vst v6  }
0x16: {  	[tilespmem:$0x80A0] =	vst v6  }
0x17: {  	[tilespmem:$0x80B0] =	vst v6  }
0x18: {  	[tilespmem:$0x80C0] =	vst v6  }
0x19: {  	[tilespmem:$0x80D0] =	vst v6  }
0x1a: {  	[tilespmem:$0x80E0] =	vst v6  }
0x1b: {  	[tilespmem:$0x80F0] =	vst v6;
	s17 =	simm.s32 $0x0  }
0x1c: {  	[tilespmem:s2], [sflag:$0x1] =	stream.strided.gather [hbm4b:s4+s8], $0x4000, s9, s8, $0x38;
	[tilespmem:$0x8100] =	vst v63  }
.LBB2_2:
0x1d: {  	s18 =	sshll.u32 s17, $0x12;
	_ =	swait.ge [sflag:s12], $0x4000;
	s20 =	simm.s32 $0x0  }
0x1e: {  	[sflag:s12] =	ssyncset.done $0x0;
	s19 =	sor.u32 s18, s3;
	s30 =	sand.u32 $0x70, s20  }
0x1f: {  	s21 =	sand.u32 $0x400, s20;
	[sflag:s12] =	ssyncadd.s32 $0xFFFFC000;
	s19 =	sadd.s32 s19, s5  }
0x20: {  	[tilespmem:s10], [sflag:$0x2] =	stream.strided.gather [hbm4b:s19+s8], $0x4000, s9, s8, $0x38;
	[tilespmem:$0x8100] =	vst v63  }
0x21: {  	s19 =	sor.u32 s30, s21  }
0x22: {  	v9 =	vld [tilespmem:s19+$0x3080]  }
0x23: {  	v10 =	vld [tilespmem:s19+$0x3000]  }
0x24: {  	v11 =	vld [tilespmem:s19+$0x3180]  }
0x25: {  	v12 =	vld [tilespmem:s19+$0x3100]  }
0x26: {  	v13 =	vld [tilespmem:s19+$0x3280]  }
0x27: {  	v14 =	vld [tilespmem:s19+$0x3200]  }
0x28: {  	v15 =	vld [tilespmem:s19+$0x3380]  }
0x29: {  	v16 =	vld [tilespmem:s19+$0x3300]  }
0x2a: {  	v17 =	vld [tilespmem:s19+$0x3880]  }
0x2b: {  	v18 =	vld [tilespmem:s19+$0x3800]  }
0x2c: {  	v19 =	vld [tilespmem:s19+$0x3980]  }
0x2d: {  	v20 =	vld [tilespmem:s19+$0x3900]  }
0x2e: {  	v21 =	vld [tilespmem:s19+$0x3A80]  }
0x2f: {  	v22 =	vld [tilespmem:s19+$0x3A00]  }
0x30: {  	v23 =	vld [tilespmem:s19+$0x3B80]  }
0x31: {  	v24 =	vld [tilespmem:s19+$0x3B00]  }
0x32: {  	v25 =	vld [tilespmem:s19+$0x2080]  }
0x33: {  	v26 =	vld [tilespmem:s19+$0x2000]  }
0x34: {  	v27 =	vld [tilespmem:s19+$0x2180]  }
0x35: {  	v28 =	vld [tilespmem:s19+$0x2100]  }
0x36: {  	v29 =	vld [tilespmem:s19+$0x2280]  }
0x37: {  	v30 =	vld [tilespmem:s19+$0x2200]  }
0x38: {  	v31 =	vld [tilespmem:s19+$0x2380];
	vm0 =	vgt.f32 v9, v10  }
0x39: {  	v32 =	vld [tilespmem:s19+$0x2300];
	v9 =	vsel vm0, v9, v10;
	v10 =	vsel vm0, $0x3DC1D5F2, v0;
	vm0 =	vgt.f32 v11, v12  }
0x3a: {  	v33 =	vld [tilespmem:s19+$0x2880];
	vm1 =	vgt.f32 v13, v14;
	vm2 =	vgt.f32 v15, v16;
	v11 =	vsel vm0, v11, v12  }
0x3b: {  	v34 =	vld [tilespmem:s19+$0x2800];
	v12 =	vsel vm1, v13, v14;
	v13 =	vsel vm2, v15, v16;
	v14 =	vsel vm0, $0x3E0118EF, v1  }
0x3c: {  	v35 =	vld [tilespmem:s19+$0x2980];
	v15 =	vsel vm2, $0x3E8F0969, v3;
	vm2 =	vgt.f32 v19, v20;
	vm3 =	vgt.f32 v11, v9  }
0x3d: {  	v36 =	vld [tilespmem:s19+$0x2900];
	vm0 =	vgt.f32 v13, v12;
	v11 =	vsel vm3, v11, v9;
	v9 =	vsel vm1, $0x3E79EE9A, v2  }
0x3e: {  	v37 =	vld [tilespmem:s19+$0x2A80];
	v12 =	vsel vm0, v13, v12;
	v10 =	vsel vm3, v14, v10;
	v14 =	vsel vm2, $0x3E62A0E6, v5  }
0x3f: {  	v38 =	vld [tilespmem:s19+$0x2A00];
	vm3 =	vgt.f32 v23, v24;
	v9 =	vsel vm0, v15, v9;
	vm1 =	vgt.f32 v12, v11  }
0x40: {  	v39 =	vld [tilespmem:s19+$0x1900];
	vm0 =	vgt.f32 v17, v18;
	v15 =	vsel vm2, v19, v20;
	vm2 =	vgt.f32 v21, v22  }
0x41: {  	v47 =	vld [tilespmem:s19+$0x1A80];
	v19 =	vsel vm3, v23, v24;
	v9 =	vsel vm1, v9, v10;
	v13 =	vsel vm0, v17, v18  }
0x42: {  	v49 =	vld [tilespmem:s19+$0x1B00];
	v10 =	vsel vm0, $0x3F800000, v4;
	v16 =	vsel vm2, v21, v22;
	v11 =	vsel vm1, v12, v11  }
0x43: {  	v51 =	vld [tilespmem:s19+$0x80];
	v12 =	vsel vm2, $0x3E398228, v7;
	vm2 =	vgt.f32 v25, v26;
	vm4 =	vgt.f32 v15, v13  }
0x44: {  	v40 =	vld [tilespmem:s19+$0x0];
	vm0 =	vgt.f32 v19, v16;
	v23 =	vsel vm2, $0x3DC1D5F2, v0;
	v10 =	vsel vm4, v14, v10  }
0x45: {  	v20 =	vld [tilespmem:s19+$0x1080];
	v13 =	vsel vm4, v15, v13;
	v14 =	vsel vm0, v19, v16;
	v15 =	vsel vm3, $0x3D6007BF, v8  }
0x46: {  	v17 =	vld [tilespmem:s19+$0x2B80];
	v16 =	vsel vm2, v25, v26;
	vm2 =	vgt.f32 v27, v28;
	vm3 =	vgt.f32 v29, v30  }
0x47: {  	s20 =	sor.u32 s20, s20;
	v18 =	vld [tilespmem:s19+$0x2B00];
	vm4 =	vgt.f32 v31, v32;
	vm1 =	vgt.f32 v14, v13;
	v25 =	vsel vm2, v27, v28  }
0x48: {  	s20 =	sor.u32 $0x380, s20;
	v21 =	vld [tilespmem:s19+$0x1000];
	v27 =	vsel vm3, v29, v30;
	v28 =	vsel vm4, v31, v32;
	v30 =	vsel vm2, $0x3E0118EF, v1  }
0x49: {  	v52 =	vld [tilespmem:s20+$0x0];
	v43 =	vsel vm4, $0x3E8F0969, v3;
	vm4 =	vgt.f32 v35, v36;
	vm5 =	vgt.f32 v25, v16  }
0x4a: {  	v24 =	vld [tilespmem:s19+$0x1280];
	vm2 =	vgt.f32 v28, v27;
	v46 =	vsel vm4, $0x3E62A0E6, v5;
	v35 =	vsel vm4, v35, v36  }
0x4b: {  	v22 =	vld [tilespmem:s19+$0x1100];
	vm4 =	vgt.f32 v37, v38;
	v25 =	vsel vm5, v25, v16;
	v16 =	vsel vm3, $0x3E79EE9A, v2  }
0x4c: {  	v19 =	vld [tilespmem:s19+$0x1180];
	v27 =	vsel vm2, v28, v27;
	v23 =	vsel vm5, v30, v23;
	vm5 =	vgt.f32 v17, v18  }
0x4d: {  	v26 =	vld [tilespmem:s19+$0x1200];
	v37 =	vsel vm4, v37, v38;
	v48 =	vsel vm4, $0x3E398228, v7;
	vm4 =	vgt.f32 v20, v21  }
0x4e: {  	v54 =	vld [tilespmem:s19+$0x800];
	v16 =	vsel vm2, v43, v16;
	vm3 =	vgt.f32 v27, v25;
	vm2 =	vgt.f32 v33, v34  }
0x4f: {  	v29 =	vld [tilespmem:s19+$0x1380];
	v17 =	vsel vm5, v17, v18;
	v50 =	vsel vm5, $0x3D6007BF, v8;
	v20 =	vsel vm4, v20, v21  }
0x50: {  	v31 =	vld [tilespmem:s19+$0x1300];
	v21 =	vsel vm4, $0x3DC1D5F2, v0;
	v16 =	vsel vm3, v16, v23;
	v44 =	vsel vm2, v33, v34  }
0x51: {  	v28 =	vld [tilespmem:s19+$0x1880];
	v45 =	vsel vm2, $0x3F800000, v4;
	vm2 =	vgt.f32 v17, v37;
	v25 =	vsel vm3, v27, v25  }
0x52: {  	v30 =	vld [tilespmem:s19+$0x1800];
	vm4 =	vgt.f32 v19, v22;
	vm5 =	vgt.f32 v24, v26;
	vm6 =	vgt.f32 v35, v44  }
0x53: {  	v55 =	vld [tilespmem:s19+$0x980];
	v17 =	vsel vm2, v17, v37;
	v19 =	vsel vm4, v19, v22;
	v24 =	vsel vm5, v24, v26  }
0x54: {  	v18 =	vld [tilespmem:s19+$0x1A00];
	v41 =	vsel vm5, $0x3E79EE9A, v2;
	v33 =	vsel vm6, v46, v45;
	v32 =	vsel vm6, v35, v44  }
0x55: {  	v23 =	vld [tilespmem:s19+$0x1980];
	vm6 =	vgt.f32 v29, v31;
	vm7 =	vgt.f32 v19, v20;
	vm3 =	vgt.f32 v17, v32  }
0x56: {  	v43 =	vld [tilespmem:s19+$0xA80];
	v26 =	vsel vm6, v29, v31;
	v31 =	vsel vm4, $0x3E0118EF, v1;
	v19 =	vsel vm7, v19, v20  }
0x57: {  	v27 =	vld [tilespmem:s19+$0x1B80];
	v42 =	vsel vm6, $0x3E8F0969, v3;
	vm5 =	vgt.f32 v28, v30;
	vm4 =	vgt.f32 v26, v24  }
0x58: {  	v22 =	vld [tilespmem:s19+$0x180];
	v21 =	vsel vm7, v31, v21;
	v28 =	vsel vm5, v28, v30;
	v30 =	vsel vm5, $0x3F800000, v4  }
0x59: {  	v45 =	vld [tilespmem:s19+$0xB80];
	vm5 =	vgt.f32 v47, v18;
	v24 =	vsel vm4, v26, v24;
	v31 =	vsel vm4, v42, v41  }
0x5a: {  	v29 =	vld [tilespmem:s19+$0x100];
	vm6 =	vgt.f32 v23, v39;
	v18 =	vsel vm5, v47, v18;
	v56 =	vsel vm5, $0x3E398228, v7  }
0x5b: {  	v20 =	vld [tilespmem:s19+$0x280];
	vm5 =	vgt.f32 v51, v40;
	vm4 =	vgt.f32 v24, v19;
	v23 =	vsel vm6, v23, v39  }
0x5c: {  	v26 =	vld [tilespmem:s19+$0x200];
	v53 =	vsel vm6, $0x3E62A0E6, v5;
	vm6 =	vgt.f32 v27, v49;
	v38 =	vsel vm5, v51, v40  }
0x5d: {  	v21 =	vsel vm4, v31, v21;
	v31 =	vld [tilespmem:s19+$0x300];
	v19 =	vsel vm4, v24, v19;
	vm4 =	vgt.f32 v23, v28  }
0x5e: {  	v24 =	vld [tilespmem:s19+$0x880];
	v27 =	vsel vm6, v27, v49;
	v57 =	vsel vm6, $0x3D6007BF, v8;
	v30 =	vsel vm4, v53, v30  }
0x5f: {  	v23 =	vsel vm4, v23, v28;
	v28 =	vld [tilespmem:s19+$0x900];
	vm4 =	vgt.f32 v27, v18;
	vm6 =	vgt.f32 v22, v29  }
0x60: {  	v58 =	vsel vm5, $0x3DC1D5F2, v0;
	v18 =	vsel vm4, v27, v18;
	v27 =	vld [tilespmem:s19+$0xA00];
	v22 =	vsel vm6, v22, v29  }
0x61: {  	v44 =	vsel vm6, $0x3E0118EF, v1;
	v29 =	vld [tilespmem:s19+$0xB00];
	vm6 =	vgt.f32 v20, v26;
	vm8 =	vgt.f32 v22, v38  }
0x62: {  	vm5 =	vgt.f32 v18, v23;
	v20 =	vsel vm6, v20, v26;
	v59 =	vsel vm6, $0x3E79EE9A, v2  }
0x63: {  	v22 =	vsel vm8, v22, v38;
	vm7 =	vgt.f32 v52, v31;
	vm6 =	vgt.f32 v24, v54  }
0x64: {  	v26 =	vsel vm7, v52, v31;
	v31 =	vsel vm8, v44, v58;
	v24 =	vsel vm6, v24, v54  }
0x65: {  	vm13 =	vgt.f32 v55, v28;
	vm9 =	vgt.f32 v26, v20;
	vm14 =	vgt.f32 v43, v27  }
0x66: {  	vm10 =	vgt.f32 v45, v29;
	v61 =	vsel vm13, $0x3E62A0E6, v5;
	v20 =	vsel vm9, v26, v20  }
0x67: {  	v26 =	vsel vm7, $0x3E8F0969, v3;
	v27 =	vsel vm14, v43, v27;
	vm7 =	vgt.f32 v20, v22  }
0x68: {  	v20 =	vsel vm7, v20, v22;
	v22 =	vsel vm13, v55, v28;
	v28 =	vsel vm10, v45, v29  }
0x69: {  	s19 =	simm.s32 $0x8000;
	v29 =	vsel vm6, $0x3F800000, v4;
	vm6 =	vgt.f32 v22, v24;
	vm11 =	vgt.f32 v28, v27  }
0x6a: {  	v60 =	vld [tilespmem:s19+$0x0];
	v26 =	vsel vm9, v26, v59;
	v22 =	vsel vm6, v22, v24;
	v24 =	vsel vm11, v28, v27  }
0x6b: {  	v27 =	vsel vm14, $0x3E398228, v7;
	v28 =	vsel vm10, $0x3D6007BF, v8;
	vm15 =	vgt.f32 v24, v22  }
0x6c: {  	v29 =	vsel vm6, v61, v29;
	v27 =	vsel vm11, v28, v27;
	v22 =	vsel vm15, v24, v22  }
0x6d: {  	v24 =	vsel vm7, v26, v31;
	v26 =	vsel vm15, v27, v29;
	vm6 =	vgt.f32 v22, v20  }
0x6e: {  	v18 =	vsel vm5, v18, v23;
	v22 =	vsel vm4, v57, v56;
	v20 =	vsel vm6, v26, v24  }
0x6f: {  	vm4 =	vgt.f32 v18, v19;
	v22 =	vsel vm5, v22, v30;
	v20 =	vadd.f32 v20, v60  }
0x70: {  	v17 =	vsel vm3, v17, v32;
	v19 =	vsel vm2, v50, v48;
	v18 =	vsel vm4, v22, v21  }
0x71: {  	vm2 =	vgt.f32 v17, v25;
	v19 =	vsel vm3, v19, v33;
	v18 =	vadd.f32 v18, v20  }
0x72: {  	v12 =	vsel vm0, v15, v12;
	v13 =	vsel vm1, v14, v13;
	v16 =	vsel vm2, v19, v16  }
0x73: {  	v10 =	vsel vm1, v12, v10;
	vm0 =	vgt.f32 v13, v11;
	v14 =	vadd.f32 v16, v18  }
0x74: {  	v9 =	vsel vm0, v10, v9  }
0x75: {  	s22 =	simm.s32 $0x10;
	s20 =	simm.s32 $0x80;
	v9 =	vadd.f32 v9, v14  }
0x76: {  	s31 =	sand.u32 $0x70, s22;
	s23 =	sand.u32 $0x400, s20  }
0x77: {  	s21 =	sor.u32 s31, s23;
	[tilespmem:s19+$0x0] =	vst v9  }
0x78: {  	v9 =	vld [tilespmem:s21+$0x3080]  }
0x79: {  	v10 =	vld [tilespmem:s21+$0x3000]  }
0x7a: {  	v11 =	vld [tilespmem:s21+$0x3180]  }
0x7b: {  	v12 =	vld [tilespmem:s21+$0x3100]  }
0x7c: {  	v13 =	vld [tilespmem:s21+$0x3280]  }
0x7d: {  	v14 =	vld [tilespmem:s21+$0x3200]  }
0x7e: {  	v15 =	vld [tilespmem:s21+$0x3380]  }
0x7f: {  	v16 =	vld [tilespmem:s21+$0x3300]  }
0x80: {  	v17 =	vld [tilespmem:s21+$0x3880]  }
0x81: {  	v18 =	vld [tilespmem:s21+$0x3800]  }
0x82: {  	v19 =	vld [tilespmem:s21+$0x3980]  }
0x83: {  	v20 =	vld [tilespmem:s21+$0x3900]  }
0x84: {  	v21 =	vld [tilespmem:s21+$0x3A80]  }
0x85: {  	v22 =	vld [tilespmem:s21+$0x3A00]  }
0x86: {  	v23 =	vld [tilespmem:s21+$0x3B80]  }
0x87: {  	v24 =	vld [tilespmem:s21+$0x3B00]  }
0x88: {  	v25 =	vld [tilespmem:s21+$0x2080]  }
0x89: {  	v26 =	vld [tilespmem:s21+$0x2000]  }
0x8a: {  	v27 =	vld [tilespmem:s21+$0x2180]  }
0x8b: {  	v28 =	vld [tilespmem:s21+$0x2100]  }
0x8c: {  	v29 =	vld [tilespmem:s21+$0x2280]  }
0x8d: {  	v30 =	vld [tilespmem:s21+$0x2200];
	vm0 =	vgt.f32 v9, v10  }
0x8e: {  	v31 =	vld [tilespmem:s21+$0x2380];
	v9 =	vsel vm0, v9, v10;
	v10 =	vsel vm0, $0x3DC1D5F2, v0;
	vm0 =	vgt.f32 v11, v12  }
0x8f: {  	v62 =	vld [tilespmem:s21+$0x2300];
	vm1 =	vgt.f32 v13, v14;
	vm2 =	vgt.f32 v15, v16;
	v11 =	vsel vm0, v11, v12  }
0x90: {  	v63 =	vld [tilespmem:s21+$0x2880];
	v12 =	vsel vm1, v13, v14;
	v13 =	vsel vm2, v15, v16;
	v14 =	vsel vm0, $0x3E0118EF, v1  }
0x91: {  	v45 =	vld [tilespmem:s21+$0x2800];
	v15 =	vsel vm2, $0x3E8F0969, v3;
	vm2 =	vgt.f32 v19, v20;
	vm3 =	vgt.f32 v11, v9  }
0x92: {  	v46 =	vld [tilespmem:s21+$0x2980];
	vm0 =	vgt.f32 v13, v12;
	v11 =	vsel vm3, v11, v9;
	v9 =	vsel vm1, $0x3E79EE9A, v2  }
0x93: {  	v47 =	vld [tilespmem:s21+$0x2900];
	v12 =	vsel vm0, v13, v12;
	v10 =	vsel vm3, v14, v10;
	v14 =	vsel vm2, $0x3E62A0E6, v5  }
0x94: {  	v48 =	vld [tilespmem:s21+$0x2A80];
	vm3 =	vgt.f32 v23, v24;
	v9 =	vsel vm0, v15, v9;
	vm1 =	vgt.f32 v12, v11  }
0x95: {  	v49 =	vld [tilespmem:s21+$0x2A00];
	vm0 =	vgt.f32 v17, v18;
	v15 =	vsel vm2, v19, v20;
	vm2 =	vgt.f32 v21, v22  }
0x96: {  	v50 =	vld [tilespmem:s21+$0x1180];
	v19 =	vsel vm3, v23, v24;
	v9 =	vsel vm1, v9, v10;
	v13 =	vsel vm0, v17, v18  }
0x97: {  	v51 =	vld [tilespmem:s21+$0x1100];
	v10 =	vsel vm0, $0x3F800000, v4;
	v16 =	vsel vm2, v21, v22;
	v11 =	vsel vm1, v12, v11  }
0x98: {  	v52 =	vld [tilespmem:s21+$0x1880];
	v12 =	vsel vm2, $0x3E398228, v7;
	vm2 =	vgt.f32 v25, v26;
	vm4 =	vgt.f32 v15, v13  }
0x99: {  	v53 =	vld [tilespmem:s21+$0x1980];
	vm0 =	vgt.f32 v19, v16;
	v10 =	vsel vm4, v14, v10;
	v13 =	vsel vm4, v15, v13  }
0x9a: {  	v54 =	vld [tilespmem:s21+$0x1900];
	v14 =	vsel vm0, v19, v16;
	v15 =	vsel vm3, $0x3D6007BF, v8;
	v16 =	vsel vm2, v25, v26  }
0x9b: {  	v17 =	vld [tilespmem:s21+$0x2B80];
	v19 =	vsel vm2, $0x3DC1D5F2, v0;
	vm2 =	vgt.f32 v27, v28;
	vm3 =	vgt.f32 v29, v30  }
0x9c: {  	v18 =	vld [tilespmem:s21+$0x2B00];
	vm4 =	vgt.f32 v31, v62;
	vm1 =	vgt.f32 v14, v13;
	v20 =	vsel vm2, v27, v28  }
0x9d: {  	v55 =	vld [tilespmem:s21+$0x1A80];
	v21 =	vsel vm3, v29, v30;
	v22 =	vsel vm4, v31, v62;
	v28 =	vsel vm2, $0x3E0118EF, v1  }
0x9e: {  	v23 =	vld [tilespmem:s21+$0x1080];
	v30 =	vsel vm4, $0x3E8F0969, v3;
	vm4 =	vgt.f32 v46, v47;
	vm5 =	vgt.f32 v20, v16  }
0x9f: {  	v24 =	vld [tilespmem:s21+$0x1000];
	vm2 =	vgt.f32 v22, v21;
	v31 =	vsel vm4, v46, v47;
	v20 =	vsel vm5, v20, v16  }
0xa0: {  	v25 =	vld [tilespmem:s21+$0x1280];
	v16 =	vsel vm3, $0x3E79EE9A, v2;
	v21 =	vsel vm2, v22, v21;
	v19 =	vsel vm5, v28, v19  }
0xa1: {  	v26 =	vld [tilespmem:s21+$0x1200];
	vm5 =	vgt.f32 v17, v18;
	v16 =	vsel vm2, v30, v16;
	vm3 =	vgt.f32 v21, v20  }
0xa2: {  	v27 =	vld [tilespmem:s21+$0x1380];
	vm2 =	vgt.f32 v63, v45;
	v30 =	vsel vm4, $0x3E62A0E6, v5;
	vm4 =	vgt.f32 v48, v49  }
0xa3: {  	v29 =	vld [tilespmem:s21+$0x1300];
	v57 =	vsel vm5, v17, v18;
	v16 =	vsel vm3, v16, v19;
	v22 =	vsel vm2, v63, v45  }
0xa4: {  	v58 =	vld [tilespmem:s21+$0x1A00];
	v19 =	vsel vm2, $0x3F800000, v4;
	v56 =	vsel vm4, v48, v49;
	vm6 =	vgt.f32 v31, v22  }
0xa5: {  	v59 =	vld [tilespmem:s21+$0x1B80];
	v18 =	vsel vm3, v21, v20;
	vm2 =	vgt.f32 v57, v56;
	v17 =	vsel vm6, v30, v19  }
0xa6: {  	v60 =	vld [tilespmem:s21+$0x1B00];
	v19 =	vsel vm4, $0x3E398228, v7;
	v20 =	vsel vm6, v31, v22;
	v21 =	vsel vm2, v57, v56  }
0xa7: {  	v32 =	vld [tilespmem:s21+$0x280];
	vm4 =	vgt.f32 v23, v24;
	v22 =	vsel vm5, $0x3D6007BF, v8;
	vm5 =	vgt.f32 v25, v26  }
0xa8: {  	s22 =	sor.u32 s20, s22;
	v28 =	vld [tilespmem:s21+$0x1800];
	vm6 =	vgt.f32 v27, v29;
	vm3 =	vgt.f32 v21, v20;
	v23 =	vsel vm4, v23, v24  }
0xa9: {  	s22 =	sor.u32 $0x380, s22;
	v33 =	vld [tilespmem:s21+$0x200];
	v24 =	vsel vm4, $0x3DC1D5F2, v0;
	vm4 =	vgt.f32 v50, v51;
	v25 =	vsel vm5, v25, v26  }
0xaa: {  	v36 =	vld [tilespmem:s22+$0x0];
	v26 =	vsel vm6, v27, v29;
	v62 =	vsel vm6, $0x3E8F0969, v3;
	v61 =	vsel vm4, v50, v51  }
0xab: {  	v39 =	vld [tilespmem:s21+$0x300];
	v27 =	vsel vm4, $0x3E0118EF, v1;
	vm4 =	vgt.f32 v26, v25;
	vm7 =	vgt.f32 v61, v23  }
0xac: {  	v46 =	vld [tilespmem:s21+$0x80];
	vm6 =	vgt.f32 v53, v54;
	v25 =	vsel vm4, v26, v25;
	v29 =	vsel vm7, v61, v23  }
0xad: {  	v47 =	vld [tilespmem:s21+$0x0];
	v23 =	vsel vm5, $0x3E79EE9A, v2;
	v24 =	vsel vm7, v27, v24;
	vm5 =	vgt.f32 v52, v28  }
0xae: {  	v30 =	vld [tilespmem:s21+$0x180];
	v27 =	vsel vm6, v53, v54;
	v23 =	vsel vm4, v62, v23;
	vm4 =	vgt.f32 v25, v29  }
0xaf: {  	v31 =	vld [tilespmem:s21+$0x100];
	v26 =	vsel vm5, v52, v28;
	v28 =	vsel vm6, $0x3E62A0E6, v5;
	vm6 =	vgt.f32 v59, v60  }
0xb0: {  	v34 =	vld [tilespmem:s21+$0x880];
	v23 =	vsel vm4, v23, v24;
	v24 =	vsel vm4, v25, v29;
	v25 =	vsel vm5, $0x3F800000, v4  }
0xb1: {  	v37 =	vld [tilespmem:s21+$0x800];
	vm4 =	vgt.f32 v27, v26;
	vm5 =	vgt.f32 v55, v58;
	v63 =	vsel vm6, v59, v60  }
0xb2: {  	v35 =	vld [tilespmem:s21+$0x980];
	v25 =	vsel vm4, v28, v25;
	v29 =	vsel vm5, v55, v58;
	v26 =	vsel vm4, v27, v26  }
0xb3: {  	v38 =	vld [tilespmem:s21+$0x900];
	v27 =	vsel vm5, $0x3E398228, v7;
	v28 =	vsel vm6, $0x3D6007BF, v8;
	vm6 =	vgt.f32 v46, v47  }
0xb4: {  	v40 =	vld [tilespmem:s21+$0xA80];
	vm5 =	vgt.f32 v30, v31;
	vm4 =	vgt.f32 v63, v29;
	v42 =	vsel vm6, v46, v47  }
0xb5: {  	v41 =	vld [tilespmem:s21+$0xA00];
	s22 =	simm.s32 $0x20;
	v43 =	vsel vm6, $0x3DC1D5F2, v0;
	v44 =	vsel vm5, $0x3E0118EF, v1;
	v29 =	vsel vm4, v63, v29  }
.LBB2_3:
0xb6: {  	p0 =	sne.s32 s22, $0xF0;
	v45 =	vld [tilespmem:s21+$0xB80];
	v30 =	vsel vm5, v30, v31;
	vm6 =	vgt.f32 v32, v33;
	vm7 =	vgt.f32 v36, v39  }
0xb7: {  	v31 =	vld [tilespmem:s21+$0xB00];
	v32 =	vsel vm6, v32, v33;
	v33 =	vsel vm7, v36, v39;
	vm8 =	vgt.f32 v30, v42  }
0xb8: {  	vm5 =	vgt.f32 v29, v26;
	v36 =	vsel vm8, v44, v43;
	vm9 =	vgt.f32 v33, v32  }
0xb9: {  	v39 =	vsel vm6, $0x3E79EE9A, v2;
	v30 =	vsel vm8, v30, v42;
	v32 =	vsel vm9, v33, v32  }
0xba: {  	vm6 =	vgt.f32 v34, v37;
	v33 =	vsel vm7, $0x3E8F0969, v3;
	vm7 =	vgt.f32 v32, v30  }
0xbb: {  	v34 =	vsel vm6, v34, v37;
	v33 =	vsel vm9, v33, v39;
	v30 =	vsel vm7, v32, v30  }
0xbc: {  	vm8 =	vgt.f32 v35, v38;
	vm9 =	vgt.f32 v40, v41;
	vm10 =	vgt.f32 v45, v31  }
0xbd: {  	v32 =	vsel vm8, v35, v38;
	v35 =	vsel vm9, v40, v41;
	v31 =	vsel vm10, v45, v31  }
0xbe: {  	s19 =	sadd.s32 $0x10, s19;
	v37 =	vsel vm6, $0x3F800000, v4;
	vm6 =	vgt.f32 v32, v34;
	vm11 =	vgt.f32 v31, v35  }
0xbf: {  	v39 =	vsel vm8, $0x3E62A0E6, v5;
	v32 =	vsel vm6, v32, v34;
	v38 =	vld [tilespmem:s19+$0x0];
	v31 =	vsel vm11, v31, v35  }
0xc0: {  	v34 =	vsel vm9, $0x3E398228, v7;
	v35 =	vsel vm10, $0x3D6007BF, v8;
	vm8 =	vgt.f32 v31, v32  }
0xc1: {  	v37 =	vsel vm6, v39, v37;
	v34 =	vsel vm11, v35, v34;
	v31 =	vsel vm8, v31, v32  }
0xc2: {  	v32 =	vsel vm7, v33, v36;
	v33 =	vsel vm8, v34, v37;
	vm6 =	vgt.f32 v31, v30  }
0xc3: {  	v27 =	vsel vm4, v28, v27;
	v26 =	vsel vm5, v29, v26;
	v30 =	vsel vm6, v33, v32  }
0xc4: {  	v25 =	vsel vm5, v27, v25;
	vm4 =	vgt.f32 v26, v24;
	v28 =	vadd.f32 v30, v38  }
0xc5: {  	v19 =	vsel vm2, v22, v19;
	v20 =	vsel vm3, v21, v20;
	v23 =	vsel vm4, v25, v23  }
0xc6: {  	v17 =	vsel vm3, v19, v17;
	vm2 =	vgt.f32 v20, v18;
	v21 =	vadd.f32 v23, v28  }
0xc7: {  	v12 =	vsel vm0, v15, v12;
	v13 =	vsel vm1, v14, v13;
	v16 =	vsel vm2, v17, v16  }
0xc8: {  	v10 =	vsel vm1, v12, v10;
	vm0 =	vgt.f32 v13, v11;
	v14 =	vadd.f32 v16, v21  }
0xc9: {  	v9 =	vsel vm0, v10, v9  }
0xca: {  	s20 =	sadd.s32 $0x80, s20;
	v9 =	vadd.f32 v9, v14  }
0xcb: {  	s21 =	sand.u32 $0x70, s22;
	s23 =	sand.u32 $0x400, s20  }
0xcc: {  	s21 =	sor.u32 s21, s23;
	[tilespmem:s19+$0x0] =	vst v9  }
0xcd: {  	v9 =	vld [tilespmem:s21+$0x3080]  }
0xce: {  	v10 =	vld [tilespmem:s21+$0x3000]  }
0xcf: {  	v11 =	vld [tilespmem:s21+$0x3180]  }
0xd0: {  	v12 =	vld [tilespmem:s21+$0x3100]  }
0xd1: {  	v13 =	vld [tilespmem:s21+$0x3280]  }
0xd2: {  	v14 =	vld [tilespmem:s21+$0x3200]  }
0xd3: {  	v15 =	vld [tilespmem:s21+$0x3380]  }
0xd4: {  	v16 =	vld [tilespmem:s21+$0x3300]  }
0xd5: {  	v17 =	vld [tilespmem:s21+$0x3880]  }
0xd6: {  	v18 =	vld [tilespmem:s21+$0x3800]  }
0xd7: {  	v19 =	vld [tilespmem:s21+$0x3980]  }
0xd8: {  	v20 =	vld [tilespmem:s21+$0x3900]  }
0xd9: {  	v21 =	vld [tilespmem:s21+$0x3A80]  }
0xda: {  	v22 =	vld [tilespmem:s21+$0x3A00]  }
0xdb: {  	v23 =	vld [tilespmem:s21+$0x3B80]  }
0xdc: {  	v24 =	vld [tilespmem:s21+$0x3B00]  }
0xdd: {  	v25 =	vld [tilespmem:s21+$0x2080]  }
0xde: {  	v26 =	vld [tilespmem:s21+$0x2000]  }
0xdf: {  	v27 =	vld [tilespmem:s21+$0x2180]  }
0xe0: {  	v28 =	vld [tilespmem:s21+$0x2100]  }
0xe1: {  	v29 =	vld [tilespmem:s21+$0x2280]  }
0xe2: {  	vm0 =	vgt.f32 v9, v10;
	v30 =	vld [tilespmem:s21+$0x2200]  }
0xe3: {  	v9 =	vsel vm0, v9, v10;
	v10 =	vsel vm0, $0x3DC1D5F2, v0;
	vm0 =	vgt.f32 v11, v12;
	v31 =	vld [tilespmem:s21+$0x2380]  }
0xe4: {  	v11 =	vsel vm0, v11, v12;
	vm1 =	vgt.f32 v13, v14;
	vm2 =	vgt.f32 v15, v16;
	v32 =	vld [tilespmem:s21+$0x2300]  }
0xe5: {  	vm3 =	vgt.f32 v11, v9;
	v12 =	vsel vm1, v13, v14;
	v13 =	vsel vm2, v15, v16;
	v33 =	vld [tilespmem:s21+$0x2880]  }
0xe6: {  	v14 =	vsel vm0, $0x3E0118EF, v1;
	v11 =	vsel vm3, v11, v9;
	vm0 =	vgt.f32 v13, v12;
	v34 =	vld [tilespmem:s21+$0x2800]  }
0xe7: {  	v9 =	vsel vm1, $0x3E79EE9A, v2;
	v15 =	vsel vm2, $0x3E8F0969, v3;
	v12 =	vsel vm0, v13, v12;
	v35 =	vld [tilespmem:s21+$0x2980]  }
0xe8: {  	v10 =	vsel vm3, v14, v10;
	v9 =	vsel vm0, v15, v9;
	vm1 =	vgt.f32 v12, v11;
	v36 =	vld [tilespmem:s21+$0x2900]  }
0xe9: {  	vm0 =	vgt.f32 v17, v18;
	vm2 =	vgt.f32 v19, v20;
	v9 =	vsel vm1, v9, v10;
	v37 =	vld [tilespmem:s21+$0x2A80]  }
0xea: {  	v13 =	vsel vm0, v17, v18;
	v10 =	vsel vm0, $0x3F800000, v4;
	v14 =	vsel vm2, $0x3E62A0E6, v5;
	v38 =	vld [tilespmem:s21+$0x2A00]  }
0xeb: {  	v15 =	vsel vm2, v19, v20;
	vm2 =	vgt.f32 v21, v22;
	vm3 =	vgt.f32 v23, v24;
	v17 =	vld [tilespmem:s21+$0x2B80]  }
0xec: {  	vm4 =	vgt.f32 v15, v13;
	v16 =	vsel vm2, v21, v22;
	v19 =	vsel vm3, v23, v24;
	v18 =	vld [tilespmem:s21+$0x2B00]  }
0xed: {  	v11 =	vsel vm1, v12, v11;
	v10 =	vsel vm4, v14, v10;
	vm0 =	vgt.f32 v19, v16;
	v23 =	vld [tilespmem:s21+$0x1080]  }
0xee: {  	v12 =	vsel vm2, $0x3E398228, v7;
	v13 =	vsel vm4, v15, v13;
	v14 =	vsel vm0, v19, v16;
	v24 =	vld [tilespmem:s21+$0x1000]  }
0xef: {  	v15 =	vsel vm3, $0x3D6007BF, v8;
	vm2 =	vgt.f32 v25, v26;
	vm1 =	vgt.f32 v14, v13;
	v39 =	vld [tilespmem:s21+$0x1180]  }
0xf0: {  	v16 =	vsel vm2, v25, v26;
	v19 =	vsel vm2, $0x3DC1D5F2, v0;
	vm2 =	vgt.f32 v27, v28;
	v40 =	vld [tilespmem:s21+$0x1100]  }
0xf1: {  	v20 =	vsel vm2, v27, v28;
	vm3 =	vgt.f32 v29, v30;
	vm4 =	vgt.f32 v31, v32;
	v25 =	vld [tilespmem:s21+$0x1280]  }
0xf2: {  	vm5 =	vgt.f32 v20, v16;
	v21 =	vsel vm3, v29, v30;
	v22 =	vsel vm4, v31, v32;
	v26 =	vld [tilespmem:s21+$0x1200]  }
0xf3: {  	v28 =	vsel vm2, $0x3E0118EF, v1;
	v20 =	vsel vm5, v20, v16;
	vm2 =	vgt.f32 v22, v21;
	v27 =	vld [tilespmem:s21+$0x1380]  }
0xf4: {  	v16 =	vsel vm3, $0x3E79EE9A, v2;
	v30 =	vsel vm4, $0x3E8F0969, v3;
	v21 =	vsel vm2, v22, v21;
	v29 =	vld [tilespmem:s21+$0x1300]  }
0xf5: {  	v19 =	vsel vm5, v28, v19;
	v16 =	vsel vm2, v30, v16;
	vm3 =	vgt.f32 v21, v20;
	v41 =	vld [tilespmem:s21+$0x1880]  }
0xf6: {  	vm2 =	vgt.f32 v33, v34;
	vm4 =	vgt.f32 v35, v36;
	v16 =	vsel vm3, v16, v19;
	v28 =	vld [tilespmem:s21+$0x1800]  }
0xf7: {  	v22 =	vsel vm2, v33, v34;
	v19 =	vsel vm2, $0x3F800000, v4;
	v30 =	vsel vm4, $0x3E62A0E6, v5;
	v42 =	vld [tilespmem:s21+$0x1980]  }
0xf8: {  	v31 =	vsel vm4, v35, v36;
	vm4 =	vgt.f32 v37, v38;
	vm5 =	vgt.f32 v17, v18;
	v34 =	vld [tilespmem:s21+$0x1900]  }
0xf9: {  	vm6 =	vgt.f32 v31, v22;
	v32 =	vsel vm4, v37, v38;
	v33 =	vsel vm5, v17, v18;
	v43 =	vld [tilespmem:s21+$0x1A80]  }
0xfa: {  	v17 =	vsel vm6, v30, v19;
	v18 =	vsel vm3, v21, v20;
	vm2 =	vgt.f32 v33, v32;
	v38 =	vld [tilespmem:s21+$0x1A00]  }
0xfb: {  	v19 =	vsel vm4, $0x3E398228, v7;
	v20 =	vsel vm6, v31, v22;
	v21 =	vsel vm2, v33, v32;
	v44 =	vld [tilespmem:s21+$0x1B80]  }
0xfc: {  	v22 =	vsel vm5, $0x3D6007BF, v8;
	vm4 =	vgt.f32 v23, v24;
	vm3 =	vgt.f32 v21, v20;
	v45 =	vld [tilespmem:s21+$0x1B00]  }
0xfd: {  	v23 =	vsel vm4, v23, v24;
	v24 =	vsel vm4, $0x3DC1D5F2, v0;
	vm4 =	vgt.f32 v39, v40;
	v46 =	vld [tilespmem:s21+$0x80]  }
0xfe: {  	v32 =	vsel vm4, v39, v40;
	vm5 =	vgt.f32 v25, v26;
	vm6 =	vgt.f32 v27, v29;
	v47 =	vld [tilespmem:s21+$0x0]  }
0xff: {  	vm7 =	vgt.f32 v32, v23;
	v25 =	vsel vm5, v25, v26;
	v26 =	vsel vm6, v27, v29;
	v30 =	vld [tilespmem:s21+$0x180]  }
0x100: {  	v27 =	vsel vm4, $0x3E0118EF, v1;
	v29 =	vsel vm7, v32, v23;
	vm4 =	vgt.f32 v26, v25;
	v31 =	vld [tilespmem:s21+$0x100]  }
0x101: {  	s23 =	sor.u32 s20, s22;
	v23 =	vsel vm5, $0x3E79EE9A, v2;
	v35 =	vsel vm6, $0x3E8F0969, v3;
	v25 =	vsel vm4, v26, v25;
	v32 =	vld [tilespmem:s21+$0x280]  }
0x102: {  	s23 =	sor.u32 $0x380, s23;
	v24 =	vsel vm7, v27, v24;
	v23 =	vsel vm4, v35, v23;
	vm4 =	vgt.f32 v25, v29;
	v33 =	vld [tilespmem:s21+$0x200]  }
0x103: {  	vm5 =	vgt.f32 v41, v28;
	vm6 =	vgt.f32 v42, v34;
	v23 =	vsel vm4, v23, v24;
	v36 =	vld [tilespmem:s23+$0x0]  }
0x104: {  	v26 =	vsel vm5, v41, v28;
	v27 =	vsel vm6, v42, v34;
	v24 =	vsel vm4, v25, v29;
	v39 =	vld [tilespmem:s21+$0x300]  }
0x105: {  	v25 =	vsel vm5, $0x3F800000, v4;
	v28 =	vsel vm6, $0x3E62A0E6, v5;
	vm4 =	vgt.f32 v27, v26;
	v34 =	vld [tilespmem:s21+$0x880]  }
.Ltmp0:
0x106: {  	vm5 =	vgt.f32 v43, v38;
	v25 =	vsel vm4, v28, v25;
	vm6 =	vgt.f32 v44, v45;
	v37 =	vld [tilespmem:s21+$0x800];
	(pc) =	sbr.rel @p0 .LBB2_3-.Ltmp0, $4  }
0x107: {  	v29 =	vsel vm5, v43, v38;
	v26 =	vsel vm4, v27, v26;
	v41 =	vsel vm6, v44, v45;
	v35 =	vld [tilespmem:s21+$0x980]  }
0x108: {  	v27 =	vsel vm5, $0x3E398228, v7;
	v28 =	vsel vm6, $0x3D6007BF, v8;
	vm4 =	vgt.f32 v41, v29;
	v38 =	vld [tilespmem:s21+$0x900]  }
0x109: {  	vm6 =	vgt.f32 v46, v47;
	v29 =	vsel vm4, v41, v29;
	vm5 =	vgt.f32 v30, v31;
	v40 =	vld [tilespmem:s21+$0xA80]  }
0x10a: {  	s22 =	sadd.s32 $0x10, s22;
	v42 =	vsel vm6, v46, v47;
	v43 =	vsel vm6, $0x3DC1D5F2, v0;
	v44 =	vsel vm5, $0x3E0118EF, v1;
	v41 =	vld [tilespmem:s21+$0xA00]  }
0x10b: {  	v45 =	vld [tilespmem:s21+$0xB80];
	v30 =	vsel vm5, v30, v31;
	vm6 =	vgt.f32 v32, v33;
	vm7 =	vgt.f32 v36, v39  }
0x10c: {  	v31 =	vld [tilespmem:s21+$0xB00];
	vm5 =	vgt.f32 v29, v26;
	v32 =	vsel vm6, v32, v33;
	v58 =	vsel vm7, v36, v39  }
0x10d: {  	vm8 =	vgt.f32 v30, v42;
	v60 =	vsel vm6, $0x3E79EE9A, v2;
	v61 =	vsel vm7, $0x3E8F0969, v3  }
0x10e: {  	vm6 =	vgt.f32 v34, v37;
	v59 =	vsel vm8, v44, v43;
	vm9 =	vgt.f32 v58, v32  }
0x10f: {  	v30 =	vsel vm8, v30, v42;
	v34 =	vsel vm6, v34, v37;
	vm14 =	vgt.f32 v35, v38  }
0x110: {  	v42 =	vsel vm6, $0x3F800000, v4;
	v32 =	vsel vm9, v58, v32;
	v33 =	vsel vm9, v61, v60  }
0x111: {  	v62 =	vsel vm14, v35, v38;
	vm15 =	vgt.f32 v40, v41;
	vm10 =	vgt.f32 v45, v31  }
0x112: {  	v44 =	vsel vm14, $0x3E62A0E6, v5;
	v63 =	vsel vm15, v40, v41;
	v31 =	vsel vm10, v45, v31  }
0x113: {  	s19 =	sadd.s32 $0x10, s19;
	vm7 =	vgt.f32 v32, v30;
	vm6 =	vgt.f32 v62, v34;
	vm11 =	vgt.f32 v31, v63  }
0x114: {  	v43 =	vld [tilespmem:s19+$0x0];
	v30 =	vsel vm7, v32, v30;
	v32 =	vsel vm6, v62, v34;
	v31 =	vsel vm11, v31, v63  }
0x115: {  	v45 =	vsel vm15, $0x3E398228, v7;
	v46 =	vsel vm10, $0x3D6007BF, v8;
	vm12 =	vgt.f32 v31, v32  }
0x116: {  	v37 =	vsel vm6, v44, v42;
	v34 =	vsel vm11, v46, v45;
	v31 =	vsel vm12, v31, v32  }
0x117: {  	v47 =	vsel vm7, v33, v59;
	v48 =	vsel vm12, v34, v37;
	vm6 =	vgt.f32 v31, v30  }
0x118: {  	v27 =	vsel vm4, v28, v27;
	v26 =	vsel vm5, v29, v26;
	v30 =	vsel vm6, v48, v47  }
0x119: {  	v25 =	vsel vm5, v27, v25;
	vm4 =	vgt.f32 v26, v24;
	v28 =	vadd.f32 v30, v43  }
0x11a: {  	v19 =	vsel vm2, v22, v19;
	v20 =	vsel vm3, v21, v20;
	v23 =	vsel vm4, v25, v23  }
0x11b: {  	v17 =	vsel vm3, v19, v17;
	vm2 =	vgt.f32 v20, v18;
	v21 =	vadd.f32 v23, v28  }
0x11c: {  	v12 =	vsel vm0, v15, v12;
	v13 =	vsel vm1, v14, v13;
	v16 =	vsel vm2, v17, v16  }
0x11d: {  	v10 =	vsel vm1, v12, v10;
	vm0 =	vgt.f32 v13, v11;
	v14 =	vadd.f32 v16, v21  }
0x11e: {  	v9 =	vsel vm0, v10, v9  }
0x11f: {  	v9 =	vadd.f32 v9, v14;
	_ =	sdelay $0x1  }
0x120: {  	p0 =	seq.s32 s17, $0x18;
	s26 =	simm.s32 $0x0;
	[tilespmem:s19+$0x0] =	vst v9  }
0x121: {  	s18 =	sadd.s32 @!p0 s18, s6;
	s20 =	simm.s32 @!p0 $0x20000;
	_ =	swait.ge [sflag:s13], $0x4000  }
0x122: {  	s21 =	simm.s32 @!p0 $0x0;
	s28 =	sand.u32 $0x70, s26;
	[sflag:s13] =	ssyncset.done $0x0  }
0x123: {  	s29 =	sand.u32 $0x400, s26;
	s19 =	simm.s32 @!p0 $0x800;
	[sflag:s13] =	ssyncadd.s32 $0xFFFFC000  }
0x124: {  	[tilespmem:s21], [sflag:$0x1] =	stream.strided.gather @!p0 [hbm4b:s18+s19], $0x4000, s20, s19, $0x38;
	[tilespmem:$0x8100] =	vst v63  }
0x125: {  	s18 =	sor.u32 s28, s29  }
0x126: {  	v9 =	vld [tilespmem:s18+$0x7080]  }
0x127: {  	v10 =	vld [tilespmem:s18+$0x7000]  }
0x128: {  	v11 =	vld [tilespmem:s18+$0x7180]  }
0x129: {  	v12 =	vld [tilespmem:s18+$0x7100]  }
0x12a: {  	v13 =	vld [tilespmem:s18+$0x7280]  }
0x12b: {  	v14 =	vld [tilespmem:s18+$0x7200]  }
0x12c: {  	v15 =	vld [tilespmem:s18+$0x7380]  }
0x12d: {  	v16 =	vld [tilespmem:s18+$0x7300]  }
0x12e: {  	v17 =	vld [tilespmem:s18+$0x7880]  }
0x12f: {  	v18 =	vld [tilespmem:s18+$0x7800]  }
0x130: {  	v19 =	vld [tilespmem:s18+$0x7980]  }
0x131: {  	v20 =	vld [tilespmem:s18+$0x7900]  }
0x132: {  	v21 =	vld [tilespmem:s18+$0x7A80]  }
0x133: {  	v22 =	vld [tilespmem:s18+$0x7A00]  }
0x134: {  	v23 =	vld [tilespmem:s18+$0x7B80]  }
0x135: {  	v24 =	vld [tilespmem:s18+$0x7B00]  }
0x136: {  	v25 =	vld [tilespmem:s18+$0x6080]  }
0x137: {  	v26 =	vld [tilespmem:s18+$0x6000]  }
0x138: {  	v27 =	vld [tilespmem:s18+$0x6180]  }
0x139: {  	v28 =	vld [tilespmem:s18+$0x6100]  }
0x13a: {  	v29 =	vld [tilespmem:s18+$0x6280]  }
0x13b: {  	v30 =	vld [tilespmem:s18+$0x6200]  }
0x13c: {  	v31 =	vld [tilespmem:s18+$0x6380];
	vm0 =	vgt.f32 v9, v10  }
0x13d: {  	v49 =	vld [tilespmem:s18+$0x6300];
	v9 =	vsel vm0, v9, v10;
	v10 =	vsel vm0, $0x3DC1D5F2, v0;
	vm0 =	vgt.f32 v11, v12  }
0x13e: {  	v50 =	vld [tilespmem:s18+$0x6880];
	vm1 =	vgt.f32 v13, v14;
	vm2 =	vgt.f32 v15, v16;
	v11 =	vsel vm0, v11, v12  }
0x13f: {  	v51 =	vld [tilespmem:s18+$0x6800];
	v12 =	vsel vm1, v13, v14;
	v13 =	vsel vm2, v15, v16;
	v14 =	vsel vm0, $0x3E0118EF, v1  }
0x140: {  	v52 =	vld [tilespmem:s18+$0x6980];
	v15 =	vsel vm2, $0x3E8F0969, v3;
	vm2 =	vgt.f32 v19, v20;
	vm3 =	vgt.f32 v11, v9  }
0x141: {  	v53 =	vld [tilespmem:s18+$0x6900];
	vm0 =	vgt.f32 v13, v12;
	v11 =	vsel vm3, v11, v9;
	v9 =	vsel vm1, $0x3E79EE9A, v2  }
0x142: {  	v54 =	vld [tilespmem:s18+$0x6A80];
	v12 =	vsel vm0, v13, v12;
	v10 =	vsel vm3, v14, v10;
	v14 =	vsel vm2, $0x3E62A0E6, v5  }
0x143: {  	v55 =	vld [tilespmem:s18+$0x6A00];
	vm3 =	vgt.f32 v23, v24;
	v9 =	vsel vm0, v15, v9;
	vm1 =	vgt.f32 v12, v11  }
0x144: {  	v60 =	vld [tilespmem:s18+$0x5900];
	vm0 =	vgt.f32 v17, v18;
	v15 =	vsel vm2, v19, v20;
	vm2 =	vgt.f32 v21, v22  }
0x145: {  	v61 =	vld [tilespmem:s18+$0x5A80];
	v19 =	vsel vm3, v23, v24;
	v9 =	vsel vm1, v9, v10;
	v13 =	vsel vm0, v17, v18  }
0x146: {  	v62 =	vld [tilespmem:s18+$0x5B00];
	v10 =	vsel vm0, $0x3F800000, v4;
	v16 =	vsel vm2, v21, v22;
	v11 =	vsel vm1, v12, v11  }
0x147: {  	v45 =	vld [tilespmem:s18+$0x4080];
	v12 =	vsel vm2, $0x3E398228, v7;
	vm2 =	vgt.f32 v25, v26;
	vm4 =	vgt.f32 v15, v13  }
0x148: {  	v46 =	vld [tilespmem:s18+$0x4000];
	vm0 =	vgt.f32 v19, v16;
	v23 =	vsel vm2, $0x3DC1D5F2, v0;
	v10 =	vsel vm4, v14, v10  }
0x149: {  	v20 =	vld [tilespmem:s18+$0x5080];
	v13 =	vsel vm4, v15, v13;
	v14 =	vsel vm0, v19, v16;
	v15 =	vsel vm3, $0x3D6007BF, v8  }
0x14a: {  	v17 =	vld [tilespmem:s18+$0x6B80];
	v16 =	vsel vm2, v25, v26;
	vm2 =	vgt.f32 v27, v28;
	vm3 =	vgt.f32 v29, v30  }
0x14b: {  	v18 =	vld [tilespmem:s18+$0x6B00];
	vm4 =	vgt.f32 v31, v49;
	vm1 =	vgt.f32 v14, v13;
	v25 =	vsel vm2, v27, v28  }
0x14c: {  	v21 =	vld [tilespmem:s18+$0x5000];
	v27 =	vsel vm3, v29, v30;
	v28 =	vsel vm4, v31, v49;
	v30 =	vsel vm2, $0x3E0118EF, v1  }
0x14d: {  	v24 =	vld [tilespmem:s18+$0x5280];
	v56 =	vsel vm4, $0x3E8F0969, v3;
	vm4 =	vgt.f32 v52, v53;
	vm5 =	vgt.f32 v25, v16  }
0x14e: {  	v22 =	vld [tilespmem:s18+$0x5100];
	vm2 =	vgt.f32 v28, v27;
	v59 =	vsel vm4, $0x3E62A0E6, v5;
	v35 =	vsel vm4, v52, v53  }
0x14f: {  	v19 =	vld [tilespmem:s18+$0x5180];
	vm4 =	vgt.f32 v54, v55;
	v25 =	vsel vm5, v25, v16;
	v16 =	vsel vm3, $0x3E79EE9A, v2  }
0x150: {  	v26 =	vld [tilespmem:s18+$0x5200];
	v27 =	vsel vm2, v28, v27;
	v23 =	vsel vm5, v30, v23;
	vm5 =	vgt.f32 v17, v18  }
0x151: {  	s19 =	sor.u32 s26, s26;
	v29 =	vld [tilespmem:s18+$0x5380];
	v37 =	vsel vm4, v54, v55;
	v34 =	vsel vm4, $0x3E398228, v7;
	vm4 =	vgt.f32 v20, v21  }
0x152: {  	s19 =	sor.u32 $0x380, s19;
	v31 =	vld [tilespmem:s18+$0x5300];
	v16 =	vsel vm2, v56, v16;
	vm3 =	vgt.f32 v27, v25;
	vm2 =	vgt.f32 v50, v51  }
0x153: {  	v49 =	vld [tilespmem:s19+$0x4000];
	v17 =	vsel vm5, v17, v18;
	v63 =	vsel vm5, $0x3D6007BF, v8;
	v20 =	vsel vm4, v20, v21  }
0x154: {  	v52 =	vld [tilespmem:s18+$0x4980];
	v21 =	vsel vm4, $0x3DC1D5F2, v0;
	v16 =	vsel vm3, v16, v23;
	v57 =	vsel vm2, v50, v51  }
0x155: {  	v28 =	vld [tilespmem:s18+$0x5880];
	v58 =	vsel vm2, $0x3F800000, v4;
	vm2 =	vgt.f32 v17, v37;
	v25 =	vsel vm3, v27, v25  }
0x156: {  	v30 =	vld [tilespmem:s18+$0x5800];
	vm4 =	vgt.f32 v19, v22;
	vm5 =	vgt.f32 v24, v26;
	vm6 =	vgt.f32 v35, v57  }
0x157: {  	v55 =	vld [tilespmem:s18+$0x4A80];
	v17 =	vsel vm2, v17, v37;
	v19 =	vsel vm4, v19, v22;
	v24 =	vsel vm5, v24, v26  }
0x158: {  	v18 =	vld [tilespmem:s18+$0x5A00];
	v47 =	vsel vm5, $0x3E79EE9A, v2;
	v33 =	vsel vm6, v59, v58;
	v32 =	vsel vm6, v35, v57  }
0x159: {  	v23 =	vld [tilespmem:s18+$0x5980];
	vm6 =	vgt.f32 v29, v31;
	vm7 =	vgt.f32 v19, v20;
	vm3 =	vgt.f32 v17, v32  }
0x15a: {  	v27 =	vld [tilespmem:s18+$0x5B80];
	v26 =	vsel vm6, v29, v31;
	v31 =	vsel vm4, $0x3E0118EF, v1;
	v19 =	vsel vm7, v19, v20  }
0x15b: {  	v51 =	vld [tilespmem:s18+$0x4800];
	v48 =	vsel vm6, $0x3E8F0969, v3;
	vm5 =	vgt.f32 v28, v30;
	vm4 =	vgt.f32 v26, v24  }
0x15c: {  	v22 =	vld [tilespmem:s18+$0x4180];
	v21 =	vsel vm7, v31, v21;
	v28 =	vsel vm5, v28, v30;
	v30 =	vsel vm5, $0x3F800000, v4  }
0x15d: {  	v58 =	vld [tilespmem:s18+$0x4B80];
	vm5 =	vgt.f32 v61, v18;
	v24 =	vsel vm4, v26, v24;
	v31 =	vsel vm4, v48, v47  }
0x15e: {  	v29 =	vld [tilespmem:s18+$0x4100];
	vm6 =	vgt.f32 v23, v60;
	v18 =	vsel vm5, v61, v18;
	v53 =	vsel vm5, $0x3E398228, v7  }
0x15f: {  	v20 =	vld [tilespmem:s18+$0x4280];
	vm5 =	vgt.f32 v45, v46;
	vm4 =	vgt.f32 v24, v19;
	v23 =	vsel vm6, v23, v60  }
0x160: {  	v26 =	vld [tilespmem:s18+$0x4200];
	v50 =	vsel vm6, $0x3E62A0E6, v5;
	vm6 =	vgt.f32 v27, v62;
	v38 =	vsel vm5, v45, v46  }
0x161: {  	v21 =	vsel vm4, v31, v21;
	v31 =	vld [tilespmem:s18+$0x4300];
	v19 =	vsel vm4, v24, v19;
	vm4 =	vgt.f32 v23, v28  }
0x162: {  	v24 =	vld [tilespmem:s18+$0x4880];
	v27 =	vsel vm6, v27, v62;
	v54 =	vsel vm6, $0x3D6007BF, v8;
	v30 =	vsel vm4, v50, v30  }
0x163: {  	v23 =	vsel vm4, v23, v28;
	v28 =	vld [tilespmem:s18+$0x4900];
	vm4 =	vgt.f32 v27, v18;
	vm6 =	vgt.f32 v22, v29  }
0x164: {  	v56 =	vsel vm5, $0x3DC1D5F2, v0;
	v18 =	vsel vm4, v27, v18;
	v27 =	vld [tilespmem:s18+$0x4A00];
	v22 =	vsel vm6, v22, v29  }
0x165: {  	v57 =	vsel vm6, $0x3E0118EF, v1;
	v29 =	vld [tilespmem:s18+$0x4B00];
	vm6 =	vgt.f32 v20, v26;
	vm13 =	vgt.f32 v22, v38  }
0x166: {  	vm5 =	vgt.f32 v18, v23;
	v20 =	vsel vm6, v20, v26;
	v59 =	vsel vm6, $0x3E79EE9A, v2  }
0x167: {  	v22 =	vsel vm13, v22, v38;
	vm7 =	vgt.f32 v49, v31;
	vm6 =	vgt.f32 v24, v51  }
0x168: {  	v26 =	vsel vm7, v49, v31;
	v31 =	vsel vm13, v57, v56;
	v24 =	vsel vm6, v24, v51  }
0x169: {  	vm15 =	vgt.f32 v52, v28;
	vm14 =	vgt.f32 v26, v20;
	vm12 =	vgt.f32 v55, v27  }
0x16a: {  	vm13 =	vgt.f32 v58, v29;
	v20 =	vsel vm14, v26, v20;
	v26 =	vsel vm7, $0x3E8F0969, v3  }
0x16b: {  	v27 =	vsel vm12, v55, v27;
	vm7 =	vgt.f32 v20, v22;
	v26 =	vsel vm14, v26, v59  }
0x16c: {  	v20 =	vsel vm7, v20, v22;
	v22 =	vsel vm15, v52, v28;
	v28 =	vsel vm13, v58, v29  }
0x16d: {  	s18 =	simm.s32 $0x8000;
	v29 =	vsel vm6, $0x3F800000, v4;
	vm6 =	vgt.f32 v22, v24;
	vm14 =	vgt.f32 v28, v27  }
0x16e: {  	v60 =	vld [tilespmem:s18+$0x0];
	v61 =	vsel vm15, $0x3E62A0E6, v5;
	v22 =	vsel vm6, v22, v24;
	v24 =	vsel vm14, v28, v27  }
0x16f: {  	v27 =	vsel vm12, $0x3E398228, v7;
	v28 =	vsel vm13, $0x3D6007BF, v8;
	vm15 =	vgt.f32 v24, v22  }
0x170: {  	v29 =	vsel vm6, v61, v29;
	v27 =	vsel vm14, v28, v27;
	v22 =	vsel vm15, v24, v22  }
0x171: {  	v24 =	vsel vm7, v26, v31;
	v26 =	vsel vm15, v27, v29;
	vm6 =	vgt.f32 v22, v20  }
0x172: {  	v18 =	vsel vm5, v18, v23;
	v22 =	vsel vm4, v54, v53;
	v20 =	vsel vm6, v26, v24  }
0x173: {  	vm4 =	vgt.f32 v18, v19;
	v22 =	vsel vm5, v22, v30;
	v20 =	vadd.f32 v20, v60  }
0x174: {  	v17 =	vsel vm3, v17, v32;
	v19 =	vsel vm2, v63, v34;
	v18 =	vsel vm4, v22, v21  }
0x175: {  	vm2 =	vgt.f32 v17, v25;
	v19 =	vsel vm3, v19, v33;
	v18 =	vadd.f32 v18, v20  }
0x176: {  	v12 =	vsel vm0, v15, v12;
	v13 =	vsel vm1, v14, v13;
	v16 =	vsel vm2, v19, v16  }
0x177: {  	v10 =	vsel vm1, v12, v10;
	vm0 =	vgt.f32 v13, v11;
	v14 =	vadd.f32 v16, v18  }
0x178: {  	v9 =	vsel vm0, v10, v9  }
0x179: {  	s30 =	simm.s32 $0x10;
	s19 =	simm.s32 $0x80;
	v9 =	vadd.f32 v9, v14  }
0x17a: {  	s31 =	sand.u32 $0x70, s30;
	s22 =	sand.u32 $0x400, s19  }
0x17b: {  	s20 =	sor.u32 s31, s22;
	[tilespmem:s18+$0x0] =	vst v9  }
0x17c: {  	v9 =	vld [tilespmem:s20+$0x7080]  }
0x17d: {  	v10 =	vld [tilespmem:s20+$0x7000]  }
0x17e: {  	v11 =	vld [tilespmem:s20+$0x7180]  }
0x17f: {  	v12 =	vld [tilespmem:s20+$0x7100]  }
0x180: {  	v13 =	vld [tilespmem:s20+$0x7280]  }
0x181: {  	v14 =	vld [tilespmem:s20+$0x7200]  }
0x182: {  	v15 =	vld [tilespmem:s20+$0x7380]  }
0x183: {  	v16 =	vld [tilespmem:s20+$0x7300]  }
0x184: {  	v17 =	vld [tilespmem:s20+$0x7880]  }
0x185: {  	v18 =	vld [tilespmem:s20+$0x7800]  }
0x186: {  	v19 =	vld [tilespmem:s20+$0x7980]  }
0x187: {  	v20 =	vld [tilespmem:s20+$0x7900]  }
0x188: {  	v21 =	vld [tilespmem:s20+$0x7A80]  }
0x189: {  	v22 =	vld [tilespmem:s20+$0x7A00]  }
0x18a: {  	v23 =	vld [tilespmem:s20+$0x7B80]  }
0x18b: {  	v24 =	vld [tilespmem:s20+$0x7B00]  }
0x18c: {  	v25 =	vld [tilespmem:s20+$0x6080]  }
0x18d: {  	v26 =	vld [tilespmem:s20+$0x6000]  }
0x18e: {  	v27 =	vld [tilespmem:s20+$0x6180]  }
0x18f: {  	v28 =	vld [tilespmem:s20+$0x6100]  }
0x190: {  	v29 =	vld [tilespmem:s20+$0x6280]  }
0x191: {  	v30 =	vld [tilespmem:s20+$0x6200];
	vm0 =	vgt.f32 v9, v10  }
0x192: {  	v31 =	vld [tilespmem:s20+$0x6380];
	v9 =	vsel vm0, v9, v10;
	v10 =	vsel vm0, $0x3DC1D5F2, v0;
	vm0 =	vgt.f32 v11, v12  }
0x193: {  	v62 =	vld [tilespmem:s20+$0x6300];
	vm1 =	vgt.f32 v13, v14;
	vm2 =	vgt.f32 v15, v16;
	v11 =	vsel vm0, v11, v12  }
0x194: {  	v63 =	vld [tilespmem:s20+$0x6880];
	v12 =	vsel vm1, v13, v14;
	v13 =	vsel vm2, v15, v16;
	v14 =	vsel vm0, $0x3E0118EF, v1  }
0x195: {  	v45 =	vld [tilespmem:s20+$0x6800];
	v15 =	vsel vm2, $0x3E8F0969, v3;
	vm2 =	vgt.f32 v19, v20;
	vm3 =	vgt.f32 v11, v9  }
0x196: {  	v46 =	vld [tilespmem:s20+$0x6980];
	vm0 =	vgt.f32 v13, v12;
	v11 =	vsel vm3, v11, v9;
	v9 =	vsel vm1, $0x3E79EE9A, v2  }
0x197: {  	v47 =	vld [tilespmem:s20+$0x6900];
	v12 =	vsel vm0, v13, v12;
	v10 =	vsel vm3, v14, v10;
	v14 =	vsel vm2, $0x3E62A0E6, v5  }
0x198: {  	v48 =	vld [tilespmem:s20+$0x6A80];
	vm3 =	vgt.f32 v23, v24;
	v9 =	vsel vm0, v15, v9;
	vm1 =	vgt.f32 v12, v11  }
0x199: {  	v49 =	vld [tilespmem:s20+$0x6A00];
	vm0 =	vgt.f32 v17, v18;
	v15 =	vsel vm2, v19, v20;
	vm2 =	vgt.f32 v21, v22  }
0x19a: {  	v50 =	vld [tilespmem:s20+$0x5180];
	v19 =	vsel vm3, v23, v24;
	v9 =	vsel vm1, v9, v10;
	v13 =	vsel vm0, v17, v18  }
0x19b: {  	v51 =	vld [tilespmem:s20+$0x5100];
	v10 =	vsel vm0, $0x3F800000, v4;
	v16 =	vsel vm2, v21, v22;
	v11 =	vsel vm1, v12, v11  }
0x19c: {  	v52 =	vld [tilespmem:s20+$0x5880];
	v12 =	vsel vm2, $0x3E398228, v7;
	vm2 =	vgt.f32 v25, v26;
	vm4 =	vgt.f32 v15, v13  }
0x19d: {  	v53 =	vld [tilespmem:s20+$0x5980];
	vm0 =	vgt.f32 v19, v16;
	v10 =	vsel vm4, v14, v10;
	v13 =	vsel vm4, v15, v13  }
0x19e: {  	v54 =	vld [tilespmem:s20+$0x5900];
	v14 =	vsel vm0, v19, v16;
	v15 =	vsel vm3, $0x3D6007BF, v8;
	v16 =	vsel vm2, v25, v26  }
0x19f: {  	v17 =	vld [tilespmem:s20+$0x6B80];
	v19 =	vsel vm2, $0x3DC1D5F2, v0;
	vm2 =	vgt.f32 v27, v28;
	vm3 =	vgt.f32 v29, v30  }
0x1a0: {  	v18 =	vld [tilespmem:s20+$0x6B00];
	vm4 =	vgt.f32 v31, v62;
	vm1 =	vgt.f32 v14, v13;
	v20 =	vsel vm2, v27, v28  }
0x1a1: {  	v55 =	vld [tilespmem:s20+$0x5A80];
	v21 =	vsel vm3, v29, v30;
	v22 =	vsel vm4, v31, v62;
	v28 =	vsel vm2, $0x3E0118EF, v1  }
0x1a2: {  	v23 =	vld [tilespmem:s20+$0x5080];
	v30 =	vsel vm4, $0x3E8F0969, v3;
	vm4 =	vgt.f32 v46, v47;
	vm5 =	vgt.f32 v20, v16  }
0x1a3: {  	v24 =	vld [tilespmem:s20+$0x5000];
	vm2 =	vgt.f32 v22, v21;
	v31 =	vsel vm4, v46, v47;
	v20 =	vsel vm5, v20, v16  }
0x1a4: {  	v25 =	vld [tilespmem:s20+$0x5280];
	v16 =	vsel vm3, $0x3E79EE9A, v2;
	v21 =	vsel vm2, v22, v21;
	v19 =	vsel vm5, v28, v19  }
0x1a5: {  	v26 =	vld [tilespmem:s20+$0x5200];
	vm5 =	vgt.f32 v17, v18;
	v16 =	vsel vm2, v30, v16;
	vm3 =	vgt.f32 v21, v20  }
0x1a6: {  	v27 =	vld [tilespmem:s20+$0x5380];
	vm2 =	vgt.f32 v63, v45;
	v30 =	vsel vm4, $0x3E62A0E6, v5;
	vm4 =	vgt.f32 v48, v49  }
0x1a7: {  	v29 =	vld [tilespmem:s20+$0x5300];
	v57 =	vsel vm5, v17, v18;
	v16 =	vsel vm3, v16, v19;
	v22 =	vsel vm2, v63, v45  }
0x1a8: {  	v58 =	vld [tilespmem:s20+$0x5A00];
	v19 =	vsel vm2, $0x3F800000, v4;
	v56 =	vsel vm4, v48, v49;
	vm6 =	vgt.f32 v31, v22  }
0x1a9: {  	v59 =	vld [tilespmem:s20+$0x5B80];
	v18 =	vsel vm3, v21, v20;
	vm2 =	vgt.f32 v57, v56;
	v17 =	vsel vm6, v30, v19  }
0x1aa: {  	v60 =	vld [tilespmem:s20+$0x5B00];
	v19 =	vsel vm4, $0x3E398228, v7;
	v20 =	vsel vm6, v31, v22;
	v21 =	vsel vm2, v57, v56  }
0x1ab: {  	v32 =	vld [tilespmem:s20+$0x4280];
	vm4 =	vgt.f32 v23, v24;
	v22 =	vsel vm5, $0x3D6007BF, v8;
	vm5 =	vgt.f32 v25, v26  }
0x1ac: {  	s21 =	sor.u32 s19, s30;
	v28 =	vld [tilespmem:s20+$0x5800];
	vm6 =	vgt.f32 v27, v29;
	vm3 =	vgt.f32 v21, v20;
	v23 =	vsel vm4, v23, v24  }
0x1ad: {  	s21 =	sor.u32 $0x380, s21;
	v33 =	vld [tilespmem:s20+$0x4200];
	v24 =	vsel vm4, $0x3DC1D5F2, v0;
	vm4 =	vgt.f32 v50, v51;
	v25 =	vsel vm5, v25, v26  }
0x1ae: {  	v36 =	vld [tilespmem:s21+$0x4000];
	v26 =	vsel vm6, v27, v29;
	v62 =	vsel vm6, $0x3E8F0969, v3;
	v61 =	vsel vm4, v50, v51  }
0x1af: {  	v39 =	vld [tilespmem:s20+$0x4300];
	v27 =	vsel vm4, $0x3E0118EF, v1;
	vm4 =	vgt.f32 v26, v25;
	vm7 =	vgt.f32 v61, v23  }
0x1b0: {  	v46 =	vld [tilespmem:s20+$0x4080];
	vm6 =	vgt.f32 v53, v54;
	v25 =	vsel vm4, v26, v25;
	v29 =	vsel vm7, v61, v23  }
0x1b1: {  	v47 =	vld [tilespmem:s20+$0x4000];
	v23 =	vsel vm5, $0x3E79EE9A, v2;
	v24 =	vsel vm7, v27, v24;
	vm5 =	vgt.f32 v52, v28  }
0x1b2: {  	v30 =	vld [tilespmem:s20+$0x4180];
	v27 =	vsel vm6, v53, v54;
	v23 =	vsel vm4, v62, v23;
	vm4 =	vgt.f32 v25, v29  }
0x1b3: {  	v31 =	vld [tilespmem:s20+$0x4100];
	v26 =	vsel vm5, v52, v28;
	v28 =	vsel vm6, $0x3E62A0E6, v5;
	vm6 =	vgt.f32 v59, v60  }
0x1b4: {  	v34 =	vld [tilespmem:s20+$0x4880];
	v23 =	vsel vm4, v23, v24;
	v24 =	vsel vm4, v25, v29;
	v25 =	vsel vm5, $0x3F800000, v4  }
0x1b5: {  	v37 =	vld [tilespmem:s20+$0x4800];
	vm4 =	vgt.f32 v27, v26;
	vm5 =	vgt.f32 v55, v58;
	v63 =	vsel vm6, v59, v60  }
0x1b6: {  	v35 =	vld [tilespmem:s20+$0x4980];
	v25 =	vsel vm4, v28, v25;
	v29 =	vsel vm5, v55, v58;
	v26 =	vsel vm4, v27, v26  }
0x1b7: {  	v38 =	vld [tilespmem:s20+$0x4900];
	v27 =	vsel vm5, $0x3E398228, v7;
	v28 =	vsel vm6, $0x3D6007BF, v8;
	vm6 =	vgt.f32 v46, v47  }
0x1b8: {  	v40 =	vld [tilespmem:s20+$0x4A80];
	vm5 =	vgt.f32 v30, v31;
	vm4 =	vgt.f32 v63, v29;
	v42 =	vsel vm6, v46, v47  }
0x1b9: {  	v41 =	vld [tilespmem:s20+$0x4A00];
	s21 =	simm.s32 $0x20;
	v43 =	vsel vm6, $0x3DC1D5F2, v0;
	v44 =	vsel vm5, $0x3E0118EF, v1;
	v29 =	vsel vm4, v63, v29  }
.LBB2_5:
0x1ba: {  	p0 =	sne.s32 s21, $0xF0;
	v45 =	vld [tilespmem:s20+$0x4B80];
	v30 =	vsel vm5, v30, v31;
	vm6 =	vgt.f32 v32, v33;
	vm7 =	vgt.f32 v36, v39  }
0x1bb: {  	v31 =	vld [tilespmem:s20+$0x4B00];
	v32 =	vsel vm6, v32, v33;
	v33 =	vsel vm7, v36, v39;
	vm8 =	vgt.f32 v30, v42  }
0x1bc: {  	vm5 =	vgt.f32 v29, v26;
	v36 =	vsel vm8, v44, v43;
	vm9 =	vgt.f32 v33, v32  }
0x1bd: {  	v39 =	vsel vm6, $0x3E79EE9A, v2;
	v30 =	vsel vm8, v30, v42;
	v32 =	vsel vm9, v33, v32  }
0x1be: {  	vm6 =	vgt.f32 v34, v37;
	v33 =	vsel vm7, $0x3E8F0969, v3;
	vm7 =	vgt.f32 v32, v30  }
0x1bf: {  	v34 =	vsel vm6, v34, v37;
	v33 =	vsel vm9, v33, v39;
	v30 =	vsel vm7, v32, v30  }
0x1c0: {  	vm8 =	vgt.f32 v35, v38;
	vm9 =	vgt.f32 v40, v41;
	vm10 =	vgt.f32 v45, v31  }
0x1c1: {  	v32 =	vsel vm8, v35, v38;
	v35 =	vsel vm9, v40, v41;
	v31 =	vsel vm10, v45, v31  }
0x1c2: {  	s18 =	sadd.s32 $0x10, s18;
	v37 =	vsel vm6, $0x3F800000, v4;
	vm6 =	vgt.f32 v32, v34;
	vm11 =	vgt.f32 v31, v35  }
0x1c3: {  	v39 =	vsel vm8, $0x3E62A0E6, v5;
	v32 =	vsel vm6, v32, v34;
	v38 =	vld [tilespmem:s18+$0x0];
	v31 =	vsel vm11, v31, v35  }
0x1c4: {  	v34 =	vsel vm9, $0x3E398228, v7;
	v35 =	vsel vm10, $0x3D6007BF, v8;
	vm8 =	vgt.f32 v31, v32  }
0x1c5: {  	v37 =	vsel vm6, v39, v37;
	v34 =	vsel vm11, v35, v34;
	v31 =	vsel vm8, v31, v32  }
0x1c6: {  	v32 =	vsel vm7, v33, v36;
	v33 =	vsel vm8, v34, v37;
	vm6 =	vgt.f32 v31, v30  }
0x1c7: {  	v27 =	vsel vm4, v28, v27;
	v26 =	vsel vm5, v29, v26;
	v30 =	vsel vm6, v33, v32  }
0x1c8: {  	v25 =	vsel vm5, v27, v25;
	vm4 =	vgt.f32 v26, v24;
	v28 =	vadd.f32 v30, v38  }
0x1c9: {  	v19 =	vsel vm2, v22, v19;
	v20 =	vsel vm3, v21, v20;
	v23 =	vsel vm4, v25, v23  }
0x1ca: {  	v17 =	vsel vm3, v19, v17;
	vm2 =	vgt.f32 v20, v18;
	v21 =	vadd.f32 v23, v28  }
0x1cb: {  	v12 =	vsel vm0, v15, v12;
	v13 =	vsel vm1, v14, v13;
	v16 =	vsel vm2, v17, v16  }
0x1cc: {  	v10 =	vsel vm1, v12, v10;
	vm0 =	vgt.f32 v13, v11;
	v14 =	vadd.f32 v16, v21  }
0x1cd: {  	v9 =	vsel vm0, v10, v9  }
0x1ce: {  	s19 =	sadd.s32 $0x80, s19;
	v9 =	vadd.f32 v9, v14  }
0x1cf: {  	s20 =	sand.u32 $0x70, s21;
	s22 =	sand.u32 $0x400, s19  }
0x1d0: {  	s20 =	sor.u32 s20, s22;
	[tilespmem:s18+$0x0] =	vst v9  }
0x1d1: {  	v9 =	vld [tilespmem:s20+$0x7080]  }
0x1d2: {  	v10 =	vld [tilespmem:s20+$0x7000]  }
0x1d3: {  	v11 =	vld [tilespmem:s20+$0x7180]  }
0x1d4: {  	v12 =	vld [tilespmem:s20+$0x7100]  }
0x1d5: {  	v13 =	vld [tilespmem:s20+$0x7280]  }
0x1d6: {  	v14 =	vld [tilespmem:s20+$0x7200]  }
0x1d7: {  	v15 =	vld [tilespmem:s20+$0x7380]  }
0x1d8: {  	v16 =	vld [tilespmem:s20+$0x7300]  }
0x1d9: {  	v17 =	vld [tilespmem:s20+$0x7880]  }
0x1da: {  	v18 =	vld [tilespmem:s20+$0x7800]  }
0x1db: {  	v19 =	vld [tilespmem:s20+$0x7980]  }
0x1dc: {  	v20 =	vld [tilespmem:s20+$0x7900]  }
0x1dd: {  	v21 =	vld [tilespmem:s20+$0x7A80]  }
0x1de: {  	v22 =	vld [tilespmem:s20+$0x7A00]  }
0x1df: {  	v23 =	vld [tilespmem:s20+$0x7B80]  }
0x1e0: {  	v24 =	vld [tilespmem:s20+$0x7B00]  }
0x1e1: {  	v25 =	vld [tilespmem:s20+$0x6080]  }
0x1e2: {  	v26 =	vld [tilespmem:s20+$0x6000]  }
0x1e3: {  	v27 =	vld [tilespmem:s20+$0x6180]  }
0x1e4: {  	v28 =	vld [tilespmem:s20+$0x6100]  }
0x1e5: {  	v29 =	vld [tilespmem:s20+$0x6280]  }
0x1e6: {  	vm0 =	vgt.f32 v9, v10;
	v30 =	vld [tilespmem:s20+$0x6200]  }
0x1e7: {  	v9 =	vsel vm0, v9, v10;
	v10 =	vsel vm0, $0x3DC1D5F2, v0;
	vm0 =	vgt.f32 v11, v12;
	v31 =	vld [tilespmem:s20+$0x6380]  }
0x1e8: {  	v11 =	vsel vm0, v11, v12;
	vm1 =	vgt.f32 v13, v14;
	vm2 =	vgt.f32 v15, v16;
	v32 =	vld [tilespmem:s20+$0x6300]  }
0x1e9: {  	vm3 =	vgt.f32 v11, v9;
	v12 =	vsel vm1, v13, v14;
	v13 =	vsel vm2, v15, v16;
	v33 =	vld [tilespmem:s20+$0x6880]  }
0x1ea: {  	v14 =	vsel vm0, $0x3E0118EF, v1;
	v11 =	vsel vm3, v11, v9;
	vm0 =	vgt.f32 v13, v12;
	v34 =	vld [tilespmem:s20+$0x6800]  }
0x1eb: {  	v9 =	vsel vm1, $0x3E79EE9A, v2;
	v15 =	vsel vm2, $0x3E8F0969, v3;
	v12 =	vsel vm0, v13, v12;
	v35 =	vld [tilespmem:s20+$0x6980]  }
0x1ec: {  	v10 =	vsel vm3, v14, v10;
	v9 =	vsel vm0, v15, v9;
	vm1 =	vgt.f32 v12, v11;
	v36 =	vld [tilespmem:s20+$0x6900]  }
0x1ed: {  	vm0 =	vgt.f32 v17, v18;
	vm2 =	vgt.f32 v19, v20;
	v9 =	vsel vm1, v9, v10;
	v37 =	vld [tilespmem:s20+$0x6A80]  }
0x1ee: {  	v13 =	vsel vm0, v17, v18;
	v10 =	vsel vm0, $0x3F800000, v4;
	v14 =	vsel vm2, $0x3E62A0E6, v5;
	v38 =	vld [tilespmem:s20+$0x6A00]  }
0x1ef: {  	v15 =	vsel vm2, v19, v20;
	vm2 =	vgt.f32 v21, v22;
	vm3 =	vgt.f32 v23, v24;
	v17 =	vld [tilespmem:s20+$0x6B80]  }
0x1f0: {  	vm4 =	vgt.f32 v15, v13;
	v16 =	vsel vm2, v21, v22;
	v19 =	vsel vm3, v23, v24;
	v18 =	vld [tilespmem:s20+$0x6B00]  }
0x1f1: {  	v11 =	vsel vm1, v12, v11;
	v10 =	vsel vm4, v14, v10;
	vm0 =	vgt.f32 v19, v16;
	v23 =	vld [tilespmem:s20+$0x5080]  }
0x1f2: {  	v12 =	vsel vm2, $0x3E398228, v7;
	v13 =	vsel vm4, v15, v13;
	v14 =	vsel vm0, v19, v16;
	v24 =	vld [tilespmem:s20+$0x5000]  }
0x1f3: {  	v15 =	vsel vm3, $0x3D6007BF, v8;
	vm2 =	vgt.f32 v25, v26;
	vm1 =	vgt.f32 v14, v13;
	v39 =	vld [tilespmem:s20+$0x5180]  }
0x1f4: {  	v16 =	vsel vm2, v25, v26;
	v19 =	vsel vm2, $0x3DC1D5F2, v0;
	vm2 =	vgt.f32 v27, v28;
	v40 =	vld [tilespmem:s20+$0x5100]  }
0x1f5: {  	v20 =	vsel vm2, v27, v28;
	vm3 =	vgt.f32 v29, v30;
	vm4 =	vgt.f32 v31, v32;
	v25 =	vld [tilespmem:s20+$0x5280]  }
0x1f6: {  	vm5 =	vgt.f32 v20, v16;
	v21 =	vsel vm3, v29, v30;
	v22 =	vsel vm4, v31, v32;
	v26 =	vld [tilespmem:s20+$0x5200]  }
0x1f7: {  	v28 =	vsel vm2, $0x3E0118EF, v1;
	v20 =	vsel vm5, v20, v16;
	vm2 =	vgt.f32 v22, v21;
	v27 =	vld [tilespmem:s20+$0x5380]  }
0x1f8: {  	v16 =	vsel vm3, $0x3E79EE9A, v2;
	v30 =	vsel vm4, $0x3E8F0969, v3;
	v21 =	vsel vm2, v22, v21;
	v29 =	vld [tilespmem:s20+$0x5300]  }
0x1f9: {  	v19 =	vsel vm5, v28, v19;
	v16 =	vsel vm2, v30, v16;
	vm3 =	vgt.f32 v21, v20;
	v41 =	vld [tilespmem:s20+$0x5880]  }
0x1fa: {  	vm2 =	vgt.f32 v33, v34;
	vm4 =	vgt.f32 v35, v36;
	v16 =	vsel vm3, v16, v19;
	v28 =	vld [tilespmem:s20+$0x5800]  }
0x1fb: {  	v22 =	vsel vm2, v33, v34;
	v19 =	vsel vm2, $0x3F800000, v4;
	v30 =	vsel vm4, $0x3E62A0E6, v5;
	v42 =	vld [tilespmem:s20+$0x5980]  }
0x1fc: {  	v31 =	vsel vm4, v35, v36;
	vm4 =	vgt.f32 v37, v38;
	vm5 =	vgt.f32 v17, v18;
	v34 =	vld [tilespmem:s20+$0x5900]  }
0x1fd: {  	vm6 =	vgt.f32 v31, v22;
	v32 =	vsel vm4, v37, v38;
	v33 =	vsel vm5, v17, v18;
	v43 =	vld [tilespmem:s20+$0x5A80]  }
0x1fe: {  	v17 =	vsel vm6, v30, v19;
	v18 =	vsel vm3, v21, v20;
	vm2 =	vgt.f32 v33, v32;
	v38 =	vld [tilespmem:s20+$0x5A00]  }
0x1ff: {  	v19 =	vsel vm4, $0x3E398228, v7;
	v20 =	vsel vm6, v31, v22;
	v21 =	vsel vm2, v33, v32;
	v44 =	vld [tilespmem:s20+$0x5B80]  }
0x200: {  	v22 =	vsel vm5, $0x3D6007BF, v8;
	vm4 =	vgt.f32 v23, v24;
	vm3 =	vgt.f32 v21, v20;
	v45 =	vld [tilespmem:s20+$0x5B00]  }
0x201: {  	v23 =	vsel vm4, v23, v24;
	v24 =	vsel vm4, $0x3DC1D5F2, v0;
	vm4 =	vgt.f32 v39, v40;
	v46 =	vld [tilespmem:s20+$0x4080]  }
0x202: {  	v32 =	vsel vm4, v39, v40;
	vm5 =	vgt.f32 v25, v26;
	vm6 =	vgt.f32 v27, v29;
	v47 =	vld [tilespmem:s20+$0x4000]  }
0x203: {  	vm7 =	vgt.f32 v32, v23;
	v25 =	vsel vm5, v25, v26;
	v26 =	vsel vm6, v27, v29;
	v30 =	vld [tilespmem:s20+$0x4180]  }
0x204: {  	v27 =	vsel vm4, $0x3E0118EF, v1;
	v29 =	vsel vm7, v32, v23;
	vm4 =	vgt.f32 v26, v25;
	v31 =	vld [tilespmem:s20+$0x4100]  }
0x205: {  	s22 =	sor.u32 s19, s21;
	v23 =	vsel vm5, $0x3E79EE9A, v2;
	v35 =	vsel vm6, $0x3E8F0969, v3;
	v25 =	vsel vm4, v26, v25;
	v32 =	vld [tilespmem:s20+$0x4280]  }
0x206: {  	s22 =	sor.u32 $0x380, s22;
	v24 =	vsel vm7, v27, v24;
	v23 =	vsel vm4, v35, v23;
	vm4 =	vgt.f32 v25, v29;
	v33 =	vld [tilespmem:s20+$0x4200]  }
0x207: {  	vm5 =	vgt.f32 v41, v28;
	vm6 =	vgt.f32 v42, v34;
	v23 =	vsel vm4, v23, v24;
	v36 =	vld [tilespmem:s22+$0x4000]  }
0x208: {  	v26 =	vsel vm5, v41, v28;
	v27 =	vsel vm6, v42, v34;
	v24 =	vsel vm4, v25, v29;
	v39 =	vld [tilespmem:s20+$0x4300]  }
0x209: {  	v25 =	vsel vm5, $0x3F800000, v4;
	v28 =	vsel vm6, $0x3E62A0E6, v5;
	vm4 =	vgt.f32 v27, v26;
	v34 =	vld [tilespmem:s20+$0x4880]  }
.Ltmp1:
0x20a: {  	vm5 =	vgt.f32 v43, v38;
	v25 =	vsel vm4, v28, v25;
	vm6 =	vgt.f32 v44, v45;
	v37 =	vld [tilespmem:s20+$0x4800];
	(pc) =	sbr.rel @p0 .LBB2_5-.Ltmp1, $4  }
0x20b: {  	v29 =	vsel vm5, v43, v38;
	v26 =	vsel vm4, v27, v26;
	v41 =	vsel vm6, v44, v45;
	v35 =	vld [tilespmem:s20+$0x4980]  }
0x20c: {  	v27 =	vsel vm5, $0x3E398228, v7;
	v28 =	vsel vm6, $0x3D6007BF, v8;
	vm4 =	vgt.f32 v41, v29;
	v38 =	vld [tilespmem:s20+$0x4900]  }
0x20d: {  	vm6 =	vgt.f32 v46, v47;
	v29 =	vsel vm4, v41, v29;
	vm5 =	vgt.f32 v30, v31;
	v40 =	vld [tilespmem:s20+$0x4A80]  }
0x20e: {  	s21 =	sadd.s32 $0x10, s21;
	v42 =	vsel vm6, v46, v47;
	v43 =	vsel vm6, $0x3DC1D5F2, v0;
	v44 =	vsel vm5, $0x3E0118EF, v1;
	v41 =	vld [tilespmem:s20+$0x4A00]  }
0x20f: {  	v45 =	vld [tilespmem:s20+$0x4B80];
	v30 =	vsel vm5, v30, v31;
	vm6 =	vgt.f32 v32, v33;
	vm7 =	vgt.f32 v36, v39  }
0x210: {  	v47 =	vld [tilespmem:s20+$0x4B00];
	vm5 =	vgt.f32 v29, v26;
	vm15 =	vgt.f32 v34, v37;
	v32 =	vsel vm6, v32, v33  }
0x211: {  	v48 =	vsel vm7, v36, v39;
	vm8 =	vgt.f32 v30, v42;
	v50 =	vsel vm6, $0x3E79EE9A, v2  }
0x212: {  	v51 =	vsel vm7, $0x3E8F0969, v3;
	v34 =	vsel vm15, v34, v37;
	v54 =	vsel vm15, $0x3F800000, v4  }
0x213: {  	v49 =	vsel vm8, v44, v43;
	vm9 =	vgt.f32 v48, v32;
	v30 =	vsel vm8, v30, v42  }
0x214: {  	vm12 =	vgt.f32 v35, v38;
	v32 =	vsel vm9, v48, v32;
	v33 =	vsel vm9, v51, v50  }
0x215: {  	v52 =	vsel vm12, v35, v38;
	vm13 =	vgt.f32 v40, v41;
	vm10 =	vgt.f32 v45, v47  }
0x216: {  	v56 =	vsel vm12, $0x3E62A0E6, v5;
	v53 =	vsel vm13, v40, v41;
	v31 =	vsel vm10, v45, v47  }
0x217: {  	s18 =	sadd.s32 $0x10, s18;
	vm7 =	vgt.f32 v32, v30;
	vm14 =	vgt.f32 v52, v34;
	vm11 =	vgt.f32 v31, v53  }
0x218: {  	v55 =	vld [tilespmem:s18+$0x0];
	v30 =	vsel vm7, v32, v30;
	v32 =	vsel vm14, v52, v34;
	v31 =	vsel vm11, v31, v53  }
0x219: {  	v57 =	vsel vm13, $0x3E398228, v7;
	v58 =	vsel vm10, $0x3D6007BF, v8;
	vm15 =	vgt.f32 v31, v32  }
0x21a: {  	v37 =	vsel vm14, v56, v54;
	v34 =	vsel vm11, v58, v57;
	v31 =	vsel vm15, v31, v32  }
0x21b: {  	v59 =	vsel vm7, v33, v49;
	v60 =	vsel vm15, v34, v37;
	vm12 =	vgt.f32 v31, v30  }
0x21c: {  	v27 =	vsel vm4, v28, v27;
	v26 =	vsel vm5, v29, v26;
	v30 =	vsel vm12, v60, v59  }
0x21d: {  	v25 =	vsel vm5, v27, v25;
	vm13 =	vgt.f32 v26, v24;
	v61 =	vadd.f32 v30, v55  }
0x21e: {  	v19 =	vsel vm2, v22, v19;
	v20 =	vsel vm3, v21, v20;
	v23 =	vsel vm13, v25, v23  }
0x21f: {  	s17 =	sadd.s32 $0x1, s17;
	v17 =	vsel vm3, v19, v17;
	vm14 =	vgt.f32 v20, v18;
	v62 =	vadd.f32 v23, v61  }
0x220: {  	v12 =	vsel vm0, v15, v12;
	v13 =	vsel vm1, v14, v13;
	p0 =	sne.s32 s17, $0x19;
	v16 =	vsel vm14, v17, v16  }
.Ltmp2:
0x221: {  	v10 =	vsel vm1, v12, v10;
	vm15 =	vgt.f32 v13, v11;
	v63 =	vadd.f32 v16, v62;
	(pc) =	sbr.rel @p0 .LBB2_2-.Ltmp2, $3  }
0x222: {  	v9 =	vsel vm15, v10, v9  }
0x223: {  	v9 =	vadd.f32 v9, v63;
	_ =	sdelay $0x1  }
0x224: {  	[tilespmem:s18+$0x0] =	vst v9  }
0x225: {  	s16 =	sadd.s32 $0x1, s16  }
0x226: {  	p0 =	sne.s32 s16, s11  }
.Ltmp3:
0x227: {  	_ = 	snop;
	(pc) =	sbr.rel @p0 .LBB2_1-.Ltmp3, $4  }
0x228: {  	[hbm4b:s7+s2] =	stream.linear.scatter [tilespmem:s14], [sflag:$0x3], $0x100, $0x38;
	[tilespmem:$0x8100] =	vst v63  }
0x229: {  	_ =	swait.ge [sflag:s15], $0x100  }
0x22a: {  	[sflag:s15] =	ssyncset.done $0x0  }
0x22b: {  	[sflag:s15] =	ssyncadd.s32 $0xFFFFFF00  }
0x22c: {  	_ =	sfence.sel $0x180000  }
0x22d: {  	[bflag:$0x0] =	sbarrier.arrive $0xFFFF  }
0x22e: {  	p0 =	sne.s32 s1, $0x0;
	_ =	strace $0x90000047  }
0x22f: {  	s0 =	sadd.s32 @!p0 $0x100000, s0;
	[bflag:$0x2] =	sbarrier.arrive $0xFFFF  }
0x230: {  	[sflag:s0] =	ssyncadd.tile.s32 @!p0 $0x1;
	_ =	shalt  }
.Lfunc_end2:
_tile_overlayer_lowered:
.L_overlay_start_2:
0x231: {  	(tag) =	ssettag $0x2  }
0x232: {  	s0 =	rddreg [dreg:$0x0];
	s2 =	stileid.u32  }
0x233: {  	s1 =	rddreg [dreg:$0x1];
	p0 =	sne.s32 s2, $0x0  }
0x234: {  	s3 =	rddreg [dreg:$0x2];
	[bflag:$0x3] =	sbarrier.arrive $0xFFFF;
	s2 =	simm.s32 @!p0 $0x1C03  }
0x235: {  	[timem:s3], [sflag:s2] =	dma.local @!p0 [hbm:s0], s1  }
0x236: {  	s0 =	simm.s32 @!p0 $0x3  }
0x237: {  	_ =	swait.ge @!p0 [sflag:s0], s1  }
0x238: {  	s1 =	ssub.s32 @!p0 $0x0, s1;
	[sflag:s0] =	ssyncset.done @!p0 $0x0  }
0x239: {  	[sflag:s0] =	ssyncadd.s32 @!p0 s1  }
0x23a: {  	[bflag:$0x3] =	sbarrier.arrive $0xFFFF  }
0x23b: {  	_ =	shalt  }

</sc_bundles>
